<compile_context>
chip_gen: v7x
topology: tpu7x:2x2x1
jax: 0.10.2.dev20260603
libtpu: 0.0.44.dev20260713+nightly
codegen_flags: <defaults>
</compile_context>

<pallas_src>
import functools

import jax
import jax.numpy as jnp
from jax import lax
from jax.experimental import pallas as pl
from jax.experimental.pallas import tpu as pltpu
from jax.experimental.pallas import tpu_sc as plsc

B, H, D = 16384, 50, 32
NW = 32
BW = B // NW
GW = 128
K = BW // GW
NPAIR = H // 2

_mesh = plsc.VectorSubcoreMesh(core_axis_name="c", subcore_axis_name="s")


@functools.partial(
    pl.kernel,
    mesh=_mesh,
    out_type=jax.ShapeDtypeStruct((H, B, D), jnp.float32),
    compiler_params=pltpu.CompilerParams(
        needs_layout_passes=False, use_tc_tiling_on_sc=False
    ),
    scratch_types=[
        pltpu.VMEM((K, GW), jnp.int32),
        pltpu.VMEM((K, GW), jnp.int32),
        pltpu.VMEM((BW, D), jnp.float32),
        pltpu.VMEM((BW, D), jnp.float32),
        pltpu.SemaphoreType.DMA,
        pltpu.SemaphoreType.DMA,
        pltpu.SemaphoreType.DMA,
        pltpu.SemaphoreType.DMA,
    ],
)
def _emb(idx_hbm, table_hbm, out_hbm, idx_v0, idx_v1, rows_v0, rows_v1,
         sem_g0, sem_g1, sem_o0, sem_o1):
    wid = lax.axis_index("s") * 2 + lax.axis_index("c")
    idx_v = (idx_v0, idx_v1)
    rows_v = (rows_v0, rows_v1)
    sem_g = (sem_g0, sem_g1)
    sem_o = (sem_o0, sem_o1)

    def fire(b, h):
        pltpu.sync_copy(idx_hbm.at[h, pl.ds(wid * K, K)], idx_v[b])
        for j in range(K):
            pltpu.async_copy(
                table_hbm.at[idx_v[b].at[j]],
                rows_v[b].at[pl.ds(j * GW, GW)],
                sem_g[b],
            )

    def drain_gathers(b):
        for j in range(K):
            pltpu.make_async_copy(
                table_hbm.at[idx_v[b].at[j]],
                rows_v[b].at[pl.ds(j * GW, GW)],
                sem_g[b],
            ).wait()

    def out_fire(b, h):
        pltpu.async_copy(
            rows_v[b], out_hbm.at[h, pl.ds(wid * BW, BW)], sem_o[b]
        )

    def out_drain(b, h):
        pltpu.make_async_copy(
            rows_v[b], out_hbm.at[h, pl.ds(wid * BW, BW)], sem_o[b]
        ).wait()

    def process(b, h):
        def det_body(j, acc):
            a = acc
            for t in range(GW // 16):
                v = idx_v[b][j, pl.ds(t * 16, 16)]
                a = a + jnp.where(v == 0, 1, 0).astype(jnp.int32)
            return a

        acc = lax.fori_loop(0, K, det_body, jnp.zeros((16,), jnp.int32))
        any_pad = jnp.sum(acc) > 0

        drain_gathers(b)

        @pl.when(any_pad)
        def _mask_pass():
            def grp_body(g, carry2):
                vi = idx_v[b][g // (GW // 16), pl.ds((g % (GW // 16)) * 16, 16)]
                m = jnp.where(vi == 0, 0.0, 1.0).astype(jnp.float32)
                for r in range(16):
                    em = m.at[jnp.full((16,), r, jnp.int32)].get(
                        mode="promise_in_bounds"
                    )
                    row = g * 16 + r
                    for h2 in range(2):
                        cur = rows_v[b][row, pl.ds(h2 * 16, 16)]
                        rows_v[b][row, pl.ds(h2 * 16, 16)] = cur * em
                return carry2

            lax.fori_loop(0, BW // 16, grp_body, 0)

        out_fire(b, h)

    fire(0, 0)

    def pair_body(c2, carry):
        a = 2 * c2
        fire(1, a + 1)
        process(0, a)
        process(1, a + 1)
        out_drain(0, a)

        @pl.when(c2 < NPAIR - 1)
        def _():
            fire(0, a + 2)

        out_drain(1, a + 1)
        return carry

    lax.fori_loop(0, NPAIR, pair_body, 0)


def kernel(x, table):
    idx3d = jnp.transpose(x.astype(jnp.int32)).reshape(H, B // GW, GW)
    out_t = _emb(idx3d, table)
    return jnp.transpose(out_t, (1, 0, 2))

# --- scband reference (transcript-rebuilt; emitter-appended) ---
"""Pipeline reference for scband-embedding-62122406969885 (READ-ONLY COPY).

The authoritative reference and input builder live on the scoring server;
editing this copy changes nothing except your own understanding.
"""

import jax, jax.numpy as jnp
import numpy as np

VOCAB = 1000000
D_MODEL = 32
PAD = 0
BATCH = 16384
HIST = 50

def setup_inputs(seed: int = 0) -> dict:
    key = jax.random.key(seed)
    k1, k2 = jax.random.split(key)
    x = jax.random.randint(k1, (BATCH, HIST), 0, VOCAB, dtype=jnp.int64 if jax.config.jax_enable_x64 else jnp.int32)
    table = jax.random.normal(k2, (VOCAB, D_MODEL), dtype=jnp.float32) * 0.02
    return {"x": x, "table": table}

def reference(x, table):
    # Embedding lookup (nnx.Embedding with padding_idx=PAD):
    # gather rows, then zero out embeddings at the PAD index, which is
    # equivalent to the padding_idx behavior (PAD row contributes zeros
    # and receives no gradient).
    out = jnp.take(table, x, axis=0)  # [BATCH, HIST, D_MODEL]
    mask = (x != PAD)[..., None].astype(out.dtype)
    return out * mask

if __name__ == "__main__":
    import jax
    _d = setup_inputs()
    print(jax.jit(kernel)(*tuple(_d.values())))

</pallas_src>

<mosaic_0001>
#map = affine_map<(d0, d1) -> (0, 0, 0)>
#map1 = affine_map<(d0, d1) -> (0, 0)>
module attributes {stable_mosaic.version = 14 : i64} {
  func.func @_emb(%arg0: i32, %arg1: i32, %arg2: memref<50x128x128xi32, #tpu.memory_space<hbm>>, %arg3: memref<1000000x32xf32, #tpu.memory_space<hbm>>, %arg4: memref<50x16384x32xf32, #tpu.memory_space<hbm>>, %arg5: memref<4x128xi32, #tpu.memory_space<vmem>>, %arg6: memref<4x128xi32, #tpu.memory_space<vmem>>, %arg7: memref<512x32xf32, #tpu.memory_space<vmem>>, %arg8: memref<512x32xf32, #tpu.memory_space<vmem>>, %arg9: memref<!tpu.dma_semaphore, #tpu.memory_space<semaphore_mem>>, %arg10: memref<!tpu.dma_semaphore, #tpu.memory_space<semaphore_mem>>, %arg11: memref<!tpu.dma_semaphore, #tpu.memory_space<semaphore_mem>>, %arg12: memref<!tpu.dma_semaphore, #tpu.memory_space<semaphore_mem>>) attributes {dimension_semantics = [#tpu.dimension_semantics<core_parallel>, #tpu.dimension_semantics<subcore_parallel>], iteration_bounds = array<i64: 2, 16>, scalar_prefetch = 0 : i64, scratch_operands = 8 : i64, tpu.core_type = #tpu.core_type<sc_vector_subcore>, window_params = [{transform_indices = #map}, {transform_indices = #map1}, {transform_indices = #map}]} {
    %mul3A = arith.constant 2 : i32
    %mul3A_0 = arith.muli %arg1, %mul3A : i32
    %add3A = arith.addi %mul3A_0, %arg0 : i32
    %mul3A_1 = arith.constant 4 : i32
    %mul3A_2 = arith.muli %add3A, %mul3A_1 : i32
    %run_scoped3A = arith.constant 0 : i32
    "tpu.region"() ({
      %run_scoped3A_47 = tpu.sem_alloc : memref<!tpu.dma_semaphore, #tpu.memory_space<semaphore_mem>>
      %dma_start3A_48 = arith.constant 0 : i32
      %dma_start3A_49 = tpu.memref_slice %arg2[%run_scoped3A, %mul3A_2, %dma_start3A_48] : memref<50x128x128xi32, #tpu.memory_space<hbm>> -> memref<1x4x128xi32, #tpu.memory_space<hbm>>
      %dma_start3A_50 = tpu.memref_squeeze %dma_start3A_49 : memref<1x4x128xi32, #tpu.memory_space<hbm>> -> memref<4x128xi32, #tpu.memory_space<hbm>>
      %dma_start3A_51 = arith.constant 0 : i32
      %dma_start3A_52 = tpu.memref_slice %arg2[%run_scoped3A, %mul3A_2, %dma_start3A_51] : memref<50x128x128xi32, #tpu.memory_space<hbm>> -> memref<1x4x128xi32, #tpu.memory_space<hbm>>
      %dma_start3A_53 = tpu.memref_squeeze %dma_start3A_52 : memref<1x4x128xi32, #tpu.memory_space<hbm>> -> memref<4x128xi32, #tpu.memory_space<hbm>>
      tpu.enqueue_dma source(%dma_start3A_53 : memref<4x128xi32, #tpu.memory_space<hbm>>) target(%arg5 : memref<4x128xi32, #tpu.memory_space<vmem>>) target_semaphore(%run_scoped3A_47 : memref<!tpu.dma_semaphore, #tpu.memory_space<semaphore_mem>>)
      %dma_wait3A = arith.constant 0 : i32
      %dma_wait3A_54 = tpu.memref_slice %arg2[%run_scoped3A, %mul3A_2, %dma_wait3A] : memref<50x128x128xi32, #tpu.memory_space<hbm>> -> memref<1x4x128xi32, #tpu.memory_space<hbm>>
      %dma_wait3A_55 = tpu.memref_squeeze %dma_wait3A_54 : memref<1x4x128xi32, #tpu.memory_space<hbm>> -> memref<4x128xi32, #tpu.memory_space<hbm>>
      %dma_wait3A_56 = arith.constant 0 : i32
      %dma_wait3A_57 = tpu.memref_slice %arg2[%run_scoped3A, %mul3A_2, %dma_wait3A_56] : memref<50x128x128xi32, #tpu.memory_space<hbm>> -> memref<1x4x128xi32, #tpu.memory_space<hbm>>
      %dma_wait3A_58 = tpu.memref_squeeze %dma_wait3A_57 : memref<1x4x128xi32, #tpu.memory_space<hbm>> -> memref<4x128xi32, #tpu.memory_space<hbm>>
      tpu.wait_dma2 semaphore(%run_scoped3A_47 : memref<!tpu.dma_semaphore, #tpu.memory_space<semaphore_mem>>) src(%dma_wait3A_58 : memref<4x128xi32, #tpu.memory_space<hbm>>) dst(%arg5 : memref<4x128xi32, #tpu.memory_space<vmem>>)
      tpu.yield
    }) : () -> ()
    %dma_start3A = arith.constant 0 : i32
    %dma_start3A_3 = arith.constant 0 : i32
    %dma_start3A_4 = arith.constant 0 : i32
    %dma_start3A_5 = tpu.memref_slice %arg7[%dma_start3A_3, %dma_start3A_4] : memref<512x32xf32, #tpu.memory_space<vmem>> -> memref<128x32xf32, #tpu.memory_space<vmem>>
    %dma_start3A_6 = arith.constant 0 : i32
    %dma_start3A_7 = tpu.memref_slice %arg5[%dma_start3A, %dma_start3A_6] : memref<4x128xi32, #tpu.memory_space<vmem>> -> memref<1x128xi32, #tpu.memory_space<vmem>>
    %dma_start3A_8 = tpu.memref_squeeze %dma_start3A_7 : memref<1x128xi32, #tpu.memory_space<vmem>> -> memref<128xi32, #tpu.memory_space<vmem>>
    %dma_start3A_9 = arith.constant 0 : i32
    %dma_start3A_10 = arith.constant 0 : i32
    %dma_start3A_11 = tpu.memref_slice %arg3[%dma_start3A_9, %dma_start3A_10] : memref<1000000x32xf32, #tpu.memory_space<hbm>> -> memref<1000000x32xf32, #tpu.memory_space<hbm>>
    tpu.enqueue_indirect_dma source(%dma_start3A_11 : memref<1000000x32xf32, #tpu.memory_space<hbm>>) target(%dma_start3A_5 : memref<128x32xf32, #tpu.memory_space<vmem>>) offsets(%dma_start3A_8 : memref<128xi32, #tpu.memory_space<vmem>>) semaphore(%arg9 : memref<!tpu.dma_semaphore, #tpu.memory_space<semaphore_mem>>)
    %dma_start3A_12 = arith.constant 1 : i32
    %dma_start3A_13 = arith.constant 128 : i32
    %dma_start3A_14 = arith.constant 0 : i32
    %dma_start3A_15 = tpu.memref_slice %arg7[%dma_start3A_13, %dma_start3A_14] : memref<512x32xf32, #tpu.memory_space<vmem>> -> memref<128x32xf32, #tpu.memory_space<vmem>>
    %dma_start3A_16 = arith.constant 0 : i32
    %dma_start3A_17 = tpu.memref_slice %arg5[%dma_start3A_12, %dma_start3A_16] : memref<4x128xi32, #tpu.memory_space<vmem>> -> memref<1x128xi32, #tpu.memory_space<vmem>>
    %dma_start3A_18 = tpu.memref_squeeze %dma_start3A_17 : memref<1x128xi32, #tpu.memory_space<vmem>> -> memref<128xi32, #tpu.memory_space<vmem>>
    %dma_start3A_19 = arith.constant 0 : i32
    %dma_start3A_20 = arith.constant 0 : i32
    %dma_start3A_21 = tpu.memref_slice %arg3[%dma_start3A_19, %dma_start3A_20] : memref<1000000x32xf32, #tpu.memory_space<hbm>> -> memref<1000000x32xf32, #tpu.memory_space<hbm>>
    tpu.enqueue_indirect_dma source(%dma_start3A_21 : memref<1000000x32xf32, #tpu.memory_space<hbm>>) target(%dma_start3A_15 : memref<128x32xf32, #tpu.memory_space<vmem>>) offsets(%dma_start3A_18 : memref<128xi32, #tpu.memory_space<vmem>>) semaphore(%arg9 : memref<!tpu.dma_semaphore, #tpu.memory_space<semaphore_mem>>)
    %dma_start3A_22 = arith.constant 2 : i32
    %dma_start3A_23 = arith.constant 256 : i32
    %dma_start3A_24 = arith.constant 0 : i32
    %dma_start3A_25 = tpu.memref_slice %arg7[%dma_start3A_23, %dma_start3A_24] : memref<512x32xf32, #tpu.memory_space<vmem>> -> memref<128x32xf32, #tpu.memory_space<vmem>>
    %dma_start3A_26 = arith.constant 0 : i32
    %dma_start3A_27 = tpu.memref_slice %arg5[%dma_start3A_22, %dma_start3A_26] : memref<4x128xi32, #tpu.memory_space<vmem>> -> memref<1x128xi32, #tpu.memory_space<vmem>>
    %dma_start3A_28 = tpu.memref_squeeze %dma_start3A_27 : memref<1x128xi32, #tpu.memory_space<vmem>> -> memref<128xi32, #tpu.memory_space<vmem>>
    %dma_start3A_29 = arith.constant 0 : i32
    %dma_start3A_30 = arith.constant 0 : i32
    %dma_start3A_31 = tpu.memref_slice %arg3[%dma_start3A_29, %dma_start3A_30] : memref<1000000x32xf32, #tpu.memory_space<hbm>> -> memref<1000000x32xf32, #tpu.memory_space<hbm>>
    tpu.enqueue_indirect_dma source(%dma_start3A_31 : memref<1000000x32xf32, #tpu.memory_space<hbm>>) target(%dma_start3A_25 : memref<128x32xf32, #tpu.memory_space<vmem>>) offsets(%dma_start3A_28 : memref<128xi32, #tpu.memory_space<vmem>>) semaphore(%arg9 : memref<!tpu.dma_semaphore, #tpu.memory_space<semaphore_mem>>)
    %dma_start3A_32 = arith.constant 3 : i32
    %dma_start3A_33 = arith.constant 384 : i32
    %dma_start3A_34 = arith.constant 0 : i32
    %dma_start3A_35 = tpu.memref_slice %arg7[%dma_start3A_33, %dma_start3A_34] : memref<512x32xf32, #tpu.memory_space<vmem>> -> memref<128x32xf32, #tpu.memory_space<vmem>>
    %dma_start3A_36 = arith.constant 0 : i32
    %dma_start3A_37 = tpu.memref_slice %arg5[%dma_start3A_32, %dma_start3A_36] : memref<4x128xi32, #tpu.memory_space<vmem>> -> memref<1x128xi32, #tpu.memory_space<vmem>>
    %dma_start3A_38 = tpu.memref_squeeze %dma_start3A_37 : memref<1x128xi32, #tpu.memory_space<vmem>> -> memref<128xi32, #tpu.memory_space<vmem>>
    %dma_start3A_39 = arith.constant 0 : i32
    %dma_start3A_40 = arith.constant 0 : i32
    %dma_start3A_41 = tpu.memref_slice %arg3[%dma_start3A_39, %dma_start3A_40] : memref<1000000x32xf32, #tpu.memory_space<hbm>> -> memref<1000000x32xf32, #tpu.memory_space<hbm>>
    tpu.enqueue_indirect_dma source(%dma_start3A_41 : memref<1000000x32xf32, #tpu.memory_space<hbm>>) target(%dma_start3A_35 : memref<128x32xf32, #tpu.memory_space<vmem>>) offsets(%dma_start3A_38 : memref<128xi32, #tpu.memory_space<vmem>>) semaphore(%arg9 : memref<!tpu.dma_semaphore, #tpu.memory_space<semaphore_mem>>)
    %scan3A = arith.constant 0 : i32
    %scan3A_42 = arith.constant 0 : i32
    %scan3A_43 = arith.constant 25 : i32
    %scan3A_44 = arith.addi %scan3A_42, %scan3A_43 : i32
    %scan3A_45 = arith.constant 1 : i32
    scf.for %scan3A_47 = %scan3A_42 to %scan3A_44 step %scan3A_45  : i32 {
      %mul3A_48 = arith.constant 2 : i32
      %mul3A_49 = arith.muli %mul3A_48, %scan3A_47 : i32
      %add3A_50 = arith.constant 1 : i32
      %add3A_51 = arith.addi %mul3A_49, %add3A_50 : i32
      %mul3A_52 = arith.constant 4 : i32
      %mul3A_53 = arith.muli %add3A, %mul3A_52 : i32
      "tpu.region"() ({
        %run_scoped3A_242 = tpu.sem_alloc : memref<!tpu.dma_semaphore, #tpu.memory_space<semaphore_mem>>
        %dma_start3A_243 = arith.constant 0 : i32
        %dma_start3A_244 = tpu.memref_slice %arg2[%add3A_51, %mul3A_53, %dma_start3A_243] : memref<50x128x128xi32, #tpu.memory_space<hbm>> -> memref<1x4x128xi32, #tpu.memory_space<hbm>>
        %dma_start3A_245 = tpu.memref_squeeze %dma_start3A_244 : memref<1x4x128xi32, #tpu.memory_space<hbm>> -> memref<4x128xi32, #tpu.memory_space<hbm>>
        %dma_start3A_246 = arith.constant 0 : i32
        %dma_start3A_247 = tpu.memref_slice %arg2[%add3A_51, %mul3A_53, %dma_start3A_246] : memref<50x128x128xi32, #tpu.memory_space<hbm>> -> memref<1x4x128xi32, #tpu.memory_space<hbm>>
        %dma_start3A_248 = tpu.memref_squeeze %dma_start3A_247 : memref<1x4x128xi32, #tpu.memory_space<hbm>> -> memref<4x128xi32, #tpu.memory_space<hbm>>
        tpu.enqueue_dma source(%dma_start3A_248 : memref<4x128xi32, #tpu.memory_space<hbm>>) target(%arg6 : memref<4x128xi32, #tpu.memory_space<vmem>>) target_semaphore(%run_scoped3A_242 : memref<!tpu.dma_semaphore, #tpu.memory_space<semaphore_mem>>)
        %dma_wait3A_249 = arith.constant 0 : i32
        %dma_wait3A_250 = tpu.memref_slice %arg2[%add3A_51, %mul3A_53, %dma_wait3A_249] : memref<50x128x128xi32, #tpu.memory_space<hbm>> -> memref<1x4x128xi32, #tpu.memory_space<hbm>>
        %dma_wait3A_251 = tpu.memref_squeeze %dma_wait3A_250 : memref<1x4x128xi32, #tpu.memory_space<hbm>> -> memref<4x128xi32, #tpu.memory_space<hbm>>
        %dma_wait3A_252 = arith.constant 0 : i32
        %dma_wait3A_253 = tpu.memref_slice %arg2[%add3A_51, %mul3A_53, %dma_wait3A_252] : memref<50x128x128xi32, #tpu.memory_space<hbm>> -> memref<1x4x128xi32, #tpu.memory_space<hbm>>
        %dma_wait3A_254 = tpu.memref_squeeze %dma_wait3A_253 : memref<1x4x128xi32, #tpu.memory_space<hbm>> -> memref<4x128xi32, #tpu.memory_space<hbm>>
        tpu.wait_dma2 semaphore(%run_scoped3A_242 : memref<!tpu.dma_semaphore, #tpu.memory_space<semaphore_mem>>) src(%dma_wait3A_254 : memref<4x128xi32, #tpu.memory_space<hbm>>) dst(%arg6 : memref<4x128xi32, #tpu.memory_space<vmem>>)
        tpu.yield
      }) : () -> ()
      %dma_start3A_54 = arith.constant 0 : i32
      %dma_start3A_55 = arith.constant 0 : i32
      %dma_start3A_56 = arith.constant 0 : i32
      %dma_start3A_57 = tpu.memref_slice %arg8[%dma_start3A_55, %dma_start3A_56] : memref<512x32xf32, #tpu.memory_space<vmem>> -> memref<128x32xf32, #tpu.memory_space<vmem>>
      %dma_start3A_58 = arith.constant 0 : i32
      %dma_start3A_59 = tpu.memref_slice %arg6[%dma_start3A_54, %dma_start3A_58] : memref<4x128xi32, #tpu.memory_space<vmem>> -> memref<1x128xi32, #tpu.memory_space<vmem>>
      %dma_start3A_60 = tpu.memref_squeeze %dma_start3A_59 : memref<1x128xi32, #tpu.memory_space<vmem>> -> memref<128xi32, #tpu.memory_space<vmem>>
      %dma_start3A_61 = arith.constant 0 : i32
      %dma_start3A_62 = arith.constant 0 : i32
      %dma_start3A_63 = tpu.memref_slice %arg3[%dma_start3A_61, %dma_start3A_62] : memref<1000000x32xf32, #tpu.memory_space<hbm>> -> memref<1000000x32xf32, #tpu.memory_space<hbm>>
      tpu.enqueue_indirect_dma source(%dma_start3A_63 : memref<1000000x32xf32, #tpu.memory_space<hbm>>) target(%dma_start3A_57 : memref<128x32xf32, #tpu.memory_space<vmem>>) offsets(%dma_start3A_60 : memref<128xi32, #tpu.memory_space<vmem>>) semaphore(%arg10 : memref<!tpu.dma_semaphore, #tpu.memory_space<semaphore_mem>>)
      %dma_start3A_64 = arith.constant 1 : i32
      %dma_start3A_65 = arith.constant 128 : i32
      %dma_start3A_66 = arith.constant 0 : i32
      %dma_start3A_67 = tpu.memref_slice %arg8[%dma_start3A_65, %dma_start3A_66] : memref<512x32xf32, #tpu.memory_space<vmem>> -> memref<128x32xf32, #tpu.memory_space<vmem>>
      %dma_start3A_68 = arith.constant 0 : i32
      %dma_start3A_69 = tpu.memref_slice %arg6[%dma_start3A_64, %dma_start3A_68] : memref<4x128xi32, #tpu.memory_space<vmem>> -> memref<1x128xi32, #tpu.memory_space<vmem>>
      %dma_start3A_70 = tpu.memref_squeeze %dma_start3A_69 : memref<1x128xi32, #tpu.memory_space<vmem>> -> memref<128xi32, #tpu.memory_space<vmem>>
      %dma_start3A_71 = arith.constant 0 : i32
      %dma_start3A_72 = arith.constant 0 : i32
      %dma_start3A_73 = tpu.memref_slice %arg3[%dma_start3A_71, %dma_start3A_72] : memref<1000000x32xf32, #tpu.memory_space<hbm>> -> memref<1000000x32xf32, #tpu.memory_space<hbm>>
      tpu.enqueue_indirect_dma source(%dma_start3A_73 : memref<1000000x32xf32, #tpu.memory_space<hbm>>) target(%dma_start3A_67 : memref<128x32xf32, #tpu.memory_space<vmem>>) offsets(%dma_start3A_70 : memref<128xi32, #tpu.memory_space<vmem>>) semaphore(%arg10 : memref<!tpu.dma_semaphore, #tpu.memory_space<semaphore_mem>>)
      %dma_start3A_74 = arith.constant 2 : i32
      %dma_start3A_75 = arith.constant 256 : i32
      %dma_start3A_76 = arith.constant 0 : i32
      %dma_start3A_77 = tpu.memref_slice %arg8[%dma_start3A_75, %dma_start3A_76] : memref<512x32xf32, #tpu.memory_space<vmem>> -> memref<128x32xf32, #tpu.memory_space<vmem>>
      %dma_start3A_78 = arith.constant 0 : i32
      %dma_start3A_79 = tpu.memref_slice %arg6[%dma_start3A_74, %dma_start3A_78] : memref<4x128xi32, #tpu.memory_space<vmem>> -> memref<1x128xi32, #tpu.memory_space<vmem>>
      %dma_start3A_80 = tpu.memref_squeeze %dma_start3A_79 : memref<1x128xi32, #tpu.memory_space<vmem>> -> memref<128xi32, #tpu.memory_space<vmem>>
      %dma_start3A_81 = arith.constant 0 : i32
      %dma_start3A_82 = arith.constant 0 : i32
      %dma_start3A_83 = tpu.memref_slice %arg3[%dma_start3A_81, %dma_start3A_82] : memref<1000000x32xf32, #tpu.memory_space<hbm>> -> memref<1000000x32xf32, #tpu.memory_space<hbm>>
      tpu.enqueue_indirect_dma source(%dma_start3A_83 : memref<1000000x32xf32, #tpu.memory_space<hbm>>) target(%dma_start3A_77 : memref<128x32xf32, #tpu.memory_space<vmem>>) offsets(%dma_start3A_80 : memref<128xi32, #tpu.memory_space<vmem>>) semaphore(%arg10 : memref<!tpu.dma_semaphore, #tpu.memory_space<semaphore_mem>>)
      %dma_start3A_84 = arith.constant 3 : i32
      %dma_start3A_85 = arith.constant 384 : i32
      %dma_start3A_86 = arith.constant 0 : i32
      %dma_start3A_87 = tpu.memref_slice %arg8[%dma_start3A_85, %dma_start3A_86] : memref<512x32xf32, #tpu.memory_space<vmem>> -> memref<128x32xf32, #tpu.memory_space<vmem>>
      %dma_start3A_88 = arith.constant 0 : i32
      %dma_start3A_89 = tpu.memref_slice %arg6[%dma_start3A_84, %dma_start3A_88] : memref<4x128xi32, #tpu.memory_space<vmem>> -> memref<1x128xi32, #tpu.memory_space<vmem>>
      %dma_start3A_90 = tpu.memref_squeeze %dma_start3A_89 : memref<1x128xi32, #tpu.memory_space<vmem>> -> memref<128xi32, #tpu.memory_space<vmem>>
      %dma_start3A_91 = arith.constant 0 : i32
      %dma_start3A_92 = arith.constant 0 : i32
      %dma_start3A_93 = tpu.memref_slice %arg3[%dma_start3A_91, %dma_start3A_92] : memref<1000000x32xf32, #tpu.memory_space<hbm>> -> memref<1000000x32xf32, #tpu.memory_space<hbm>>
      tpu.enqueue_indirect_dma source(%dma_start3A_93 : memref<1000000x32xf32, #tpu.memory_space<hbm>>) target(%dma_start3A_87 : memref<128x32xf32, #tpu.memory_space<vmem>>) offsets(%dma_start3A_90 : memref<128xi32, #tpu.memory_space<vmem>>) semaphore(%arg10 : memref<!tpu.dma_semaphore, #tpu.memory_space<semaphore_mem>>)
      %broadcast_in_dim3A = arith.constant 0 : i32
      %broadcast_in_dim3A_94 = vector.broadcast %broadcast_in_dim3A : i32 to vector<16xi32>
      %scan3A_95 = arith.constant 0 : i32
      %scan3A_96 = arith.constant 4 : i32
      %scan3A_97 = arith.addi %scan3A_95, %scan3A_96 : i32
      %scan3A_98 = arith.constant 1 : i32
      %scan3A_99 = scf.for %scan3A_242 = %scan3A_95 to %scan3A_97 step %scan3A_98 iter_args(%scan3A_243 = %broadcast_in_dim3A_94) -> (vector<16xi32>)  : i32 {
        %get3A = arith.index_cast %scan3A_242 : i32 to index
        %get3A_244 = arith.constant 0 : index
        %get3A_245 = tpu.vector_load %arg5[%get3A, %get3A_244] {strides = array<i32>} : memref<4x128xi32, #tpu.memory_space<vmem>>, vector<16xi32>,
        %eq3A = arith.constant 0 : i32
        %eq3A_246 = vector.broadcast %eq3A : i32 to vector<16xi32>
        %eq3A_247 = arith.cmpi eq, %get3A_245, %eq3A_246 : vector<16xi32>
        %jit3A = arith.constant 1 : i32
        %jit3A_248 = arith.constant 0 : i32
        %broadcast_in_dim3A_249 = vector.broadcast %jit3A : i32 to vector<16xi32>
        %broadcast_in_dim3A_250 = vector.broadcast %jit3A_248 : i32 to vector<16xi32>
        %select_n3A = arith.select %eq3A_247, %broadcast_in_dim3A_249, %broadcast_in_dim3A_250 : vector<16xi1>, vector<16xi32>
        %add3A_251 = arith.addi %scan3A_243, %select_n3A : vector<16xi32>
        %get3A_252 = arith.index_cast %scan3A_242 : i32 to index
        %get3A_253 = arith.constant 16 : index
        %get3A_254 = tpu.vector_load %arg5[%get3A_252, %get3A_253] {strides = array<i32>} : memref<4x128xi32, #tpu.memory_space<vmem>>, vector<16xi32>,
        %eq3A_255 = arith.constant 0 : i32
        %eq3A_256 = vector.broadcast %eq3A_255 : i32 to vector<16xi32>
        %eq3A_257 = arith.cmpi eq, %get3A_254, %eq3A_256 : vector<16xi32>
        %jit3A_258 = arith.constant 1 : i32
        %jit3A_259 = arith.constant 0 : i32
        %broadcast_in_dim3A_260 = vector.broadcast %jit3A_258 : i32 to vector<16xi32>
        %broadcast_in_dim3A_261 = vector.broadcast %jit3A_259 : i32 to vector<16xi32>
        %select_n3A_262 = arith.select %eq3A_257, %broadcast_in_dim3A_260, %broadcast_in_dim3A_261 : vector<16xi1>, vector<16xi32>
        %add3A_263 = arith.addi %add3A_251, %select_n3A_262 : vector<16xi32>
        %get3A_264 = arith.index_cast %scan3A_242 : i32 to index
        %get3A_265 = arith.constant 32 : index
        %get3A_266 = tpu.vector_load %arg5[%get3A_264, %get3A_265] {strides = array<i32>} : memref<4x128xi32, #tpu.memory_space<vmem>>, vector<16xi32>,
        %eq3A_267 = arith.constant 0 : i32
        %eq3A_268 = vector.broadcast %eq3A_267 : i32 to vector<16xi32>
        %eq3A_269 = arith.cmpi eq, %get3A_266, %eq3A_268 : vector<16xi32>
        %jit3A_270 = arith.constant 1 : i32
        %jit3A_271 = arith.constant 0 : i32
        %broadcast_in_dim3A_272 = vector.broadcast %jit3A_270 : i32 to vector<16xi32>
        %broadcast_in_dim3A_273 = vector.broadcast %jit3A_271 : i32 to vector<16xi32>
        %select_n3A_274 = arith.select %eq3A_269, %broadcast_in_dim3A_272, %broadcast_in_dim3A_273 : vector<16xi1>, vector<16xi32>
        %add3A_275 = arith.addi %add3A_263, %select_n3A_274 : vector<16xi32>
        %get3A_276 = arith.index_cast %scan3A_242 : i32 to index
        %get3A_277 = arith.constant 48 : index
        %get3A_278 = tpu.vector_load %arg5[%get3A_276, %get3A_277] {strides = array<i32>} : memref<4x128xi32, #tpu.memory_space<vmem>>, vector<16xi32>,
        %eq3A_279 = arith.constant 0 : i32
        %eq3A_280 = vector.broadcast %eq3A_279 : i32 to vector<16xi32>
        %eq3A_281 = arith.cmpi eq, %get3A_278, %eq3A_280 : vector<16xi32>
        %jit3A_282 = arith.constant 1 : i32
        %jit3A_283 = arith.constant 0 : i32
        %broadcast_in_dim3A_284 = vector.broadcast %jit3A_282 : i32 to vector<16xi32>
        %broadcast_in_dim3A_285 = vector.broadcast %jit3A_283 : i32 to vector<16xi32>
        %select_n3A_286 = arith.select %eq3A_281, %broadcast_in_dim3A_284, %broadcast_in_dim3A_285 : vector<16xi1>, vector<16xi32>
        %add3A_287 = arith.addi %add3A_275, %select_n3A_286 : vector<16xi32>
        %get3A_288 = arith.index_cast %scan3A_242 : i32 to index
        %get3A_289 = arith.constant 64 : index
        %get3A_290 = tpu.vector_load %arg5[%get3A_288, %get3A_289] {strides = array<i32>} : memref<4x128xi32, #tpu.memory_space<vmem>>, vector<16xi32>,
        %eq3A_291 = arith.constant 0 : i32
        %eq3A_292 = vector.broadcast %eq3A_291 : i32 to vector<16xi32>
        %eq3A_293 = arith.cmpi eq, %get3A_290, %eq3A_292 : vector<16xi32>
        %jit3A_294 = arith.constant 1 : i32
        %jit3A_295 = arith.constant 0 : i32
        %broadcast_in_dim3A_296 = vector.broadcast %jit3A_294 : i32 to vector<16xi32>
        %broadcast_in_dim3A_297 = vector.broadcast %jit3A_295 : i32 to vector<16xi32>
        %select_n3A_298 = arith.select %eq3A_293, %broadcast_in_dim3A_296, %broadcast_in_dim3A_297 : vector<16xi1>, vector<16xi32>
        %add3A_299 = arith.addi %add3A_287, %select_n3A_298 : vector<16xi32>
        %get3A_300 = arith.index_cast %scan3A_242 : i32 to index
        %get3A_301 = arith.constant 80 : index
        %get3A_302 = tpu.vector_load %arg5[%get3A_300, %get3A_301] {strides = array<i32>} : memref<4x128xi32, #tpu.memory_space<vmem>>, vector<16xi32>,
        %eq3A_303 = arith.constant 0 : i32
        %eq3A_304 = vector.broadcast %eq3A_303 : i32 to vector<16xi32>
        %eq3A_305 = arith.cmpi eq, %get3A_302, %eq3A_304 : vector<16xi32>
        %jit3A_306 = arith.constant 1 : i32
        %jit3A_307 = arith.constant 0 : i32
        %broadcast_in_dim3A_308 = vector.broadcast %jit3A_306 : i32 to vector<16xi32>
        %broadcast_in_dim3A_309 = vector.broadcast %jit3A_307 : i32 to vector<16xi32>
        %select_n3A_310 = arith.select %eq3A_305, %broadcast_in_dim3A_308, %broadcast_in_dim3A_309 : vector<16xi1>, vector<16xi32>
        %add3A_311 = arith.addi %add3A_299, %select_n3A_310 : vector<16xi32>
        %get3A_312 = arith.index_cast %scan3A_242 : i32 to index
        %get3A_313 = arith.constant 96 : index
        %get3A_314 = tpu.vector_load %arg5[%get3A_312, %get3A_313] {strides = array<i32>} : memref<4x128xi32, #tpu.memory_space<vmem>>, vector<16xi32>,
        %eq3A_315 = arith.constant 0 : i32
        %eq3A_316 = vector.broadcast %eq3A_315 : i32 to vector<16xi32>
        %eq3A_317 = arith.cmpi eq, %get3A_314, %eq3A_316 : vector<16xi32>
        %jit3A_318 = arith.constant 1 : i32
        %jit3A_319 = arith.constant 0 : i32
        %broadcast_in_dim3A_320 = vector.broadcast %jit3A_318 : i32 to vector<16xi32>
        %broadcast_in_dim3A_321 = vector.broadcast %jit3A_319 : i32 to vector<16xi32>
        %select_n3A_322 = arith.select %eq3A_317, %broadcast_in_dim3A_320, %broadcast_in_dim3A_321 : vector<16xi1>, vector<16xi32>
        %add3A_323 = arith.addi %add3A_311, %select_n3A_322 : vector<16xi32>
        %get3A_324 = arith.index_cast %scan3A_242 : i32 to index
        %get3A_325 = arith.constant 112 : index
        %get3A_326 = tpu.vector_load %arg5[%get3A_324, %get3A_325] {strides = array<i32>} : memref<4x128xi32, #tpu.memory_space<vmem>>, vector<16xi32>,
        %eq3A_327 = arith.constant 0 : i32
        %eq3A_328 = vector.broadcast %eq3A_327 : i32 to vector<16xi32>
        %eq3A_329 = arith.cmpi eq, %get3A_326, %eq3A_328 : vector<16xi32>
        %jit3A_330 = arith.constant 1 : i32
        %jit3A_331 = arith.constant 0 : i32
        %broadcast_in_dim3A_332 = vector.broadcast %jit3A_330 : i32 to vector<16xi32>
        %broadcast_in_dim3A_333 = vector.broadcast %jit3A_331 : i32 to vector<16xi32>
        %select_n3A_334 = arith.select %eq3A_329, %broadcast_in_dim3A_332, %broadcast_in_dim3A_333 : vector<16xi1>, vector<16xi32>
        %add3A_335 = arith.addi %add3A_323, %select_n3A_334 : vector<16xi32>
        scf.yield %add3A_335 : vector<16xi32>
      }
      %scan3A_100 = arith.constant 4 : i32
      %reduce_sum3A = arith.constant true
      %reduce_sum3A_101 = vector.broadcast %reduce_sum3A : i1 to vector<16xi1>
      %reduce_sum3A_102 = tpu.scan <sum>, %scan3A_99 masked %reduce_sum3A_101 : vector<16xi32>, vector<16xi1> -> vector<16xi32>
      %reduce_sum3A_103 = vector.extract %reduce_sum3A_102[15] : i32 from vector<16xi32>
      %gt3A = arith.constant 0 : i32
      %gt3A_104 = arith.cmpi sgt, %reduce_sum3A_103, %gt3A : i32
      %dma_wait3A = arith.constant 0 : i32
      %dma_wait3A_105 = arith.constant 0 : i32
      %dma_wait3A_106 = arith.constant 0 : i32
      %dma_wait3A_107 = tpu.memref_slice %arg7[%dma_wait3A_105, %dma_wait3A_106] : memref<512x32xf32, #tpu.memory_space<vmem>> -> memref<128x32xf32, #tpu.memory_space<vmem>>
      %dma_wait3A_108 = arith.constant 0 : i32
      %dma_wait3A_109 = tpu.memref_slice %arg5[%dma_wait3A, %dma_wait3A_108] : memref<4x128xi32, #tpu.memory_space<vmem>> -> memref<1x128xi32, #tpu.memory_space<vmem>>
      %dma_wait3A_110 = tpu.memref_squeeze %dma_wait3A_109 : memref<1x128xi32, #tpu.memory_space<vmem>> -> memref<128xi32, #tpu.memory_space<vmem>>
      %dma_wait3A_111 = arith.constant 0 : i32
      %dma_wait3A_112 = arith.constant 0 : i32
      %dma_wait3A_113 = tpu.memref_slice %arg3[%dma_wait3A_111, %dma_wait3A_112] : memref<1000000x32xf32, #tpu.memory_space<hbm>> -> memref<1000000x32xf32, #tpu.memory_space<hbm>>
      tpu.wait_indirect_dma semaphore(%arg9 : memref<!tpu.dma_semaphore, #tpu.memory_space<semaphore_mem>>) src(%dma_wait3A_113 : memref<1000000x32xf32, #tpu.memory_space<hbm>>) dst(%dma_wait3A_107 : memref<128x32xf32, #tpu.memory_space<vmem>>)
      %dma_wait3A_114 = arith.constant 1 : i32
      %dma_wait3A_115 = arith.constant 128 : i32
      %dma_wait3A_116 = arith.constant 0 : i32
      %dma_wait3A_117 = tpu.memref_slice %arg7[%dma_wait3A_115, %dma_wait3A_116] : memref<512x32xf32, #tpu.memory_space<vmem>> -> memref<128x32xf32, #tpu.memory_space<vmem>>
      %dma_wait3A_118 = arith.constant 0 : i32
      %dma_wait3A_119 = tpu.memref_slice %arg5[%dma_wait3A_114, %dma_wait3A_118] : memref<4x128xi32, #tpu.memory_space<vmem>> -> memref<1x128xi32, #tpu.memory_space<vmem>>
      %dma_wait3A_120 = tpu.memref_squeeze %dma_wait3A_119 : memref<1x128xi32, #tpu.memory_space<vmem>> -> memref<128xi32, #tpu.memory_space<vmem>>
      %dma_wait3A_121 = arith.constant 0 : i32
      %dma_wait3A_122 = arith.constant 0 : i32
      %dma_wait3A_123 = tpu.memref_slice %arg3[%dma_wait3A_121, %dma_wait3A_122] : memref<1000000x32xf32, #tpu.memory_space<hbm>> -> memref<1000000x32xf32, #tpu.memory_space<hbm>>
      tpu.wait_indirect_dma semaphore(%arg9 : memref<!tpu.dma_semaphore, #tpu.memory_space<semaphore_mem>>) src(%dma_wait3A_123 : memref<1000000x32xf32, #tpu.memory_space<hbm>>) dst(%dma_wait3A_117 : memref<128x32xf32, #tpu.memory_space<vmem>>)
      %dma_wait3A_124 = arith.constant 2 : i32
      %dma_wait3A_125 = arith.constant 256 : i32
      %dma_wait3A_126 = arith.constant 0 : i32
      %dma_wait3A_127 = tpu.memref_slice %arg7[%dma_wait3A_125, %dma_wait3A_126] : memref<512x32xf32, #tpu.memory_space<vmem>> -> memref<128x32xf32, #tpu.memory_space<vmem>>
      %dma_wait3A_128 = arith.constant 0 : i32
      %dma_wait3A_129 = tpu.memref_slice %arg5[%dma_wait3A_124, %dma_wait3A_128] : memref<4x128xi32, #tpu.memory_space<vmem>> -> memref<1x128xi32, #tpu.memory_space<vmem>>
      %dma_wait3A_130 = tpu.memref_squeeze %dma_wait3A_129 : memref<1x128xi32, #tpu.memory_space<vmem>> -> memref<128xi32, #tpu.memory_space<vmem>>
      %dma_wait3A_131 = arith.constant 0 : i32
      %dma_wait3A_132 = arith.constant 0 : i32
      %dma_wait3A_133 = tpu.memref_slice %arg3[%dma_wait3A_131, %dma_wait3A_132] : memref<1000000x32xf32, #tpu.memory_space<hbm>> -> memref<1000000x32xf32, #tpu.memory_space<hbm>>
      tpu.wait_indirect_dma semaphore(%arg9 : memref<!tpu.dma_semaphore, #tpu.memory_space<semaphore_mem>>) src(%dma_wait3A_133 : memref<1000000x32xf32, #tpu.memory_space<hbm>>) dst(%dma_wait3A_127 : memref<128x32xf32, #tpu.memory_space<vmem>>)
      %dma_wait3A_134 = arith.constant 3 : i32
      %dma_wait3A_135 = arith.constant 384 : i32
      %dma_wait3A_136 = arith.constant 0 : i32
      %dma_wait3A_137 = tpu.memref_slice %arg7[%dma_wait3A_135, %dma_wait3A_136] : memref<512x32xf32, #tpu.memory_space<vmem>> -> memref<128x32xf32, #tpu.memory_space<vmem>>
      %dma_wait3A_138 = arith.constant 0 : i32
      %dma_wait3A_139 = tpu.memref_slice %arg5[%dma_wait3A_134, %dma_wait3A_138] : memref<4x128xi32, #tpu.memory_space<vmem>> -> memref<1x128xi32, #tpu.memory_space<vmem>>
      %dma_wait3A_140 = tpu.memref_squeeze %dma_wait3A_139 : memref<1x128xi32, #tpu.memory_space<vmem>> -> memref<128xi32, #tpu.memory_space<vmem>>
      %dma_wait3A_141 = arith.constant 0 : i32
      %dma_wait3A_142 = arith.constant 0 : i32
      %dma_wait3A_143 = tpu.memref_slice %arg3[%dma_wait3A_141, %dma_wait3A_142] : memref<1000000x32xf32, #tpu.memory_space<hbm>> -> memref<1000000x32xf32, #tpu.memory_space<hbm>>
      tpu.wait_indirect_dma semaphore(%arg9 : memref<!tpu.dma_semaphore, #tpu.memory_space<semaphore_mem>>) src(%dma_wait3A_143 : memref<1000000x32xf32, #tpu.memory_space<hbm>>) dst(%dma_wait3A_137 : memref<128x32xf32, #tpu.memory_space<vmem>>)
      %convert_element_type3A = arith.extui %gt3A_104 : i1 to i32
      %cond3A = arith.constant 0 : i32
      %cond3A_144 = arith.cmpi ne, %convert_element_type3A, %cond3A : i32
      scf.if %cond3A_144 {
        %scan3A_242 = arith.constant 0 : i32
        %scan3A_243 = arith.constant 0 : i32
        %scan3A_244 = arith.constant 32 : i32
        %scan3A_245 = arith.addi %scan3A_243, %scan3A_244 : i32
        %scan3A_246 = arith.constant 1 : i32
        scf.for %scan3A_248 = %scan3A_243 to %scan3A_245 step %scan3A_246  : i32 {
          %jit3A = arith.constant 8 : i32
          %div3A = arith.divsi %scan3A_248, %jit3A : i32
          %sign3A = arith.constant 0 : i32
          %sign3A_249 = arith.cmpi sgt, %scan3A_248, %sign3A : i32
          %sign3A_250 = arith.extui %sign3A_249 : i1 to i32
          %sign3A_251 = arith.constant 0 : i32
          %sign3A_252 = arith.cmpi slt, %scan3A_248, %sign3A_251 : i32
          %sign3A_253 = arith.extui %sign3A_252 : i1 to i32
          %sign3A_254 = arith.subi %sign3A_250, %sign3A_253 : i32
          %sign3A_255 = arith.constant 0 : i32
          %sign3A_256 = arith.cmpi sgt, %jit3A, %sign3A_255 : i32
          %sign3A_257 = arith.extui %sign3A_256 : i1 to i32
          %sign3A_258 = arith.constant 0 : i32
          %sign3A_259 = arith.cmpi slt, %jit3A, %sign3A_258 : i32
          %sign3A_260 = arith.extui %sign3A_259 : i1 to i32
          %sign3A_261 = arith.subi %sign3A_257, %sign3A_260 : i32
          %ne3A = arith.cmpi ne, %sign3A_254, %sign3A_261 : i32
          %rem3A = arith.remsi %scan3A_248, %jit3A : i32
          %ne3A_262 = arith.constant 0 : i32
          %ne3A_263 = arith.cmpi ne, %rem3A, %ne3A_262 : i32
          %and3A = arith.andi %ne3A, %ne3A_263 : i1
          %sub3A = arith.constant 1 : i32
          %sub3A_264 = arith.subi %div3A, %sub3A : i32
          %select_n3A = arith.select %and3A, %sub3A_264, %div3A : i32
          %jit3A_265 = arith.constant 8 : i32
          %eq3A = arith.constant 0 : i32
          %eq3A_266 = arith.cmpi eq, %jit3A_265, %eq3A : i32
          %jit3A_267 = arith.constant 1 : i32
          %select_n3A_268 = arith.select %eq3A_266, %jit3A_267, %jit3A_265 : i32
          %rem3A_269 = arith.remsi %scan3A_248, %select_n3A_268 : i32
          %ne3A_270 = arith.constant 0 : i32
          %ne3A_271 = arith.cmpi ne, %rem3A_269, %ne3A_270 : i32
          %lt3A_272 = arith.constant 0 : i32
          %lt3A_273 = arith.cmpi slt, %rem3A_269, %lt3A_272 : i32
          %lt3A_274 = arith.constant 0 : i32
          %lt3A_275 = arith.cmpi slt, %select_n3A_268, %lt3A_274 : i32
          %ne3A_276 = arith.xori %lt3A_273, %lt3A_275 : i1
          %and3A_277 = arith.andi %ne3A_276, %ne3A_271 : i1
          %add3A_278 = arith.addi %rem3A_269, %select_n3A_268 : i32
          %select_n3A_279 = arith.select %and3A_277, %add3A_278, %rem3A_269 : i32
          %mul3A_280 = arith.constant 16 : i32
          %mul3A_281 = arith.muli %select_n3A_279, %mul3A_280 : i32
          %get3A = arith.index_cast %select_n3A : i32 to index
          %get3A_282 = arith.index_cast %mul3A_281 : i32 to index
          %get3A_283 = tpu.vector_load %arg5[%get3A, %get3A_282] {strides = array<i32>} : memref<4x128xi32, #tpu.memory_space<vmem>>, vector<16xi32>,
          %eq3A_284 = arith.constant 0 : i32
          %eq3A_285 = vector.broadcast %eq3A_284 : i32 to vector<16xi32>
          %eq3A_286 = arith.cmpi eq, %get3A_283, %eq3A_285 : vector<16xi32>
          %jit3A_287 = arith.constant 0.000000e+00 : f32
          %jit3A_288 = arith.constant 1.000000e+00 : f32
          %broadcast_in_dim3A_289 = vector.broadcast %jit3A_287 : f32 to vector<16xf32>
          %broadcast_in_dim3A_290 = vector.broadcast %jit3A_288 : f32 to vector<16xf32>
          %select_n3A_291 = arith.select %eq3A_286, %broadcast_in_dim3A_289, %broadcast_in_dim3A_290 : vector<16xi1>, vector<16xf32>
          %broadcast_in_dim3A_292 = arith.constant 0 : i32
          %broadcast_in_dim3A_293 = vector.broadcast %broadcast_in_dim3A_292 : i32 to vector<16xi32>
          %lt3A_294 = arith.constant 0 : i32
          %lt3A_295 = vector.broadcast %lt3A_294 : i32 to vector<16xi32>
          %lt3A_296 = arith.cmpi slt, %broadcast_in_dim3A_293, %lt3A_295 : vector<16xi32>
          %add3A_297 = arith.constant 16 : i32
          %add3A_298 = vector.broadcast %add3A_297 : i32 to vector<16xi32>
          %add3A_299 = arith.addi %broadcast_in_dim3A_293, %add3A_298 : vector<16xi32>
          %select_n3A_300 = arith.select %lt3A_296, %add3A_299, %broadcast_in_dim3A_293 : vector<16xi1>, vector<16xi32>
          %broadcast_in_dim3A_301 = vector.shape_cast %select_n3A_300 : vector<16xi32> to vector<16x1xi32>
          %gather3A = vector.shape_cast %broadcast_in_dim3A_301 : vector<16x1xi32> to vector<16xi32>
          %gather3A_302 = tpu.dynamic_gather %select_n3A_291[%gather3A] in [0] : vector<16xf32>, vector<16xi32> -> vector<16xf32>
          %mul3A_303 = arith.constant 16 : i32
          %mul3A_304 = arith.muli %scan3A_248, %mul3A_303 : i32
          %add3A_305 = arith.constant 0 : i32
          %add3A_306 = arith.addi %mul3A_304, %add3A_305 : i32
          %get3A_307 = arith.index_cast %add3A_306 : i32 to index
          %get3A_308 = arith.constant 0 : index
          %get3A_309 = tpu.vector_load %arg7[%get3A_307, %get3A_308] {strides = array<i32>} : memref<512x32xf32, #tpu.memory_space<vmem>>, vector<16xf32>,
          %mul3A_310 = arith.mulf %get3A_309, %gather3A_302 : vector<16xf32>
          %swap3A = arith.index_cast %add3A_306 : i32 to index
          %swap3A_311 = arith.constant 0 : index
          %swap3A_312 = tpu.vector_load %arg7[%swap3A, %swap3A_311] {strides = array<i32>} : memref<512x32xf32, #tpu.memory_space<vmem>>, vector<16xf32>,
          tpu.vector_store %arg7[%swap3A, %swap3A_311], %mul3A_310 {strides = array<i32>} : memref<512x32xf32, #tpu.memory_space<vmem>>, vector<16xf32>,
          %get3A_313 = arith.index_cast %add3A_306 : i32 to index
          %get3A_314 = arith.constant 16 : index
          %get3A_315 = tpu.vector_load %arg7[%get3A_313, %get3A_314] {strides = array<i32>} : memref<512x32xf32, #tpu.memory_space<vmem>>, vector<16xf32>,
          %mul3A_316 = arith.mulf %get3A_315, %gather3A_302 : vector<16xf32>
          %swap3A_317 = arith.index_cast %add3A_306 : i32 to index
          %swap3A_318 = arith.constant 16 : index
          %swap3A_319 = tpu.vector_load %arg7[%swap3A_317, %swap3A_318] {strides = array<i32>} : memref<512x32xf32, #tpu.memory_space<vmem>>, vector<16xf32>,
          tpu.vector_store %arg7[%swap3A_317, %swap3A_318], %mul3A_316 {strides = array<i32>} : memref<512x32xf32, #tpu.memory_space<vmem>>, vector<16xf32>,
          %broadcast_in_dim3A_320 = arith.constant 1 : i32
          %broadcast_in_dim3A_321 = vector.broadcast %broadcast_in_dim3A_320 : i32 to vector<16xi32>
          %lt3A_322 = arith.constant 0 : i32
          %lt3A_323 = vector.broadcast %lt3A_322 : i32 to vector<16xi32>
          %lt3A_324 = arith.cmpi slt, %broadcast_in_dim3A_321, %lt3A_323 : vector<16xi32>
          %add3A_325 = arith.constant 16 : i32
          %add3A_326 = vector.broadcast %add3A_325 : i32 to vector<16xi32>
          %add3A_327 = arith.addi %broadcast_in_dim3A_321, %add3A_326 : vector<16xi32>
          %select_n3A_328 = arith.select %lt3A_324, %add3A_327, %broadcast_in_dim3A_321 : vector<16xi1>, vector<16xi32>
          %broadcast_in_dim3A_329 = vector.shape_cast %select_n3A_328 : vector<16xi32> to vector<16x1xi32>
          %gather3A_330 = vector.shape_cast %broadcast_in_dim3A_329 : vector<16x1xi32> to vector<16xi32>
          %gather3A_331 = tpu.dynamic_gather %select_n3A_291[%gather3A_330] in [0] : vector<16xf32>, vector<16xi32> -> vector<16xf32>
          %mul3A_332 = arith.constant 16 : i32
          %mul3A_333 = arith.muli %scan3A_248, %mul3A_332 : i32
          %add3A_334 = arith.constant 1 : i32
          %add3A_335 = arith.addi %mul3A_333, %add3A_334 : i32
          %get3A_336 = arith.index_cast %add3A_335 : i32 to index
          %get3A_337 = arith.constant 0 : index
          %get3A_338 = tpu.vector_load %arg7[%get3A_336, %get3A_337] {strides = array<i32>} : memref<512x32xf32, #tpu.memory_space<vmem>>, vector<16xf32>,
          %mul3A_339 = arith.mulf %get3A_338, %gather3A_331 : vector<16xf32>
          %swap3A_340 = arith.index_cast %add3A_335 : i32 to index
          %swap3A_341 = arith.constant 0 : index
          %swap3A_342 = tpu.vector_load %arg7[%swap3A_340, %swap3A_341] {strides = array<i32>} : memref<512x32xf32, #tpu.memory_space<vmem>>, vector<16xf32>,
          tpu.vector_store %arg7[%swap3A_340, %swap3A_341], %mul3A_339 {strides = array<i32>} : memref<512x32xf32, #tpu.memory_space<vmem>>, vector<16xf32>,
          %get3A_343 = arith.index_cast %add3A_335 : i32 to index
          %get3A_344 = arith.constant 16 : index
          %get3A_345 = tpu.vector_load %arg7[%get3A_343, %get3A_344] {strides = array<i32>} : memref<512x32xf32, #tpu.memory_space<vmem>>, vector<16xf32>,
          %mul3A_346 = arith.mulf %get3A_345, %gather3A_331 : vector<16xf32>
          %swap3A_347 = arith.index_cast %add3A_335 : i32 to index
          %swap3A_348 = arith.constant 16 : index
          %swap3A_349 = tpu.vector_load %arg7[%swap3A_347, %swap3A_348] {strides = array<i32>} : memref<512x32xf32, #tpu.memory_space<vmem>>, vector<16xf32>,
          tpu.vector_store %arg7[%swap3A_347, %swap3A_348], %mul3A_346 {strides = array<i32>} : memref<512x32xf32, #tpu.memory_space<vmem>>, vector<16xf32>,
          %broadcast_in_dim3A_350 = arith.constant 2 : i32
          %broadcast_in_dim3A_351 = vector.broadcast %broadcast_in_dim3A_350 : i32 to vector<16xi32>
          %lt3A_352 = arith.constant 0 : i32
          %lt3A_353 = vector.broadcast %lt3A_352 : i32 to vector<16xi32>
          %lt3A_354 = arith.cmpi slt, %broadcast_in_dim3A_351, %lt3A_353 : vector<16xi32>
          %add3A_355 = arith.constant 16 : i32
          %add3A_356 = vector.broadcast %add3A_355 : i32 to vector<16xi32>
          %add3A_357 = arith.addi %broadcast_in_dim3A_351, %add3A_356 : vector<16xi32>
          %select_n3A_358 = arith.select %lt3A_354, %add3A_357, %broadcast_in_dim3A_351 : vector<16xi1>, vector<16xi32>
          %broadcast_in_dim3A_359 = vector.shape_cast %select_n3A_358 : vector<16xi32> to vector<16x1xi32>
          %gather3A_360 = vector.shape_cast %broadcast_in_dim3A_359 : vector<16x1xi32> to vector<16xi32>
          %gather3A_361 = tpu.dynamic_gather %select_n3A_291[%gather3A_360] in [0] : vector<16xf32>, vector<16xi32> -> vector<16xf32>
          %mul3A_362 = arith.constant 16 : i32
          %mul3A_363 = arith.muli %scan3A_248, %mul3A_362 : i32
          %add3A_364 = arith.constant 2 : i32
          %add3A_365 = arith.addi %mul3A_363, %add3A_364 : i32
          %get3A_366 = arith.index_cast %add3A_365 : i32 to index
          %get3A_367 = arith.constant 0 : index
          %get3A_368 = tpu.vector_load %arg7[%get3A_366, %get3A_367] {strides = array<i32>} : memref<512x32xf32, #tpu.memory_space<vmem>>, vector<16xf32>,
          %mul3A_369 = arith.mulf %get3A_368, %gather3A_361 : vector<16xf32>
          %swap3A_370 = arith.index_cast %add3A_365 : i32 to index
          %swap3A_371 = arith.constant 0 : index
          %swap3A_372 = tpu.vector_load %arg7[%swap3A_370, %swap3A_371] {strides = array<i32>} : memref<512x32xf32, #tpu.memory_space<vmem>>, vector<16xf32>,
          tpu.vector_store %arg7[%swap3A_370, %swap3A_371], %mul3A_369 {strides = array<i32>} : memref<512x32xf32, #tpu.memory_space<vmem>>, vector<16xf32>,
          %get3A_373 = arith.index_cast %add3A_365 : i32 to index
          %get3A_374 = arith.constant 16 : index
          %get3A_375 = tpu.vector_load %arg7[%get3A_373, %get3A_374] {strides = array<i32>} : memref<512x32xf32, #tpu.memory_space<vmem>>, vector<16xf32>,
          %mul3A_376 = arith.mulf %get3A_375, %gather3A_361 : vector<16xf32>
          %swap3A_377 = arith.index_cast %add3A_365 : i32 to index
          %swap3A_378 = arith.constant 16 : index
          %swap3A_379 = tpu.vector_load %arg7[%swap3A_377, %swap3A_378] {strides = array<i32>} : memref<512x32xf32, #tpu.memory_space<vmem>>, vector<16xf32>,
          tpu.vector_store %arg7[%swap3A_377, %swap3A_378], %mul3A_376 {strides = array<i32>} : memref<512x32xf32, #tpu.memory_space<vmem>>, vector<16xf32>,
          %broadcast_in_dim3A_380 = arith.constant 3 : i32
          %broadcast_in_dim3A_381 = vector.broadcast %broadcast_in_dim3A_380 : i32 to vector<16xi32>
          %lt3A_382 = arith.constant 0 : i32
          %lt3A_383 = vector.broadcast %lt3A_382 : i32 to vector<16xi32>
          %lt3A_384 = arith.cmpi slt, %broadcast_in_dim3A_381, %lt3A_383 : vector<16xi32>
          %add3A_385 = arith.constant 16 : i32
          %add3A_386 = vector.broadcast %add3A_385 : i32 to vector<16xi32>
          %add3A_387 = arith.addi %broadcast_in_dim3A_381, %add3A_386 : vector<16xi32>
          %select_n3A_388 = arith.select %lt3A_384, %add3A_387, %broadcast_in_dim3A_381 : vector<16xi1>, vector<16xi32>
          %broadcast_in_dim3A_389 = vector.shape_cast %select_n3A_388 : vector<16xi32> to vector<16x1xi32>
          %gather3A_390 = vector.shape_cast %broadcast_in_dim3A_389 : vector<16x1xi32> to vector<16xi32>
          %gather3A_391 = tpu.dynamic_gather %select_n3A_291[%gather3A_390] in [0] : vector<16xf32>, vector<16xi32> -> vector<16xf32>
          %mul3A_392 = arith.constant 16 : i32
          %mul3A_393 = arith.muli %scan3A_248, %mul3A_392 : i32
          %add3A_394 = arith.constant 3 : i32
          %add3A_395 = arith.addi %mul3A_393, %add3A_394 : i32
          %get3A_396 = arith.index_cast %add3A_395 : i32 to index
          %get3A_397 = arith.constant 0 : index
          %get3A_398 = tpu.vector_load %arg7[%get3A_396, %get3A_397] {strides = array<i32>} : memref<512x32xf32, #tpu.memory_space<vmem>>, vector<16xf32>,
          %mul3A_399 = arith.mulf %get3A_398, %gather3A_391 : vector<16xf32>
          %swap3A_400 = arith.index_cast %add3A_395 : i32 to index
          %swap3A_401 = arith.constant 0 : index
          %swap3A_402 = tpu.vector_load %arg7[%swap3A_400, %swap3A_401] {strides = array<i32>} : memref<512x32xf32, #tpu.memory_space<vmem>>, vector<16xf32>,
          tpu.vector_store %arg7[%swap3A_400, %swap3A_401], %mul3A_399 {strides = array<i32>} : memref<512x32xf32, #tpu.memory_space<vmem>>, vector<16xf32>,
          %get3A_403 = arith.index_cast %add3A_395 : i32 to index
          %get3A_404 = arith.constant 16 : index
          %get3A_405 = tpu.vector_load %arg7[%get3A_403, %get3A_404] {strides = array<i32>} : memref<512x32xf32, #tpu.memory_space<vmem>>, vector<16xf32>,
          %mul3A_406 = arith.mulf %get3A_405, %gather3A_391 : vector<16xf32>
          %swap3A_407 = arith.index_cast %add3A_395 : i32 to index
          %swap3A_408 = arith.constant 16 : index
          %swap3A_409 = tpu.vector_load %arg7[%swap3A_407, %swap3A_408] {strides = array<i32>} : memref<512x32xf32, #tpu.memory_space<vmem>>, vector<16xf32>,
          tpu.vector_store %arg7[%swap3A_407, %swap3A_408], %mul3A_406 {strides = array<i32>} : memref<512x32xf32, #tpu.memory_space<vmem>>, vector<16xf32>,
          %broadcast_in_dim3A_410 = arith.constant 4 : i32
          %broadcast_in_dim3A_411 = vector.broadcast %broadcast_in_dim3A_410 : i32 to vector<16xi32>
          %lt3A_412 = arith.constant 0 : i32
          %lt3A_413 = vector.broadcast %lt3A_412 : i32 to vector<16xi32>
          %lt3A_414 = arith.cmpi slt, %broadcast_in_dim3A_411, %lt3A_413 : vector<16xi32>
          %add3A_415 = arith.constant 16 : i32
          %add3A_416 = vector.broadcast %add3A_415 : i32 to vector<16xi32>
          %add3A_417 = arith.addi %broadcast_in_dim3A_411, %add3A_416 : vector<16xi32>
          %select_n3A_418 = arith.select %lt3A_414, %add3A_417, %broadcast_in_dim3A_411 : vector<16xi1>, vector<16xi32>
          %broadcast_in_dim3A_419 = vector.shape_cast %select_n3A_418 : vector<16xi32> to vector<16x1xi32>
          %gather3A_420 = vector.shape_cast %broadcast_in_dim3A_419 : vector<16x1xi32> to vector<16xi32>
          %gather3A_421 = tpu.dynamic_gather %select_n3A_291[%gather3A_420] in [0] : vector<16xf32>, vector<16xi32> -> vector<16xf32>
          %mul3A_422 = arith.constant 16 : i32
          %mul3A_423 = arith.muli %scan3A_248, %mul3A_422 : i32
          %add3A_424 = arith.constant 4 : i32
          %add3A_425 = arith.addi %mul3A_423, %add3A_424 : i32
          %get3A_426 = arith.index_cast %add3A_425 : i32 to index
          %get3A_427 = arith.constant 0 : index
          %get3A_428 = tpu.vector_load %arg7[%get3A_426, %get3A_427] {strides = array<i32>} : memref<512x32xf32, #tpu.memory_space<vmem>>, vector<16xf32>,
          %mul3A_429 = arith.mulf %get3A_428, %gather3A_421 : vector<16xf32>
          %swap3A_430 = arith.index_cast %add3A_425 : i32 to index
          %swap3A_431 = arith.constant 0 : index
          %swap3A_432 = tpu.vector_load %arg7[%swap3A_430, %swap3A_431] {strides = array<i32>} : memref<512x32xf32, #tpu.memory_space<vmem>>, vector<16xf32>,
          tpu.vector_store %arg7[%swap3A_430, %swap3A_431], %mul3A_429 {strides = array<i32>} : memref<512x32xf32, #tpu.memory_space<vmem>>, vector<16xf32>,
          %get3A_433 = arith.index_cast %add3A_425 : i32 to index
          %get3A_434 = arith.constant 16 : index
          %get3A_435 = tpu.vector_load %arg7[%get3A_433, %get3A_434] {strides = array<i32>} : memref<512x32xf32, #tpu.memory_space<vmem>>, vector<16xf32>,
          %mul3A_436 = arith.mulf %get3A_435, %gather3A_421 : vector<16xf32>
          %swap3A_437 = arith.index_cast %add3A_425 : i32 to index
          %swap3A_438 = arith.constant 16 : index
          %swap3A_439 = tpu.vector_load %arg7[%swap3A_437, %swap3A_438] {strides = array<i32>} : memref<512x32xf32, #tpu.memory_space<vmem>>, vector<16xf32>,
          tpu.vector_store %arg7[%swap3A_437, %swap3A_438], %mul3A_436 {strides = array<i32>} : memref<512x32xf32, #tpu.memory_space<vmem>>, vector<16xf32>,
          %broadcast_in_dim3A_440 = arith.constant 5 : i32
          %broadcast_in_dim3A_441 = vector.broadcast %broadcast_in_dim3A_440 : i32 to vector<16xi32>
          %lt3A_442 = arith.constant 0 : i32
          %lt3A_443 = vector.broadcast %lt3A_442 : i32 to vector<16xi32>
          %lt3A_444 = arith.cmpi slt, %broadcast_in_dim3A_441, %lt3A_443 : vector<16xi32>
          %add3A_445 = arith.constant 16 : i32
          %add3A_446 = vector.broadcast %add3A_445 : i32 to vector<16xi32>
          %add3A_447 = arith.addi %broadcast_in_dim3A_441, %add3A_446 : vector<16xi32>
          %select_n3A_448 = arith.select %lt3A_444, %add3A_447, %broadcast_in_dim3A_441 : vector<16xi1>, vector<16xi32>
          %broadcast_in_dim3A_449 = vector.shape_cast %select_n3A_448 : vector<16xi32> to vector<16x1xi32>
          %gather3A_450 = vector.shape_cast %broadcast_in_dim3A_449 : vector<16x1xi32> to vector<16xi32>
          %gather3A_451 = tpu.dynamic_gather %select_n3A_291[%gather3A_450] in [0] : vector<16xf32>, vector<16xi32> -> vector<16xf32>
          %mul3A_452 = arith.constant 16 : i32
          %mul3A_453 = arith.muli %scan3A_248, %mul3A_452 : i32
          %add3A_454 = arith.constant 5 : i32
          %add3A_455 = arith.addi %mul3A_453, %add3A_454 : i32
          %get3A_456 = arith.index_cast %add3A_455 : i32 to index
          %get3A_457 = arith.constant 0 : index
          %get3A_458 = tpu.vector_load %arg7[%get3A_456, %get3A_457] {strides = array<i32>} : memref<512x32xf32, #tpu.memory_space<vmem>>, vector<16xf32>,
          %mul3A_459 = arith.mulf %get3A_458, %gather3A_451 : vector<16xf32>
          %swap3A_460 = arith.index_cast %add3A_455 : i32 to index
          %swap3A_461 = arith.constant 0 : index
          %swap3A_462 = tpu.vector_load %arg7[%swap3A_460, %swap3A_461] {strides = array<i32>} : memref<512x32xf32, #tpu.memory_space<vmem>>, vector<16xf32>,
          tpu.vector_store %arg7[%swap3A_460, %swap3A_461], %mul3A_459 {strides = array<i32>} : memref<512x32xf32, #tpu.memory_space<vmem>>, vector<16xf32>,
          %get3A_463 = arith.index_cast %add3A_455 : i32 to index
          %get3A_464 = arith.constant 16 : index
          %get3A_465 = tpu.vector_load %arg7[%get3A_463, %get3A_464] {strides = array<i32>} : memref<512x32xf32, #tpu.memory_space<vmem>>, vector<16xf32>,
          %mul3A_466 = arith.mulf %get3A_465, %gather3A_451 : vector<16xf32>
          %swap3A_467 = arith.index_cast %add3A_455 : i32 to index
          %swap3A_468 = arith.constant 16 : index
          %swap3A_469 = tpu.vector_load %arg7[%swap3A_467, %swap3A_468] {strides = array<i32>} : memref<512x32xf32, #tpu.memory_space<vmem>>, vector<16xf32>,
          tpu.vector_store %arg7[%swap3A_467, %swap3A_468], %mul3A_466 {strides = array<i32>} : memref<512x32xf32, #tpu.memory_space<vmem>>, vector<16xf32>,
          %broadcast_in_dim3A_470 = arith.constant 6 : i32
          %broadcast_in_dim3A_471 = vector.broadcast %broadcast_in_dim3A_470 : i32 to vector<16xi32>
          %lt3A_472 = arith.constant 0 : i32
          %lt3A_473 = vector.broadcast %lt3A_472 : i32 to vector<16xi32>
          %lt3A_474 = arith.cmpi slt, %broadcast_in_dim3A_471, %lt3A_473 : vector<16xi32>
          %add3A_475 = arith.constant 16 : i32
          %add3A_476 = vector.broadcast %add3A_475 : i32 to vector<16xi32>
          %add3A_477 = arith.addi %broadcast_in_dim3A_471, %add3A_476 : vector<16xi32>
          %select_n3A_478 = arith.select %lt3A_474, %add3A_477, %broadcast_in_dim3A_471 : vector<16xi1>, vector<16xi32>
          %broadcast_in_dim3A_479 = vector.shape_cast %select_n3A_478 : vector<16xi32> to vector<16x1xi32>
          %gather3A_480 = vector.shape_cast %broadcast_in_dim3A_479 : vector<16x1xi32> to vector<16xi32>
          %gather3A_481 = tpu.dynamic_gather %select_n3A_291[%gather3A_480] in [0] : vector<16xf32>, vector<16xi32> -> vector<16xf32>
          %mul3A_482 = arith.constant 16 : i32
          %mul3A_483 = arith.muli %scan3A_248, %mul3A_482 : i32
          %add3A_484 = arith.constant 6 : i32
          %add3A_485 = arith.addi %mul3A_483, %add3A_484 : i32
          %get3A_486 = arith.index_cast %add3A_485 : i32 to index
          %get3A_487 = arith.constant 0 : index
          %get3A_488 = tpu.vector_load %arg7[%get3A_486, %get3A_487] {strides = array<i32>} : memref<512x32xf32, #tpu.memory_space<vmem>>, vector<16xf32>,
          %mul3A_489 = arith.mulf %get3A_488, %gather3A_481 : vector<16xf32>
          %swap3A_490 = arith.index_cast %add3A_485 : i32 to index
          %swap3A_491 = arith.constant 0 : index
          %swap3A_492 = tpu.vector_load %arg7[%swap3A_490, %swap3A_491] {strides = array<i32>} : memref<512x32xf32, #tpu.memory_space<vmem>>, vector<16xf32>,
          tpu.vector_store %arg7[%swap3A_490, %swap3A_491], %mul3A_489 {strides = array<i32>} : memref<512x32xf32, #tpu.memory_space<vmem>>, vector<16xf32>,
          %get3A_493 = arith.index_cast %add3A_485 : i32 to index
          %get3A_494 = arith.constant 16 : index
          %get3A_495 = tpu.vector_load %arg7[%get3A_493, %get3A_494] {strides = array<i32>} : memref<512x32xf32, #tpu.memory_space<vmem>>, vector<16xf32>,
          %mul3A_496 = arith.mulf %get3A_495, %gather3A_481 : vector<16xf32>
          %swap3A_497 = arith.index_cast %add3A_485 : i32 to index
          %swap3A_498 = arith.constant 16 : index
          %swap3A_499 = tpu.vector_load %arg7[%swap3A_497, %swap3A_498] {strides = array<i32>} : memref<512x32xf32, #tpu.memory_space<vmem>>, vector<16xf32>,
          tpu.vector_store %arg7[%swap3A_497, %swap3A_498], %mul3A_496 {strides = array<i32>} : memref<512x32xf32, #tpu.memory_space<vmem>>, vector<16xf32>,
          %broadcast_in_dim3A_500 = arith.constant 7 : i32
          %broadcast_in_dim3A_501 = vector.broadcast %broadcast_in_dim3A_500 : i32 to vector<16xi32>
          %lt3A_502 = arith.constant 0 : i32
          %lt3A_503 = vector.broadcast %lt3A_502 : i32 to vector<16xi32>
          %lt3A_504 = arith.cmpi slt, %broadcast_in_dim3A_501, %lt3A_503 : vector<16xi32>
          %add3A_505 = arith.constant 16 : i32
          %add3A_506 = vector.broadcast %add3A_505 : i32 to vector<16xi32>
          %add3A_507 = arith.addi %broadcast_in_dim3A_501, %add3A_506 : vector<16xi32>
          %select_n3A_508 = arith.select %lt3A_504, %add3A_507, %broadcast_in_dim3A_501 : vector<16xi1>, vector<16xi32>
          %broadcast_in_dim3A_509 = vector.shape_cast %select_n3A_508 : vector<16xi32> to vector<16x1xi32>
          %gather3A_510 = vector.shape_cast %broadcast_in_dim3A_509 : vector<16x1xi32> to vector<16xi32>
          %gather3A_511 = tpu.dynamic_gather %select_n3A_291[%gather3A_510] in [0] : vector<16xf32>, vector<16xi32> -> vector<16xf32>
          %mul3A_512 = arith.constant 16 : i32
          %mul3A_513 = arith.muli %scan3A_248, %mul3A_512 : i32
          %add3A_514 = arith.constant 7 : i32
          %add3A_515 = arith.addi %mul3A_513, %add3A_514 : i32
          %get3A_516 = arith.index_cast %add3A_515 : i32 to index
          %get3A_517 = arith.constant 0 : index
          %get3A_518 = tpu.vector_load %arg7[%get3A_516, %get3A_517] {strides = array<i32>} : memref<512x32xf32, #tpu.memory_space<vmem>>, vector<16xf32>,
          %mul3A_519 = arith.mulf %get3A_518, %gather3A_511 : vector<16xf32>
          %swap3A_520 = arith.index_cast %add3A_515 : i32 to index
          %swap3A_521 = arith.constant 0 : index
          %swap3A_522 = tpu.vector_load %arg7[%swap3A_520, %swap3A_521] {strides = array<i32>} : memref<512x32xf32, #tpu.memory_space<vmem>>, vector<16xf32>,
          tpu.vector_store %arg7[%swap3A_520, %swap3A_521], %mul3A_519 {strides = array<i32>} : memref<512x32xf32, #tpu.memory_space<vmem>>, vector<16xf32>,
          %get3A_523 = arith.index_cast %add3A_515 : i32 to index
          %get3A_524 = arith.constant 16 : index
          %get3A_525 = tpu.vector_load %arg7[%get3A_523, %get3A_524] {strides = array<i32>} : memref<512x32xf32, #tpu.memory_space<vmem>>, vector<16xf32>,
          %mul3A_526 = arith.mulf %get3A_525, %gather3A_511 : vector<16xf32>
          %swap3A_527 = arith.index_cast %add3A_515 : i32 to index
          %swap3A_528 = arith.constant 16 : index
          %swap3A_529 = tpu.vector_load %arg7[%swap3A_527, %swap3A_528] {strides = array<i32>} : memref<512x32xf32, #tpu.memory_space<vmem>>, vector<16xf32>,
          tpu.vector_store %arg7[%swap3A_527, %swap3A_528], %mul3A_526 {strides = array<i32>} : memref<512x32xf32, #tpu.memory_space<vmem>>, vector<16xf32>,
          %broadcast_in_dim3A_530 = arith.constant 8 : i32
          %broadcast_in_dim3A_531 = vector.broadcast %broadcast_in_dim3A_530 : i32 to vector<16xi32>
          %lt3A_532 = arith.constant 0 : i32
          %lt3A_533 = vector.broadcast %lt3A_532 : i32 to vector<16xi32>
          %lt3A_534 = arith.cmpi slt, %broadcast_in_dim3A_531, %lt3A_533 : vector<16xi32>
          %add3A_535 = arith.constant 16 : i32
          %add3A_536 = vector.broadcast %add3A_535 : i32 to vector<16xi32>
          %add3A_537 = arith.addi %broadcast_in_dim3A_531, %add3A_536 : vector<16xi32>
          %select_n3A_538 = arith.select %lt3A_534, %add3A_537, %broadcast_in_dim3A_531 : vector<16xi1>, vector<16xi32>
          %broadcast_in_dim3A_539 = vector.shape_cast %select_n3A_538 : vector<16xi32> to vector<16x1xi32>
          %gather3A_540 = vector.shape_cast %broadcast_in_dim3A_539 : vector<16x1xi32> to vector<16xi32>
          %gather3A_541 = tpu.dynamic_gather %select_n3A_291[%gather3A_540] in [0] : vector<16xf32>, vector<16xi32> -> vector<16xf32>
          %mul3A_542 = arith.constant 16 : i32
          %mul3A_543 = arith.muli %scan3A_248, %mul3A_542 : i32
          %add3A_544 = arith.constant 8 : i32
          %add3A_545 = arith.addi %mul3A_543, %add3A_544 : i32
          %get3A_546 = arith.index_cast %add3A_545 : i32 to index
          %get3A_547 = arith.constant 0 : index
          %get3A_548 = tpu.vector_load %arg7[%get3A_546, %get3A_547] {strides = array<i32>} : memref<512x32xf32, #tpu.memory_space<vmem>>, vector<16xf32>,
          %mul3A_549 = arith.mulf %get3A_548, %gather3A_541 : vector<16xf32>
          %swap3A_550 = arith.index_cast %add3A_545 : i32 to index
          %swap3A_551 = arith.constant 0 : index
          %swap3A_552 = tpu.vector_load %arg7[%swap3A_550, %swap3A_551] {strides = array<i32>} : memref<512x32xf32, #tpu.memory_space<vmem>>, vector<16xf32>,
          tpu.vector_store %arg7[%swap3A_550, %swap3A_551], %mul3A_549 {strides = array<i32>} : memref<512x32xf32, #tpu.memory_space<vmem>>, vector<16xf32>,
          %get3A_553 = arith.index_cast %add3A_545 : i32 to index
          %get3A_554 = arith.constant 16 : index
          %get3A_555 = tpu.vector_load %arg7[%get3A_553, %get3A_554] {strides = array<i32>} : memref<512x32xf32, #tpu.memory_space<vmem>>, vector<16xf32>,
          %mul3A_556 = arith.mulf %get3A_555, %gather3A_541 : vector<16xf32>
          %swap3A_557 = arith.index_cast %add3A_545 : i32 to index
          %swap3A_558 = arith.constant 16 : index
          %swap3A_559 = tpu.vector_load %arg7[%swap3A_557, %swap3A_558] {strides = array<i32>} : memref<512x32xf32, #tpu.memory_space<vmem>>, vector<16xf32>,
          tpu.vector_store %arg7[%swap3A_557, %swap3A_558], %mul3A_556 {strides = array<i32>} : memref<512x32xf32, #tpu.memory_space<vmem>>, vector<16xf32>,
          %broadcast_in_dim3A_560 = arith.constant 9 : i32
          %broadcast_in_dim3A_561 = vector.broadcast %broadcast_in_dim3A_560 : i32 to vector<16xi32>
          %lt3A_562 = arith.constant 0 : i32
          %lt3A_563 = vector.broadcast %lt3A_562 : i32 to vector<16xi32>
          %lt3A_564 = arith.cmpi slt, %broadcast_in_dim3A_561, %lt3A_563 : vector<16xi32>
          %add3A_565 = arith.constant 16 : i32
          %add3A_566 = vector.broadcast %add3A_565 : i32 to vector<16xi32>
          %add3A_567 = arith.addi %broadcast_in_dim3A_561, %add3A_566 : vector<16xi32>
          %select_n3A_568 = arith.select %lt3A_564, %add3A_567, %broadcast_in_dim3A_561 : vector<16xi1>, vector<16xi32>
          %broadcast_in_dim3A_569 = vector.shape_cast %select_n3A_568 : vector<16xi32> to vector<16x1xi32>
          %gather3A_570 = vector.shape_cast %broadcast_in_dim3A_569 : vector<16x1xi32> to vector<16xi32>
          %gather3A_571 = tpu.dynamic_gather %select_n3A_291[%gather3A_570] in [0] : vector<16xf32>, vector<16xi32> -> vector<16xf32>
          %mul3A_572 = arith.constant 16 : i32
          %mul3A_573 = arith.muli %scan3A_248, %mul3A_572 : i32
          %add3A_574 = arith.constant 9 : i32
          %add3A_575 = arith.addi %mul3A_573, %add3A_574 : i32
          %get3A_576 = arith.index_cast %add3A_575 : i32 to index
          %get3A_577 = arith.constant 0 : index
          %get3A_578 = tpu.vector_load %arg7[%get3A_576, %get3A_577] {strides = array<i32>} : memref<512x32xf32, #tpu.memory_space<vmem>>, vector<16xf32>,
          %mul3A_579 = arith.mulf %get3A_578, %gather3A_571 : vector<16xf32>
          %swap3A_580 = arith.index_cast %add3A_575 : i32 to index
          %swap3A_581 = arith.constant 0 : index
          %swap3A_582 = tpu.vector_load %arg7[%swap3A_580, %swap3A_581] {strides = array<i32>} : memref<512x32xf32, #tpu.memory_space<vmem>>, vector<16xf32>,
          tpu.vector_store %arg7[%swap3A_580, %swap3A_581], %mul3A_579 {strides = array<i32>} : memref<512x32xf32, #tpu.memory_space<vmem>>, vector<16xf32>,
          %get3A_583 = arith.index_cast %add3A_575 : i32 to index
          %get3A_584 = arith.constant 16 : index
          %get3A_585 = tpu.vector_load %arg7[%get3A_583, %get3A_584] {strides = array<i32>} : memref<512x32xf32, #tpu.memory_space<vmem>>, vector<16xf32>,
          %mul3A_586 = arith.mulf %get3A_585, %gather3A_571 : vector<16xf32>
          %swap3A_587 = arith.index_cast %add3A_575 : i32 to index
          %swap3A_588 = arith.constant 16 : index
          %swap3A_589 = tpu.vector_load %arg7[%swap3A_587, %swap3A_588] {strides = array<i32>} : memref<512x32xf32, #tpu.memory_space<vmem>>, vector<16xf32>,
          tpu.vector_store %arg7[%swap3A_587, %swap3A_588], %mul3A_586 {strides = array<i32>} : memref<512x32xf32, #tpu.memory_space<vmem>>, vector<16xf32>,
          %broadcast_in_dim3A_590 = arith.constant 10 : i32
          %broadcast_in_dim3A_591 = vector.broadcast %broadcast_in_dim3A_590 : i32 to vector<16xi32>
          %lt3A_592 = arith.constant 0 : i32
          %lt3A_593 = vector.broadcast %lt3A_592 : i32 to vector<16xi32>
          %lt3A_594 = arith.cmpi slt, %broadcast_in_dim3A_591, %lt3A_593 : vector<16xi32>
          %add3A_595 = arith.constant 16 : i32
          %add3A_596 = vector.broadcast %add3A_595 : i32 to vector<16xi32>
          %add3A_597 = arith.addi %broadcast_in_dim3A_591, %add3A_596 : vector<16xi32>
          %select_n3A_598 = arith.select %lt3A_594, %add3A_597, %broadcast_in_dim3A_591 : vector<16xi1>, vector<16xi32>
          %broadcast_in_dim3A_599 = vector.shape_cast %select_n3A_598 : vector<16xi32> to vector<16x1xi32>
          %gather3A_600 = vector.shape_cast %broadcast_in_dim3A_599 : vector<16x1xi32> to vector<16xi32>
          %gather3A_601 = tpu.dynamic_gather %select_n3A_291[%gather3A_600] in [0] : vector<16xf32>, vector<16xi32> -> vector<16xf32>
          %mul3A_602 = arith.constant 16 : i32
          %mul3A_603 = arith.muli %scan3A_248, %mul3A_602 : i32
          %add3A_604 = arith.constant 10 : i32
          %add3A_605 = arith.addi %mul3A_603, %add3A_604 : i32
          %get3A_606 = arith.index_cast %add3A_605 : i32 to index
          %get3A_607 = arith.constant 0 : index
          %get3A_608 = tpu.vector_load %arg7[%get3A_606, %get3A_607] {strides = array<i32>} : memref<512x32xf32, #tpu.memory_space<vmem>>, vector<16xf32>,
          %mul3A_609 = arith.mulf %get3A_608, %gather3A_601 : vector<16xf32>
          %swap3A_610 = arith.index_cast %add3A_605 : i32 to index
          %swap3A_611 = arith.constant 0 : index
          %swap3A_612 = tpu.vector_load %arg7[%swap3A_610, %swap3A_611] {strides = array<i32>} : memref<512x32xf32, #tpu.memory_space<vmem>>, vector<16xf32>,
          tpu.vector_store %arg7[%swap3A_610, %swap3A_611], %mul3A_609 {strides = array<i32>} : memref<512x32xf32, #tpu.memory_space<vmem>>, vector<16xf32>,
          %get3A_613 = arith.index_cast %add3A_605 : i32 to index
          %get3A_614 = arith.constant 16 : index
          %get3A_615 = tpu.vector_load %arg7[%get3A_613, %get3A_614] {strides = array<i32>} : memref<512x32xf32, #tpu.memory_space<vmem>>, vector<16xf32>,
          %mul3A_616 = arith.mulf %get3A_615, %gather3A_601 : vector<16xf32>
          %swap3A_617 = arith.index_cast %add3A_605 : i32 to index
          %swap3A_618 = arith.constant 16 : index
          %swap3A_619 = tpu.vector_load %arg7[%swap3A_617, %swap3A_618] {strides = array<i32>} : memref<512x32xf32, #tpu.memory_space<vmem>>, vector<16xf32>,
          tpu.vector_store %arg7[%swap3A_617, %swap3A_618], %mul3A_616 {strides = array<i32>} : memref<512x32xf32, #tpu.memory_space<vmem>>, vector<16xf32>,
          %broadcast_in_dim3A_620 = arith.constant 11 : i32
          %broadcast_in_dim3A_621 = vector.broadcast %broadcast_in_dim3A_620 : i32 to vector<16xi32>
          %lt3A_622 = arith.constant 0 : i32
          %lt3A_623 = vector.broadcast %lt3A_622 : i32 to vector<16xi32>
          %lt3A_624 = arith.cmpi slt, %broadcast_in_dim3A_621, %lt3A_623 : vector<16xi32>
          %add3A_625 = arith.constant 16 : i32
          %add3A_626 = vector.broadcast %add3A_625 : i32 to vector<16xi32>
          %add3A_627 = arith.addi %broadcast_in_dim3A_621, %add3A_626 : vector<16xi32>
          %select_n3A_628 = arith.select %lt3A_624, %add3A_627, %broadcast_in_dim3A_621 : vector<16xi1>, vector<16xi32>
          %broadcast_in_dim3A_629 = vector.shape_cast %select_n3A_628 : vector<16xi32> to vector<16x1xi32>
          %gather3A_630 = vector.shape_cast %broadcast_in_dim3A_629 : vector<16x1xi32> to vector<16xi32>
          %gather3A_631 = tpu.dynamic_gather %select_n3A_291[%gather3A_630] in [0] : vector<16xf32>, vector<16xi32> -> vector<16xf32>
          %mul3A_632 = arith.constant 16 : i32
          %mul3A_633 = arith.muli %scan3A_248, %mul3A_632 : i32
          %add3A_634 = arith.constant 11 : i32
          %add3A_635 = arith.addi %mul3A_633, %add3A_634 : i32
          %get3A_636 = arith.index_cast %add3A_635 : i32 to index
          %get3A_637 = arith.constant 0 : index
          %get3A_638 = tpu.vector_load %arg7[%get3A_636, %get3A_637] {strides = array<i32>} : memref<512x32xf32, #tpu.memory_space<vmem>>, vector<16xf32>,
          %mul3A_639 = arith.mulf %get3A_638, %gather3A_631 : vector<16xf32>
          %swap3A_640 = arith.index_cast %add3A_635 : i32 to index
          %swap3A_641 = arith.constant 0 : index
          %swap3A_642 = tpu.vector_load %arg7[%swap3A_640, %swap3A_641] {strides = array<i32>} : memref<512x32xf32, #tpu.memory_space<vmem>>, vector<16xf32>,
          tpu.vector_store %arg7[%swap3A_640, %swap3A_641], %mul3A_639 {strides = array<i32>} : memref<512x32xf32, #tpu.memory_space<vmem>>, vector<16xf32>,
          %get3A_643 = arith.index_cast %add3A_635 : i32 to index
          %get3A_644 = arith.constant 16 : index
          %get3A_645 = tpu.vector_load %arg7[%get3A_643, %get3A_644] {strides = array<i32>} : memref<512x32xf32, #tpu.memory_space<vmem>>, vector<16xf32>,
          %mul3A_646 = arith.mulf %get3A_645, %gather3A_631 : vector<16xf32>
          %swap3A_647 = arith.index_cast %add3A_635 : i32 to index
          %swap3A_648 = arith.constant 16 : index
          %swap3A_649 = tpu.vector_load %arg7[%swap3A_647, %swap3A_648] {strides = array<i32>} : memref<512x32xf32, #tpu.memory_space<vmem>>, vector<16xf32>,
          tpu.vector_store %arg7[%swap3A_647, %swap3A_648], %mul3A_646 {strides = array<i32>} : memref<512x32xf32, #tpu.memory_space<vmem>>, vector<16xf32>,
          %broadcast_in_dim3A_650 = arith.constant 12 : i32
          %broadcast_in_dim3A_651 = vector.broadcast %broadcast_in_dim3A_650 : i32 to vector<16xi32>
          %lt3A_652 = arith.constant 0 : i32
          %lt3A_653 = vector.broadcast %lt3A_652 : i32 to vector<16xi32>
          %lt3A_654 = arith.cmpi slt, %broadcast_in_dim3A_651, %lt3A_653 : vector<16xi32>
          %add3A_655 = arith.constant 16 : i32
          %add3A_656 = vector.broadcast %add3A_655 : i32 to vector<16xi32>
          %add3A_657 = arith.addi %broadcast_in_dim3A_651, %add3A_656 : vector<16xi32>
          %select_n3A_658 = arith.select %lt3A_654, %add3A_657, %broadcast_in_dim3A_651 : vector<16xi1>, vector<16xi32>
          %broadcast_in_dim3A_659 = vector.shape_cast %select_n3A_658 : vector<16xi32> to vector<16x1xi32>
          %gather3A_660 = vector.shape_cast %broadcast_in_dim3A_659 : vector<16x1xi32> to vector<16xi32>
          %gather3A_661 = tpu.dynamic_gather %select_n3A_291[%gather3A_660] in [0] : vector<16xf32>, vector<16xi32> -> vector<16xf32>
          %mul3A_662 = arith.constant 16 : i32
          %mul3A_663 = arith.muli %scan3A_248, %mul3A_662 : i32
          %add3A_664 = arith.constant 12 : i32
          %add3A_665 = arith.addi %mul3A_663, %add3A_664 : i32
          %get3A_666 = arith.index_cast %add3A_665 : i32 to index
          %get3A_667 = arith.constant 0 : index
          %get3A_668 = tpu.vector_load %arg7[%get3A_666, %get3A_667] {strides = array<i32>} : memref<512x32xf32, #tpu.memory_space<vmem>>, vector<16xf32>,
          %mul3A_669 = arith.mulf %get3A_668, %gather3A_661 : vector<16xf32>
          %swap3A_670 = arith.index_cast %add3A_665 : i32 to index
          %swap3A_671 = arith.constant 0 : index
          %swap3A_672 = tpu.vector_load %arg7[%swap3A_670, %swap3A_671] {strides = array<i32>} : memref<512x32xf32, #tpu.memory_space<vmem>>, vector<16xf32>,
          tpu.vector_store %arg7[%swap3A_670, %swap3A_671], %mul3A_669 {strides = array<i32>} : memref<512x32xf32, #tpu.memory_space<vmem>>, vector<16xf32>,
          %get3A_673 = arith.index_cast %add3A_665 : i32 to index
          %get3A_674 = arith.constant 16 : index
          %get3A_675 = tpu.vector_load %arg7[%get3A_673, %get3A_674] {strides = array<i32>} : memref<512x32xf32, #tpu.memory_space<vmem>>, vector<16xf32>,
          %mul3A_676 = arith.mulf %get3A_675, %gather3A_661 : vector<16xf32>
          %swap3A_677 = arith.index_cast %add3A_665 : i32 to index
          %swap3A_678 = arith.constant 16 : index
          %swap3A_679 = tpu.vector_load %arg7[%swap3A_677, %swap3A_678] {strides = array<i32>} : memref<512x32xf32, #tpu.memory_space<vmem>>, vector<16xf32>,
          tpu.vector_store %arg7[%swap3A_677, %swap3A_678], %mul3A_676 {strides = array<i32>} : memref<512x32xf32, #tpu.memory_space<vmem>>, vector<16xf32>,
          %broadcast_in_dim3A_680 = arith.constant 13 : i32
          %broadcast_in_dim3A_681 = vector.broadcast %broadcast_in_dim3A_680 : i32 to vector<16xi32>
          %lt3A_682 = arith.constant 0 : i32
          %lt3A_683 = vector.broadcast %lt3A_682 : i32 to vector<16xi32>
          %lt3A_684 = arith.cmpi slt, %broadcast_in_dim3A_681, %lt3A_683 : vector<16xi32>
          %add3A_685 = arith.constant 16 : i32
          %add3A_686 = vector.broadcast %add3A_685 : i32 to vector<16xi32>
          %add3A_687 = arith.addi %broadcast_in_dim3A_681, %add3A_686 : vector<16xi32>
          %select_n3A_688 = arith.select %lt3A_684, %add3A_687, %broadcast_in_dim3A_681 : vector<16xi1>, vector<16xi32>
          %broadcast_in_dim3A_689 = vector.shape_cast %select_n3A_688 : vector<16xi32> to vector<16x1xi32>
          %gather3A_690 = vector.shape_cast %broadcast_in_dim3A_689 : vector<16x1xi32> to vector<16xi32>
          %gather3A_691 = tpu.dynamic_gather %select_n3A_291[%gather3A_690] in [0] : vector<16xf32>, vector<16xi32> -> vector<16xf32>
          %mul3A_692 = arith.constant 16 : i32
          %mul3A_693 = arith.muli %scan3A_248, %mul3A_692 : i32
          %add3A_694 = arith.constant 13 : i32
          %add3A_695 = arith.addi %mul3A_693, %add3A_694 : i32
          %get3A_696 = arith.index_cast %add3A_695 : i32 to index
          %get3A_697 = arith.constant 0 : index
          %get3A_698 = tpu.vector_load %arg7[%get3A_696, %get3A_697] {strides = array<i32>} : memref<512x32xf32, #tpu.memory_space<vmem>>, vector<16xf32>,
          %mul3A_699 = arith.mulf %get3A_698, %gather3A_691 : vector<16xf32>
          %swap3A_700 = arith.index_cast %add3A_695 : i32 to index
          %swap3A_701 = arith.constant 0 : index
          %swap3A_702 = tpu.vector_load %arg7[%swap3A_700, %swap3A_701] {strides = array<i32>} : memref<512x32xf32, #tpu.memory_space<vmem>>, vector<16xf32>,
          tpu.vector_store %arg7[%swap3A_700, %swap3A_701], %mul3A_699 {strides = array<i32>} : memref<512x32xf32, #tpu.memory_space<vmem>>, vector<16xf32>,
          %get3A_703 = arith.index_cast %add3A_695 : i32 to index
          %get3A_704 = arith.constant 16 : index
          %get3A_705 = tpu.vector_load %arg7[%get3A_703, %get3A_704] {strides = array<i32>} : memref<512x32xf32, #tpu.memory_space<vmem>>, vector<16xf32>,
          %mul3A_706 = arith.mulf %get3A_705, %gather3A_691 : vector<16xf32>
          %swap3A_707 = arith.index_cast %add3A_695 : i32 to index
          %swap3A_708 = arith.constant 16 : index
          %swap3A_709 = tpu.vector_load %arg7[%swap3A_707, %swap3A_708] {strides = array<i32>} : memref<512x32xf32, #tpu.memory_space<vmem>>, vector<16xf32>,
          tpu.vector_store %arg7[%swap3A_707, %swap3A_708], %mul3A_706 {strides = array<i32>} : memref<512x32xf32, #tpu.memory_space<vmem>>, vector<16xf32>,
          %broadcast_in_dim3A_710 = arith.constant 14 : i32
          %broadcast_in_dim3A_711 = vector.broadcast %broadcast_in_dim3A_710 : i32 to vector<16xi32>
          %lt3A_712 = arith.constant 0 : i32
          %lt3A_713 = vector.broadcast %lt3A_712 : i32 to vector<16xi32>
          %lt3A_714 = arith.cmpi slt, %broadcast_in_dim3A_711, %lt3A_713 : vector<16xi32>
          %add3A_715 = arith.constant 16 : i32
          %add3A_716 = vector.broadcast %add3A_715 : i32 to vector<16xi32>
          %add3A_717 = arith.addi %broadcast_in_dim3A_711, %add3A_716 : vector<16xi32>
          %select_n3A_718 = arith.select %lt3A_714, %add3A_717, %broadcast_in_dim3A_711 : vector<16xi1>, vector<16xi32>
          %broadcast_in_dim3A_719 = vector.shape_cast %select_n3A_718 : vector<16xi32> to vector<16x1xi32>
          %gather3A_720 = vector.shape_cast %broadcast_in_dim3A_719 : vector<16x1xi32> to vector<16xi32>
          %gather3A_721 = tpu.dynamic_gather %select_n3A_291[%gather3A_720] in [0] : vector<16xf32>, vector<16xi32> -> vector<16xf32>
          %mul3A_722 = arith.constant 16 : i32
          %mul3A_723 = arith.muli %scan3A_248, %mul3A_722 : i32
          %add3A_724 = arith.constant 14 : i32
          %add3A_725 = arith.addi %mul3A_723, %add3A_724 : i32
          %get3A_726 = arith.index_cast %add3A_725 : i32 to index
          %get3A_727 = arith.constant 0 : index
          %get3A_728 = tpu.vector_load %arg7[%get3A_726, %get3A_727] {strides = array<i32>} : memref<512x32xf32, #tpu.memory_space<vmem>>, vector<16xf32>,
          %mul3A_729 = arith.mulf %get3A_728, %gather3A_721 : vector<16xf32>
          %swap3A_730 = arith.index_cast %add3A_725 : i32 to index
          %swap3A_731 = arith.constant 0 : index
          %swap3A_732 = tpu.vector_load %arg7[%swap3A_730, %swap3A_731] {strides = array<i32>} : memref<512x32xf32, #tpu.memory_space<vmem>>, vector<16xf32>,
          tpu.vector_store %arg7[%swap3A_730, %swap3A_731], %mul3A_729 {strides = array<i32>} : memref<512x32xf32, #tpu.memory_space<vmem>>, vector<16xf32>,
          %get3A_733 = arith.index_cast %add3A_725 : i32 to index
          %get3A_734 = arith.constant 16 : index
          %get3A_735 = tpu.vector_load %arg7[%get3A_733, %get3A_734] {strides = array<i32>} : memref<512x32xf32, #tpu.memory_space<vmem>>, vector<16xf32>,
          %mul3A_736 = arith.mulf %get3A_735, %gather3A_721 : vector<16xf32>
          %swap3A_737 = arith.index_cast %add3A_725 : i32 to index
          %swap3A_738 = arith.constant 16 : index
          %swap3A_739 = tpu.vector_load %arg7[%swap3A_737, %swap3A_738] {strides = array<i32>} : memref<512x32xf32, #tpu.memory_space<vmem>>, vector<16xf32>,
          tpu.vector_store %arg7[%swap3A_737, %swap3A_738], %mul3A_736 {strides = array<i32>} : memref<512x32xf32, #tpu.memory_space<vmem>>, vector<16xf32>,
          %broadcast_in_dim3A_740 = arith.constant 15 : i32
          %broadcast_in_dim3A_741 = vector.broadcast %broadcast_in_dim3A_740 : i32 to vector<16xi32>
          %lt3A_742 = arith.constant 0 : i32
          %lt3A_743 = vector.broadcast %lt3A_742 : i32 to vector<16xi32>
          %lt3A_744 = arith.cmpi slt, %broadcast_in_dim3A_741, %lt3A_743 : vector<16xi32>
          %add3A_745 = arith.constant 16 : i32
          %add3A_746 = vector.broadcast %add3A_745 : i32 to vector<16xi32>
          %add3A_747 = arith.addi %broadcast_in_dim3A_741, %add3A_746 : vector<16xi32>
          %select_n3A_748 = arith.select %lt3A_744, %add3A_747, %broadcast_in_dim3A_741 : vector<16xi1>, vector<16xi32>
          %broadcast_in_dim3A_749 = vector.shape_cast %select_n3A_748 : vector<16xi32> to vector<16x1xi32>
          %gather3A_750 = vector.shape_cast %broadcast_in_dim3A_749 : vector<16x1xi32> to vector<16xi32>
          %gather3A_751 = tpu.dynamic_gather %select_n3A_291[%gather3A_750] in [0] : vector<16xf32>, vector<16xi32> -> vector<16xf32>
          %mul3A_752 = arith.constant 16 : i32
          %mul3A_753 = arith.muli %scan3A_248, %mul3A_752 : i32
          %add3A_754 = arith.constant 15 : i32
          %add3A_755 = arith.addi %mul3A_753, %add3A_754 : i32
          %get3A_756 = arith.index_cast %add3A_755 : i32 to index
          %get3A_757 = arith.constant 0 : index
          %get3A_758 = tpu.vector_load %arg7[%get3A_756, %get3A_757] {strides = array<i32>} : memref<512x32xf32, #tpu.memory_space<vmem>>, vector<16xf32>,
          %mul3A_759 = arith.mulf %get3A_758, %gather3A_751 : vector<16xf32>
          %swap3A_760 = arith.index_cast %add3A_755 : i32 to index
          %swap3A_761 = arith.constant 0 : index
          %swap3A_762 = tpu.vector_load %arg7[%swap3A_760, %swap3A_761] {strides = array<i32>} : memref<512x32xf32, #tpu.memory_space<vmem>>, vector<16xf32>,
          tpu.vector_store %arg7[%swap3A_760, %swap3A_761], %mul3A_759 {strides = array<i32>} : memref<512x32xf32, #tpu.memory_space<vmem>>, vector<16xf32>,
          %get3A_763 = arith.index_cast %add3A_755 : i32 to index
          %get3A_764 = arith.constant 16 : index
          %get3A_765 = tpu.vector_load %arg7[%get3A_763, %get3A_764] {strides = array<i32>} : memref<512x32xf32, #tpu.memory_space<vmem>>, vector<16xf32>,
          %mul3A_766 = arith.mulf %get3A_765, %gather3A_751 : vector<16xf32>
          %swap3A_767 = arith.index_cast %add3A_755 : i32 to index
          %swap3A_768 = arith.constant 16 : index
          %swap3A_769 = tpu.vector_load %arg7[%swap3A_767, %swap3A_768] {strides = array<i32>} : memref<512x32xf32, #tpu.memory_space<vmem>>, vector<16xf32>,
          tpu.vector_store %arg7[%swap3A_767, %swap3A_768], %mul3A_766 {strides = array<i32>} : memref<512x32xf32, #tpu.memory_space<vmem>>, vector<16xf32>,
        }
        %scan3A_247 = arith.constant 32 : i32
      } else {
      }
      %mul3A_145 = arith.constant 512 : i32
      %mul3A_146 = arith.muli %add3A, %mul3A_145 : i32
      %dma_start3A_147 = arith.constant 0 : i32
      %dma_start3A_148 = tpu.memref_slice %arg4[%mul3A_49, %mul3A_146, %dma_start3A_147] : memref<50x16384x32xf32, #tpu.memory_space<hbm>> -> memref<1x512x32xf32, #tpu.memory_space<hbm>>
      %dma_start3A_149 = tpu.memref_squeeze %dma_start3A_148 : memref<1x512x32xf32, #tpu.memory_space<hbm>> -> memref<512x32xf32, #tpu.memory_space<hbm>>
      %dma_start3A_150 = arith.constant 0 : i32
      %dma_start3A_151 = tpu.memref_slice %arg4[%mul3A_49, %mul3A_146, %dma_start3A_150] : memref<50x16384x32xf32, #tpu.memory_space<hbm>> -> memref<1x512x32xf32, #tpu.memory_space<hbm>>
      %dma_start3A_152 = tpu.memref_squeeze %dma_start3A_151 : memref<1x512x32xf32, #tpu.memory_space<hbm>> -> memref<512x32xf32, #tpu.memory_space<hbm>>
      tpu.enqueue_dma source(%arg7 : memref<512x32xf32, #tpu.memory_space<vmem>>) target(%dma_start3A_152 : memref<512x32xf32, #tpu.memory_space<hbm>>) target_semaphore(%arg11 : memref<!tpu.dma_semaphore, #tpu.memory_space<semaphore_mem>>)
      %add3A_153 = arith.constant 1 : i32
      %add3A_154 = arith.addi %mul3A_49, %add3A_153 : i32
      %broadcast_in_dim3A_155 = arith.constant 0 : i32
      %broadcast_in_dim3A_156 = vector.broadcast %broadcast_in_dim3A_155 : i32 to vector<16xi32>
      %scan3A_157 = arith.constant 0 : i32
      %scan3A_158 = arith.constant 4 : i32
      %scan3A_159 = arith.addi %scan3A_157, %scan3A_158 : i32
      %scan3A_160 = arith.constant 1 : i32
      %scan3A_161 = scf.for %scan3A_242 = %scan3A_157 to %scan3A_159 step %scan3A_160 iter_args(%scan3A_243 = %broadcast_in_dim3A_156) -> (vector<16xi32>)  : i32 {
        %get3A = arith.index_cast %scan3A_242 : i32 to index
        %get3A_244 = arith.constant 0 : index
        %get3A_245 = tpu.vector_load %arg6[%get3A, %get3A_244] {strides = array<i32>} : memref<4x128xi32, #tpu.memory_space<vmem>>, vector<16xi32>,
        %eq3A = arith.constant 0 : i32
        %eq3A_246 = vector.broadcast %eq3A : i32 to vector<16xi32>
        %eq3A_247 = arith.cmpi eq, %get3A_245, %eq3A_246 : vector<16xi32>
        %jit3A = arith.constant 1 : i32
        %jit3A_248 = arith.constant 0 : i32
        %broadcast_in_dim3A_249 = vector.broadcast %jit3A : i32 to vector<16xi32>
        %broadcast_in_dim3A_250 = vector.broadcast %jit3A_248 : i32 to vector<16xi32>
        %select_n3A = arith.select %eq3A_247, %broadcast_in_dim3A_249, %broadcast_in_dim3A_250 : vector<16xi1>, vector<16xi32>
        %add3A_251 = arith.addi %scan3A_243, %select_n3A : vector<16xi32>
        %get3A_252 = arith.index_cast %scan3A_242 : i32 to index
        %get3A_253 = arith.constant 16 : index
        %get3A_254 = tpu.vector_load %arg6[%get3A_252, %get3A_253] {strides = array<i32>} : memref<4x128xi32, #tpu.memory_space<vmem>>, vector<16xi32>,
        %eq3A_255 = arith.constant 0 : i32
        %eq3A_256 = vector.broadcast %eq3A_255 : i32 to vector<16xi32>
        %eq3A_257 = arith.cmpi eq, %get3A_254, %eq3A_256 : vector<16xi32>
        %jit3A_258 = arith.constant 1 : i32
        %jit3A_259 = arith.constant 0 : i32
        %broadcast_in_dim3A_260 = vector.broadcast %jit3A_258 : i32 to vector<16xi32>
        %broadcast_in_dim3A_261 = vector.broadcast %jit3A_259 : i32 to vector<16xi32>
        %select_n3A_262 = arith.select %eq3A_257, %broadcast_in_dim3A_260, %broadcast_in_dim3A_261 : vector<16xi1>, vector<16xi32>
        %add3A_263 = arith.addi %add3A_251, %select_n3A_262 : vector<16xi32>
        %get3A_264 = arith.index_cast %scan3A_242 : i32 to index
        %get3A_265 = arith.constant 32 : index
        %get3A_266 = tpu.vector_load %arg6[%get3A_264, %get3A_265] {strides = array<i32>} : memref<4x128xi32, #tpu.memory_space<vmem>>, vector<16xi32>,
        %eq3A_267 = arith.constant 0 : i32
        %eq3A_268 = vector.broadcast %eq3A_267 : i32 to vector<16xi32>
        %eq3A_269 = arith.cmpi eq, %get3A_266, %eq3A_268 : vector<16xi32>
        %jit3A_270 = arith.constant 1 : i32
        %jit3A_271 = arith.constant 0 : i32
        %broadcast_in_dim3A_272 = vector.broadcast %jit3A_270 : i32 to vector<16xi32>
        %broadcast_in_dim3A_273 = vector.broadcast %jit3A_271 : i32 to vector<16xi32>
        %select_n3A_274 = arith.select %eq3A_269, %broadcast_in_dim3A_272, %broadcast_in_dim3A_273 : vector<16xi1>, vector<16xi32>
        %add3A_275 = arith.addi %add3A_263, %select_n3A_274 : vector<16xi32>
        %get3A_276 = arith.index_cast %scan3A_242 : i32 to index
        %get3A_277 = arith.constant 48 : index
        %get3A_278 = tpu.vector_load %arg6[%get3A_276, %get3A_277] {strides = array<i32>} : memref<4x128xi32, #tpu.memory_space<vmem>>, vector<16xi32>,
        %eq3A_279 = arith.constant 0 : i32
        %eq3A_280 = vector.broadcast %eq3A_279 : i32 to vector<16xi32>
        %eq3A_281 = arith.cmpi eq, %get3A_278, %eq3A_280 : vector<16xi32>
        %jit3A_282 = arith.constant 1 : i32
        %jit3A_283 = arith.constant 0 : i32
        %broadcast_in_dim3A_284 = vector.broadcast %jit3A_282 : i32 to vector<16xi32>
        %broadcast_in_dim3A_285 = vector.broadcast %jit3A_283 : i32 to vector<16xi32>
        %select_n3A_286 = arith.select %eq3A_281, %broadcast_in_dim3A_284, %broadcast_in_dim3A_285 : vector<16xi1>, vector<16xi32>
        %add3A_287 = arith.addi %add3A_275, %select_n3A_286 : vector<16xi32>
        %get3A_288 = arith.index_cast %scan3A_242 : i32 to index
        %get3A_289 = arith.constant 64 : index
        %get3A_290 = tpu.vector_load %arg6[%get3A_288, %get3A_289] {strides = array<i32>} : memref<4x128xi32, #tpu.memory_space<vmem>>, vector<16xi32>,
        %eq3A_291 = arith.constant 0 : i32
        %eq3A_292 = vector.broadcast %eq3A_291 : i32 to vector<16xi32>
        %eq3A_293 = arith.cmpi eq, %get3A_290, %eq3A_292 : vector<16xi32>
        %jit3A_294 = arith.constant 1 : i32
        %jit3A_295 = arith.constant 0 : i32
        %broadcast_in_dim3A_296 = vector.broadcast %jit3A_294 : i32 to vector<16xi32>
        %broadcast_in_dim3A_297 = vector.broadcast %jit3A_295 : i32 to vector<16xi32>
        %select_n3A_298 = arith.select %eq3A_293, %broadcast_in_dim3A_296, %broadcast_in_dim3A_297 : vector<16xi1>, vector<16xi32>
        %add3A_299 = arith.addi %add3A_287, %select_n3A_298 : vector<16xi32>
        %get3A_300 = arith.index_cast %scan3A_242 : i32 to index
        %get3A_301 = arith.constant 80 : index
        %get3A_302 = tpu.vector_load %arg6[%get3A_300, %get3A_301] {strides = array<i32>} : memref<4x128xi32, #tpu.memory_space<vmem>>, vector<16xi32>,
        %eq3A_303 = arith.constant 0 : i32
        %eq3A_304 = vector.broadcast %eq3A_303 : i32 to vector<16xi32>
        %eq3A_305 = arith.cmpi eq, %get3A_302, %eq3A_304 : vector<16xi32>
        %jit3A_306 = arith.constant 1 : i32
        %jit3A_307 = arith.constant 0 : i32
        %broadcast_in_dim3A_308 = vector.broadcast %jit3A_306 : i32 to vector<16xi32>
        %broadcast_in_dim3A_309 = vector.broadcast %jit3A_307 : i32 to vector<16xi32>
        %select_n3A_310 = arith.select %eq3A_305, %broadcast_in_dim3A_308, %broadcast_in_dim3A_309 : vector<16xi1>, vector<16xi32>
        %add3A_311 = arith.addi %add3A_299, %select_n3A_310 : vector<16xi32>
        %get3A_312 = arith.index_cast %scan3A_242 : i32 to index
        %get3A_313 = arith.constant 96 : index
        %get3A_314 = tpu.vector_load %arg6[%get3A_312, %get3A_313] {strides = array<i32>} : memref<4x128xi32, #tpu.memory_space<vmem>>, vector<16xi32>,
        %eq3A_315 = arith.constant 0 : i32
        %eq3A_316 = vector.broadcast %eq3A_315 : i32 to vector<16xi32>
        %eq3A_317 = arith.cmpi eq, %get3A_314, %eq3A_316 : vector<16xi32>
        %jit3A_318 = arith.constant 1 : i32
        %jit3A_319 = arith.constant 0 : i32
        %broadcast_in_dim3A_320 = vector.broadcast %jit3A_318 : i32 to vector<16xi32>
        %broadcast_in_dim3A_321 = vector.broadcast %jit3A_319 : i32 to vector<16xi32>
        %select_n3A_322 = arith.select %eq3A_317, %broadcast_in_dim3A_320, %broadcast_in_dim3A_321 : vector<16xi1>, vector<16xi32>
        %add3A_323 = arith.addi %add3A_311, %select_n3A_322 : vector<16xi32>
        %get3A_324 = arith.index_cast %scan3A_242 : i32 to index
        %get3A_325 = arith.constant 112 : index
        %get3A_326 = tpu.vector_load %arg6[%get3A_324, %get3A_325] {strides = array<i32>} : memref<4x128xi32, #tpu.memory_space<vmem>>, vector<16xi32>,
        %eq3A_327 = arith.constant 0 : i32
        %eq3A_328 = vector.broadcast %eq3A_327 : i32 to vector<16xi32>
        %eq3A_329 = arith.cmpi eq, %get3A_326, %eq3A_328 : vector<16xi32>
        %jit3A_330 = arith.constant 1 : i32
        %jit3A_331 = arith.constant 0 : i32
        %broadcast_in_dim3A_332 = vector.broadcast %jit3A_330 : i32 to vector<16xi32>
        %broadcast_in_dim3A_333 = vector.broadcast %jit3A_331 : i32 to vector<16xi32>
        %select_n3A_334 = arith.select %eq3A_329, %broadcast_in_dim3A_332, %broadcast_in_dim3A_333 : vector<16xi1>, vector<16xi32>
        %add3A_335 = arith.addi %add3A_323, %select_n3A_334 : vector<16xi32>
        scf.yield %add3A_335 : vector<16xi32>
      }
      %scan3A_162 = arith.constant 4 : i32
      %reduce_sum3A_163 = arith.constant true
      %reduce_sum3A_164 = vector.broadcast %reduce_sum3A_163 : i1 to vector<16xi1>
      %reduce_sum3A_165 = tpu.scan <sum>, %scan3A_161 masked %reduce_sum3A_164 : vector<16xi32>, vector<16xi1> -> vector<16xi32>
      %reduce_sum3A_166 = vector.extract %reduce_sum3A_165[15] : i32 from vector<16xi32>
      %gt3A_167 = arith.constant 0 : i32
      %gt3A_168 = arith.cmpi sgt, %reduce_sum3A_166, %gt3A_167 : i32
      %dma_wait3A_169 = arith.constant 0 : i32
      %dma_wait3A_170 = arith.constant 0 : i32
      %dma_wait3A_171 = arith.constant 0 : i32
      %dma_wait3A_172 = tpu.memref_slice %arg8[%dma_wait3A_170, %dma_wait3A_171] : memref<512x32xf32, #tpu.memory_space<vmem>> -> memref<128x32xf32, #tpu.memory_space<vmem>>
      %dma_wait3A_173 = arith.constant 0 : i32
      %dma_wait3A_174 = tpu.memref_slice %arg6[%dma_wait3A_169, %dma_wait3A_173] : memref<4x128xi32, #tpu.memory_space<vmem>> -> memref<1x128xi32, #tpu.memory_space<vmem>>
      %dma_wait3A_175 = tpu.memref_squeeze %dma_wait3A_174 : memref<1x128xi32, #tpu.memory_space<vmem>> -> memref<128xi32, #tpu.memory_space<vmem>>
      %dma_wait3A_176 = arith.constant 0 : i32
      %dma_wait3A_177 = arith.constant 0 : i32
      %dma_wait3A_178 = tpu.memref_slice %arg3[%dma_wait3A_176, %dma_wait3A_177] : memref<1000000x32xf32, #tpu.memory_space<hbm>> -> memref<1000000x32xf32, #tpu.memory_space<hbm>>
      tpu.wait_indirect_dma semaphore(%arg10 : memref<!tpu.dma_semaphore, #tpu.memory_space<semaphore_mem>>) src(%dma_wait3A_178 : memref<1000000x32xf32, #tpu.memory_space<hbm>>) dst(%dma_wait3A_172 : memref<128x32xf32, #tpu.memory_space<vmem>>)
      %dma_wait3A_179 = arith.constant 1 : i32
      %dma_wait3A_180 = arith.constant 128 : i32
      %dma_wait3A_181 = arith.constant 0 : i32
      %dma_wait3A_182 = tpu.memref_slice %arg8[%dma_wait3A_180, %dma_wait3A_181] : memref<512x32xf32, #tpu.memory_space<vmem>> -> memref<128x32xf32, #tpu.memory_space<vmem>>
      %dma_wait3A_183 = arith.constant 0 : i32
      %dma_wait3A_184 = tpu.memref_slice %arg6[%dma_wait3A_179, %dma_wait3A_183] : memref<4x128xi32, #tpu.memory_space<vmem>> -> memref<1x128xi32, #tpu.memory_space<vmem>>
      %dma_wait3A_185 = tpu.memref_squeeze %dma_wait3A_184 : memref<1x128xi32, #tpu.memory_space<vmem>> -> memref<128xi32, #tpu.memory_space<vmem>>
      %dma_wait3A_186 = arith.constant 0 : i32
      %dma_wait3A_187 = arith.constant 0 : i32
      %dma_wait3A_188 = tpu.memref_slice %arg3[%dma_wait3A_186, %dma_wait3A_187] : memref<1000000x32xf32, #tpu.memory_space<hbm>> -> memref<1000000x32xf32, #tpu.memory_space<hbm>>
      tpu.wait_indirect_dma semaphore(%arg10 : memref<!tpu.dma_semaphore, #tpu.memory_space<semaphore_mem>>) src(%dma_wait3A_188 : memref<1000000x32xf32, #tpu.memory_space<hbm>>) dst(%dma_wait3A_182 : memref<128x32xf32, #tpu.memory_space<vmem>>)
      %dma_wait3A_189 = arith.constant 2 : i32
      %dma_wait3A_190 = arith.constant 256 : i32
      %dma_wait3A_191 = arith.constant 0 : i32
      %dma_wait3A_192 = tpu.memref_slice %arg8[%dma_wait3A_190, %dma_wait3A_191] : memref<512x32xf32, #tpu.memory_space<vmem>> -> memref<128x32xf32, #tpu.memory_space<vmem>>
      %dma_wait3A_193 = arith.constant 0 : i32
      %dma_wait3A_194 = tpu.memref_slice %arg6[%dma_wait3A_189, %dma_wait3A_193] : memref<4x128xi32, #tpu.memory_space<vmem>> -> memref<1x128xi32, #tpu.memory_space<vmem>>
      %dma_wait3A_195 = tpu.memref_squeeze %dma_wait3A_194 : memref<1x128xi32, #tpu.memory_space<vmem>> -> memref<128xi32, #tpu.memory_space<vmem>>
      %dma_wait3A_196 = arith.constant 0 : i32
      %dma_wait3A_197 = arith.constant 0 : i32
      %dma_wait3A_198 = tpu.memref_slice %arg3[%dma_wait3A_196, %dma_wait3A_197] : memref<1000000x32xf32, #tpu.memory_space<hbm>> -> memref<1000000x32xf32, #tpu.memory_space<hbm>>
      tpu.wait_indirect_dma semaphore(%arg10 : memref<!tpu.dma_semaphore, #tpu.memory_space<semaphore_mem>>) src(%dma_wait3A_198 : memref<1000000x32xf32, #tpu.memory_space<hbm>>) dst(%dma_wait3A_192 : memref<128x32xf32, #tpu.memory_space<vmem>>)
      %dma_wait3A_199 = arith.constant 3 : i32
      %dma_wait3A_200 = arith.constant 384 : i32
      %dma_wait3A_201 = arith.constant 0 : i32
      %dma_wait3A_202 = tpu.memref_slice %arg8[%dma_wait3A_200, %dma_wait3A_201] : memref<512x32xf32, #tpu.memory_space<vmem>> -> memref<128x32xf32, #tpu.memory_space<vmem>>
      %dma_wait3A_203 = arith.constant 0 : i32
      %dma_wait3A_204 = tpu.memref_slice %arg6[%dma_wait3A_199, %dma_wait3A_203] : memref<4x128xi32, #tpu.memory_space<vmem>> -> memref<1x128xi32, #tpu.memory_space<vmem>>
      %dma_wait3A_205 = tpu.memref_squeeze %dma_wait3A_204 : memref<1x128xi32, #tpu.memory_space<vmem>> -> memref<128xi32, #tpu.memory_space<vmem>>
      %dma_wait3A_206 = arith.constant 0 : i32
      %dma_wait3A_207 = arith.constant 0 : i32
      %dma_wait3A_208 = tpu.memref_slice %arg3[%dma_wait3A_206, %dma_wait3A_207] : memref<1000000x32xf32, #tpu.memory_space<hbm>> -> memref<1000000x32xf32, #tpu.memory_space<hbm>>
      tpu.wait_indirect_dma semaphore(%arg10 : memref<!tpu.dma_semaphore, #tpu.memory_space<semaphore_mem>>) src(%dma_wait3A_208 : memref<1000000x32xf32, #tpu.memory_space<hbm>>) dst(%dma_wait3A_202 : memref<128x32xf32, #tpu.memory_space<vmem>>)
      %convert_element_type3A_209 = arith.extui %gt3A_168 : i1 to i32
      %cond3A_210 = arith.constant 0 : i32
      %cond3A_211 = arith.cmpi ne, %convert_element_type3A_209, %cond3A_210 : i32
      scf.if %cond3A_211 {
        %scan3A_242 = arith.constant 0 : i32
        %scan3A_243 = arith.constant 0 : i32
        %scan3A_244 = arith.constant 32 : i32
        %scan3A_245 = arith.addi %scan3A_243, %scan3A_244 : i32
        %scan3A_246 = arith.constant 1 : i32
        scf.for %scan3A_248 = %scan3A_243 to %scan3A_245 step %scan3A_246  : i32 {
          %jit3A = arith.constant 8 : i32
          %div3A = arith.divsi %scan3A_248, %jit3A : i32
          %sign3A = arith.constant 0 : i32
          %sign3A_249 = arith.cmpi sgt, %scan3A_248, %sign3A : i32
          %sign3A_250 = arith.extui %sign3A_249 : i1 to i32
          %sign3A_251 = arith.constant 0 : i32
          %sign3A_252 = arith.cmpi slt, %scan3A_248, %sign3A_251 : i32
          %sign3A_253 = arith.extui %sign3A_252 : i1 to i32
          %sign3A_254 = arith.subi %sign3A_250, %sign3A_253 : i32
          %sign3A_255 = arith.constant 0 : i32
          %sign3A_256 = arith.cmpi sgt, %jit3A, %sign3A_255 : i32
          %sign3A_257 = arith.extui %sign3A_256 : i1 to i32
          %sign3A_258 = arith.constant 0 : i32
          %sign3A_259 = arith.cmpi slt, %jit3A, %sign3A_258 : i32
          %sign3A_260 = arith.extui %sign3A_259 : i1 to i32
          %sign3A_261 = arith.subi %sign3A_257, %sign3A_260 : i32
          %ne3A = arith.cmpi ne, %sign3A_254, %sign3A_261 : i32
          %rem3A = arith.remsi %scan3A_248, %jit3A : i32
          %ne3A_262 = arith.constant 0 : i32
          %ne3A_263 = arith.cmpi ne, %rem3A, %ne3A_262 : i32
          %and3A = arith.andi %ne3A, %ne3A_263 : i1
          %sub3A = arith.constant 1 : i32
          %sub3A_264 = arith.subi %div3A, %sub3A : i32
          %select_n3A = arith.select %and3A, %sub3A_264, %div3A : i32
          %jit3A_265 = arith.constant 8 : i32
          %eq3A = arith.constant 0 : i32
          %eq3A_266 = arith.cmpi eq, %jit3A_265, %eq3A : i32
          %jit3A_267 = arith.constant 1 : i32
          %select_n3A_268 = arith.select %eq3A_266, %jit3A_267, %jit3A_265 : i32
          %rem3A_269 = arith.remsi %scan3A_248, %select_n3A_268 : i32
          %ne3A_270 = arith.constant 0 : i32
          %ne3A_271 = arith.cmpi ne, %rem3A_269, %ne3A_270 : i32
          %lt3A_272 = arith.constant 0 : i32
          %lt3A_273 = arith.cmpi slt, %rem3A_269, %lt3A_272 : i32
          %lt3A_274 = arith.constant 0 : i32
          %lt3A_275 = arith.cmpi slt, %select_n3A_268, %lt3A_274 : i32
          %ne3A_276 = arith.xori %lt3A_273, %lt3A_275 : i1
          %and3A_277 = arith.andi %ne3A_276, %ne3A_271 : i1
          %add3A_278 = arith.addi %rem3A_269, %select_n3A_268 : i32
          %select_n3A_279 = arith.select %and3A_277, %add3A_278, %rem3A_269 : i32
          %mul3A_280 = arith.constant 16 : i32
          %mul3A_281 = arith.muli %select_n3A_279, %mul3A_280 : i32
          %get3A = arith.index_cast %select_n3A : i32 to index
          %get3A_282 = arith.index_cast %mul3A_281 : i32 to index
          %get3A_283 = tpu.vector_load %arg6[%get3A, %get3A_282] {strides = array<i32>} : memref<4x128xi32, #tpu.memory_space<vmem>>, vector<16xi32>,
          %eq3A_284 = arith.constant 0 : i32
          %eq3A_285 = vector.broadcast %eq3A_284 : i32 to vector<16xi32>
          %eq3A_286 = arith.cmpi eq, %get3A_283, %eq3A_285 : vector<16xi32>
          %jit3A_287 = arith.constant 0.000000e+00 : f32
          %jit3A_288 = arith.constant 1.000000e+00 : f32
          %broadcast_in_dim3A_289 = vector.broadcast %jit3A_287 : f32 to vector<16xf32>
          %broadcast_in_dim3A_290 = vector.broadcast %jit3A_288 : f32 to vector<16xf32>
          %select_n3A_291 = arith.select %eq3A_286, %broadcast_in_dim3A_289, %broadcast_in_dim3A_290 : vector<16xi1>, vector<16xf32>
          %broadcast_in_dim3A_292 = arith.constant 0 : i32
          %broadcast_in_dim3A_293 = vector.broadcast %broadcast_in_dim3A_292 : i32 to vector<16xi32>
          %lt3A_294 = arith.constant 0 : i32
          %lt3A_295 = vector.broadcast %lt3A_294 : i32 to vector<16xi32>
          %lt3A_296 = arith.cmpi slt, %broadcast_in_dim3A_293, %lt3A_295 : vector<16xi32>
          %add3A_297 = arith.constant 16 : i32
          %add3A_298 = vector.broadcast %add3A_297 : i32 to vector<16xi32>
          %add3A_299 = arith.addi %broadcast_in_dim3A_293, %add3A_298 : vector<16xi32>
          %select_n3A_300 = arith.select %lt3A_296, %add3A_299, %broadcast_in_dim3A_293 : vector<16xi1>, vector<16xi32>
          %broadcast_in_dim3A_301 = vector.shape_cast %select_n3A_300 : vector<16xi32> to vector<16x1xi32>
          %gather3A = vector.shape_cast %broadcast_in_dim3A_301 : vector<16x1xi32> to vector<16xi32>
          %gather3A_302 = tpu.dynamic_gather %select_n3A_291[%gather3A] in [0] : vector<16xf32>, vector<16xi32> -> vector<16xf32>
          %mul3A_303 = arith.constant 16 : i32
          %mul3A_304 = arith.muli %scan3A_248, %mul3A_303 : i32
          %add3A_305 = arith.constant 0 : i32
          %add3A_306 = arith.addi %mul3A_304, %add3A_305 : i32
          %get3A_307 = arith.index_cast %add3A_306 : i32 to index
          %get3A_308 = arith.constant 0 : index
          %get3A_309 = tpu.vector_load %arg8[%get3A_307, %get3A_308] {strides = array<i32>} : memref<512x32xf32, #tpu.memory_space<vmem>>, vector<16xf32>,
          %mul3A_310 = arith.mulf %get3A_309, %gather3A_302 : vector<16xf32>
          %swap3A = arith.index_cast %add3A_306 : i32 to index
          %swap3A_311 = arith.constant 0 : index
          %swap3A_312 = tpu.vector_load %arg8[%swap3A, %swap3A_311] {strides = array<i32>} : memref<512x32xf32, #tpu.memory_space<vmem>>, vector<16xf32>,
          tpu.vector_store %arg8[%swap3A, %swap3A_311], %mul3A_310 {strides = array<i32>} : memref<512x32xf32, #tpu.memory_space<vmem>>, vector<16xf32>,
          %get3A_313 = arith.index_cast %add3A_306 : i32 to index
          %get3A_314 = arith.constant 16 : index
          %get3A_315 = tpu.vector_load %arg8[%get3A_313, %get3A_314] {strides = array<i32>} : memref<512x32xf32, #tpu.memory_space<vmem>>, vector<16xf32>,
          %mul3A_316 = arith.mulf %get3A_315, %gather3A_302 : vector<16xf32>
          %swap3A_317 = arith.index_cast %add3A_306 : i32 to index
          %swap3A_318 = arith.constant 16 : index
          %swap3A_319 = tpu.vector_load %arg8[%swap3A_317, %swap3A_318] {strides = array<i32>} : memref<512x32xf32, #tpu.memory_space<vmem>>, vector<16xf32>,
          tpu.vector_store %arg8[%swap3A_317, %swap3A_318], %mul3A_316 {strides = array<i32>} : memref<512x32xf32, #tpu.memory_space<vmem>>, vector<16xf32>,
          %broadcast_in_dim3A_320 = arith.constant 1 : i32
          %broadcast_in_dim3A_321 = vector.broadcast %broadcast_in_dim3A_320 : i32 to vector<16xi32>
          %lt3A_322 = arith.constant 0 : i32
          %lt3A_323 = vector.broadcast %lt3A_322 : i32 to vector<16xi32>
          %lt3A_324 = arith.cmpi slt, %broadcast_in_dim3A_321, %lt3A_323 : vector<16xi32>
          %add3A_325 = arith.constant 16 : i32
          %add3A_326 = vector.broadcast %add3A_325 : i32 to vector<16xi32>
          %add3A_327 = arith.addi %broadcast_in_dim3A_321, %add3A_326 : vector<16xi32>
          %select_n3A_328 = arith.select %lt3A_324, %add3A_327, %broadcast_in_dim3A_321 : vector<16xi1>, vector<16xi32>
          %broadcast_in_dim3A_329 = vector.shape_cast %select_n3A_328 : vector<16xi32> to vector<16x1xi32>
          %gather3A_330 = vector.shape_cast %broadcast_in_dim3A_329 : vector<16x1xi32> to vector<16xi32>
          %gather3A_331 = tpu.dynamic_gather %select_n3A_291[%gather3A_330] in [0] : vector<16xf32>, vector<16xi32> -> vector<16xf32>
          %mul3A_332 = arith.constant 16 : i32
          %mul3A_333 = arith.muli %scan3A_248, %mul3A_332 : i32
          %add3A_334 = arith.constant 1 : i32
          %add3A_335 = arith.addi %mul3A_333, %add3A_334 : i32
          %get3A_336 = arith.index_cast %add3A_335 : i32 to index
          %get3A_337 = arith.constant 0 : index
          %get3A_338 = tpu.vector_load %arg8[%get3A_336, %get3A_337] {strides = array<i32>} : memref<512x32xf32, #tpu.memory_space<vmem>>, vector<16xf32>,
          %mul3A_339 = arith.mulf %get3A_338, %gather3A_331 : vector<16xf32>
          %swap3A_340 = arith.index_cast %add3A_335 : i32 to index
          %swap3A_341 = arith.constant 0 : index
          %swap3A_342 = tpu.vector_load %arg8[%swap3A_340, %swap3A_341] {strides = array<i32>} : memref<512x32xf32, #tpu.memory_space<vmem>>, vector<16xf32>,
          tpu.vector_store %arg8[%swap3A_340, %swap3A_341], %mul3A_339 {strides = array<i32>} : memref<512x32xf32, #tpu.memory_space<vmem>>, vector<16xf32>,
          %get3A_343 = arith.index_cast %add3A_335 : i32 to index
          %get3A_344 = arith.constant 16 : index
          %get3A_345 = tpu.vector_load %arg8[%get3A_343, %get3A_344] {strides = array<i32>} : memref<512x32xf32, #tpu.memory_space<vmem>>, vector<16xf32>,
          %mul3A_346 = arith.mulf %get3A_345, %gather3A_331 : vector<16xf32>
          %swap3A_347 = arith.index_cast %add3A_335 : i32 to index
          %swap3A_348 = arith.constant 16 : index
          %swap3A_349 = tpu.vector_load %arg8[%swap3A_347, %swap3A_348] {strides = array<i32>} : memref<512x32xf32, #tpu.memory_space<vmem>>, vector<16xf32>,
          tpu.vector_store %arg8[%swap3A_347, %swap3A_348], %mul3A_346 {strides = array<i32>} : memref<512x32xf32, #tpu.memory_space<vmem>>, vector<16xf32>,
          %broadcast_in_dim3A_350 = arith.constant 2 : i32
          %broadcast_in_dim3A_351 = vector.broadcast %broadcast_in_dim3A_350 : i32 to vector<16xi32>
          %lt3A_352 = arith.constant 0 : i32
          %lt3A_353 = vector.broadcast %lt3A_352 : i32 to vector<16xi32>
          %lt3A_354 = arith.cmpi slt, %broadcast_in_dim3A_351, %lt3A_353 : vector<16xi32>
          %add3A_355 = arith.constant 16 : i32
          %add3A_356 = vector.broadcast %add3A_355 : i32 to vector<16xi32>
          %add3A_357 = arith.addi %broadcast_in_dim3A_351, %add3A_356 : vector<16xi32>
          %select_n3A_358 = arith.select %lt3A_354, %add3A_357, %broadcast_in_dim3A_351 : vector<16xi1>, vector<16xi32>
          %broadcast_in_dim3A_359 = vector.shape_cast %select_n3A_358 : vector<16xi32> to vector<16x1xi32>
          %gather3A_360 = vector.shape_cast %broadcast_in_dim3A_359 : vector<16x1xi32> to vector<16xi32>
          %gather3A_361 = tpu.dynamic_gather %select_n3A_291[%gather3A_360] in [0] : vector<16xf32>, vector<16xi32> -> vector<16xf32>
          %mul3A_362 = arith.constant 16 : i32
          %mul3A_363 = arith.muli %scan3A_248, %mul3A_362 : i32
          %add3A_364 = arith.constant 2 : i32
          %add3A_365 = arith.addi %mul3A_363, %add3A_364 : i32
          %get3A_366 = arith.index_cast %add3A_365 : i32 to index
          %get3A_367 = arith.constant 0 : index
          %get3A_368 = tpu.vector_load %arg8[%get3A_366, %get3A_367] {strides = array<i32>} : memref<512x32xf32, #tpu.memory_space<vmem>>, vector<16xf32>,
          %mul3A_369 = arith.mulf %get3A_368, %gather3A_361 : vector<16xf32>
          %swap3A_370 = arith.index_cast %add3A_365 : i32 to index
          %swap3A_371 = arith.constant 0 : index
          %swap3A_372 = tpu.vector_load %arg8[%swap3A_370, %swap3A_371] {strides = array<i32>} : memref<512x32xf32, #tpu.memory_space<vmem>>, vector<16xf32>,
          tpu.vector_store %arg8[%swap3A_370, %swap3A_371], %mul3A_369 {strides = array<i32>} : memref<512x32xf32, #tpu.memory_space<vmem>>, vector<16xf32>,
          %get3A_373 = arith.index_cast %add3A_365 : i32 to index
          %get3A_374 = arith.constant 16 : index
          %get3A_375 = tpu.vector_load %arg8[%get3A_373, %get3A_374] {strides = array<i32>} : memref<512x32xf32, #tpu.memory_space<vmem>>, vector<16xf32>,
          %mul3A_376 = arith.mulf %get3A_375, %gather3A_361 : vector<16xf32>
          %swap3A_377 = arith.index_cast %add3A_365 : i32 to index
          %swap3A_378 = arith.constant 16 : index
          %swap3A_379 = tpu.vector_load %arg8[%swap3A_377, %swap3A_378] {strides = array<i32>} : memref<512x32xf32, #tpu.memory_space<vmem>>, vector<16xf32>,
          tpu.vector_store %arg8[%swap3A_377, %swap3A_378], %mul3A_376 {strides = array<i32>} : memref<512x32xf32, #tpu.memory_space<vmem>>, vector<16xf32>,
          %broadcast_in_dim3A_380 = arith.constant 3 : i32
          %broadcast_in_dim3A_381 = vector.broadcast %broadcast_in_dim3A_380 : i32 to vector<16xi32>
          %lt3A_382 = arith.constant 0 : i32
          %lt3A_383 = vector.broadcast %lt3A_382 : i32 to vector<16xi32>
          %lt3A_384 = arith.cmpi slt, %broadcast_in_dim3A_381, %lt3A_383 : vector<16xi32>
          %add3A_385 = arith.constant 16 : i32
          %add3A_386 = vector.broadcast %add3A_385 : i32 to vector<16xi32>
          %add3A_387 = arith.addi %broadcast_in_dim3A_381, %add3A_386 : vector<16xi32>
          %select_n3A_388 = arith.select %lt3A_384, %add3A_387, %broadcast_in_dim3A_381 : vector<16xi1>, vector<16xi32>
          %broadcast_in_dim3A_389 = vector.shape_cast %select_n3A_388 : vector<16xi32> to vector<16x1xi32>
          %gather3A_390 = vector.shape_cast %broadcast_in_dim3A_389 : vector<16x1xi32> to vector<16xi32>
          %gather3A_391 = tpu.dynamic_gather %select_n3A_291[%gather3A_390] in [0] : vector<16xf32>, vector<16xi32> -> vector<16xf32>
          %mul3A_392 = arith.constant 16 : i32
          %mul3A_393 = arith.muli %scan3A_248, %mul3A_392 : i32
          %add3A_394 = arith.constant 3 : i32
          %add3A_395 = arith.addi %mul3A_393, %add3A_394 : i32
          %get3A_396 = arith.index_cast %add3A_395 : i32 to index
          %get3A_397 = arith.constant 0 : index
          %get3A_398 = tpu.vector_load %arg8[%get3A_396, %get3A_397] {strides = array<i32>} : memref<512x32xf32, #tpu.memory_space<vmem>>, vector<16xf32>,
          %mul3A_399 = arith.mulf %get3A_398, %gather3A_391 : vector<16xf32>
          %swap3A_400 = arith.index_cast %add3A_395 : i32 to index
          %swap3A_401 = arith.constant 0 : index
          %swap3A_402 = tpu.vector_load %arg8[%swap3A_400, %swap3A_401] {strides = array<i32>} : memref<512x32xf32, #tpu.memory_space<vmem>>, vector<16xf32>,
          tpu.vector_store %arg8[%swap3A_400, %swap3A_401], %mul3A_399 {strides = array<i32>} : memref<512x32xf32, #tpu.memory_space<vmem>>, vector<16xf32>,
          %get3A_403 = arith.index_cast %add3A_395 : i32 to index
          %get3A_404 = arith.constant 16 : index
          %get3A_405 = tpu.vector_load %arg8[%get3A_403, %get3A_404] {strides = array<i32>} : memref<512x32xf32, #tpu.memory_space<vmem>>, vector<16xf32>,
          %mul3A_406 = arith.mulf %get3A_405, %gather3A_391 : vector<16xf32>
          %swap3A_407 = arith.index_cast %add3A_395 : i32 to index
          %swap3A_408 = arith.constant 16 : index
          %swap3A_409 = tpu.vector_load %arg8[%swap3A_407, %swap3A_408] {strides = array<i32>} : memref<512x32xf32, #tpu.memory_space<vmem>>, vector<16xf32>,
          tpu.vector_store %arg8[%swap3A_407, %swap3A_408], %mul3A_406 {strides = array<i32>} : memref<512x32xf32, #tpu.memory_space<vmem>>, vector<16xf32>,
          %broadcast_in_dim3A_410 = arith.constant 4 : i32
          %broadcast_in_dim3A_411 = vector.broadcast %broadcast_in_dim3A_410 : i32 to vector<16xi32>
          %lt3A_412 = arith.constant 0 : i32
          %lt3A_413 = vector.broadcast %lt3A_412 : i32 to vector<16xi32>
          %lt3A_414 = arith.cmpi slt, %broadcast_in_dim3A_411, %lt3A_413 : vector<16xi32>
          %add3A_415 = arith.constant 16 : i32
          %add3A_416 = vector.broadcast %add3A_415 : i32 to vector<16xi32>
          %add3A_417 = arith.addi %broadcast_in_dim3A_411, %add3A_416 : vector<16xi32>
          %select_n3A_418 = arith.select %lt3A_414, %add3A_417, %broadcast_in_dim3A_411 : vector<16xi1>, vector<16xi32>
          %broadcast_in_dim3A_419 = vector.shape_cast %select_n3A_418 : vector<16xi32> to vector<16x1xi32>
          %gather3A_420 = vector.shape_cast %broadcast_in_dim3A_419 : vector<16x1xi32> to vector<16xi32>
          %gather3A_421 = tpu.dynamic_gather %select_n3A_291[%gather3A_420] in [0] : vector<16xf32>, vector<16xi32> -> vector<16xf32>
          %mul3A_422 = arith.constant 16 : i32
          %mul3A_423 = arith.muli %scan3A_248, %mul3A_422 : i32
          %add3A_424 = arith.constant 4 : i32
          %add3A_425 = arith.addi %mul3A_423, %add3A_424 : i32
          %get3A_426 = arith.index_cast %add3A_425 : i32 to index
          %get3A_427 = arith.constant 0 : index
          %get3A_428 = tpu.vector_load %arg8[%get3A_426, %get3A_427] {strides = array<i32>} : memref<512x32xf32, #tpu.memory_space<vmem>>, vector<16xf32>,
          %mul3A_429 = arith.mulf %get3A_428, %gather3A_421 : vector<16xf32>
          %swap3A_430 = arith.index_cast %add3A_425 : i32 to index
          %swap3A_431 = arith.constant 0 : index
          %swap3A_432 = tpu.vector_load %arg8[%swap3A_430, %swap3A_431] {strides = array<i32>} : memref<512x32xf32, #tpu.memory_space<vmem>>, vector<16xf32>,
          tpu.vector_store %arg8[%swap3A_430, %swap3A_431], %mul3A_429 {strides = array<i32>} : memref<512x32xf32, #tpu.memory_space<vmem>>, vector<16xf32>,
          %get3A_433 = arith.index_cast %add3A_425 : i32 to index
          %get3A_434 = arith.constant 16 : index
          %get3A_435 = tpu.vector_load %arg8[%get3A_433, %get3A_434] {strides = array<i32>} : memref<512x32xf32, #tpu.memory_space<vmem>>, vector<16xf32>,
          %mul3A_436 = arith.mulf %get3A_435, %gather3A_421 : vector<16xf32>
          %swap3A_437 = arith.index_cast %add3A_425 : i32 to index
          %swap3A_438 = arith.constant 16 : index
          %swap3A_439 = tpu.vector_load %arg8[%swap3A_437, %swap3A_438] {strides = array<i32>} : memref<512x32xf32, #tpu.memory_space<vmem>>, vector<16xf32>,
          tpu.vector_store %arg8[%swap3A_437, %swap3A_438], %mul3A_436 {strides = array<i32>} : memref<512x32xf32, #tpu.memory_space<vmem>>, vector<16xf32>,
          %broadcast_in_dim3A_440 = arith.constant 5 : i32
          %broadcast_in_dim3A_441 = vector.broadcast %broadcast_in_dim3A_440 : i32 to vector<16xi32>
          %lt3A_442 = arith.constant 0 : i32
          %lt3A_443 = vector.broadcast %lt3A_442 : i32 to vector<16xi32>
          %lt3A_444 = arith.cmpi slt, %broadcast_in_dim3A_441, %lt3A_443 : vector<16xi32>
          %add3A_445 = arith.constant 16 : i32
          %add3A_446 = vector.broadcast %add3A_445 : i32 to vector<16xi32>
          %add3A_447 = arith.addi %broadcast_in_dim3A_441, %add3A_446 : vector<16xi32>
          %select_n3A_448 = arith.select %lt3A_444, %add3A_447, %broadcast_in_dim3A_441 : vector<16xi1>, vector<16xi32>
          %broadcast_in_dim3A_449 = vector.shape_cast %select_n3A_448 : vector<16xi32> to vector<16x1xi32>
          %gather3A_450 = vector.shape_cast %broadcast_in_dim3A_449 : vector<16x1xi32> to vector<16xi32>
          %gather3A_451 = tpu.dynamic_gather %select_n3A_291[%gather3A_450] in [0] : vector<16xf32>, vector<16xi32> -> vector<16xf32>
          %mul3A_452 = arith.constant 16 : i32
          %mul3A_453 = arith.muli %scan3A_248, %mul3A_452 : i32
          %add3A_454 = arith.constant 5 : i32
          %add3A_455 = arith.addi %mul3A_453, %add3A_454 : i32
          %get3A_456 = arith.index_cast %add3A_455 : i32 to index
          %get3A_457 = arith.constant 0 : index
          %get3A_458 = tpu.vector_load %arg8[%get3A_456, %get3A_457] {strides = array<i32>} : memref<512x32xf32, #tpu.memory_space<vmem>>, vector<16xf32>,
          %mul3A_459 = arith.mulf %get3A_458, %gather3A_451 : vector<16xf32>
          %swap3A_460 = arith.index_cast %add3A_455 : i32 to index
          %swap3A_461 = arith.constant 0 : index
          %swap3A_462 = tpu.vector_load %arg8[%swap3A_460, %swap3A_461] {strides = array<i32>} : memref<512x32xf32, #tpu.memory_space<vmem>>, vector<16xf32>,
          tpu.vector_store %arg8[%swap3A_460, %swap3A_461], %mul3A_459 {strides = array<i32>} : memref<512x32xf32, #tpu.memory_space<vmem>>, vector<16xf32>,
          %get3A_463 = arith.index_cast %add3A_455 : i32 to index
          %get3A_464 = arith.constant 16 : index
          %get3A_465 = tpu.vector_load %arg8[%get3A_463, %get3A_464] {strides = array<i32>} : memref<512x32xf32, #tpu.memory_space<vmem>>, vector<16xf32>,
          %mul3A_466 = arith.mulf %get3A_465, %gather3A_451 : vector<16xf32>
          %swap3A_467 = arith.index_cast %add3A_455 : i32 to index
          %swap3A_468 = arith.constant 16 : index
          %swap3A_469 = tpu.vector_load %arg8[%swap3A_467, %swap3A_468] {strides = array<i32>} : memref<512x32xf32, #tpu.memory_space<vmem>>, vector<16xf32>,
          tpu.vector_store %arg8[%swap3A_467, %swap3A_468], %mul3A_466 {strides = array<i32>} : memref<512x32xf32, #tpu.memory_space<vmem>>, vector<16xf32>,
          %broadcast_in_dim3A_470 = arith.constant 6 : i32
          %broadcast_in_dim3A_471 = vector.broadcast %broadcast_in_dim3A_470 : i32 to vector<16xi32>
          %lt3A_472 = arith.constant 0 : i32
          %lt3A_473 = vector.broadcast %lt3A_472 : i32 to vector<16xi32>
          %lt3A_474 = arith.cmpi slt, %broadcast_in_dim3A_471, %lt3A_473 : vector<16xi32>
          %add3A_475 = arith.constant 16 : i32
          %add3A_476 = vector.broadcast %add3A_475 : i32 to vector<16xi32>
          %add3A_477 = arith.addi %broadcast_in_dim3A_471, %add3A_476 : vector<16xi32>
          %select_n3A_478 = arith.select %lt3A_474, %add3A_477, %broadcast_in_dim3A_471 : vector<16xi1>, vector<16xi32>
          %broadcast_in_dim3A_479 = vector.shape_cast %select_n3A_478 : vector<16xi32> to vector<16x1xi32>
          %gather3A_480 = vector.shape_cast %broadcast_in_dim3A_479 : vector<16x1xi32> to vector<16xi32>
          %gather3A_481 = tpu.dynamic_gather %select_n3A_291[%gather3A_480] in [0] : vector<16xf32>, vector<16xi32> -> vector<16xf32>
          %mul3A_482 = arith.constant 16 : i32
          %mul3A_483 = arith.muli %scan3A_248, %mul3A_482 : i32
          %add3A_484 = arith.constant 6 : i32
          %add3A_485 = arith.addi %mul3A_483, %add3A_484 : i32
          %get3A_486 = arith.index_cast %add3A_485 : i32 to index
          %get3A_487 = arith.constant 0 : index
          %get3A_488 = tpu.vector_load %arg8[%get3A_486, %get3A_487] {strides = array<i32>} : memref<512x32xf32, #tpu.memory_space<vmem>>, vector<16xf32>,
          %mul3A_489 = arith.mulf %get3A_488, %gather3A_481 : vector<16xf32>
          %swap3A_490 = arith.index_cast %add3A_485 : i32 to index
          %swap3A_491 = arith.constant 0 : index
          %swap3A_492 = tpu.vector_load %arg8[%swap3A_490, %swap3A_491] {strides = array<i32>} : memref<512x32xf32, #tpu.memory_space<vmem>>, vector<16xf32>,
          tpu.vector_store %arg8[%swap3A_490, %swap3A_491], %mul3A_489 {strides = array<i32>} : memref<512x32xf32, #tpu.memory_space<vmem>>, vector<16xf32>,
          %get3A_493 = arith.index_cast %add3A_485 : i32 to index
          %get3A_494 = arith.constant 16 : index
          %get3A_495 = tpu.vector_load %arg8[%get3A_493, %get3A_494] {strides = array<i32>} : memref<512x32xf32, #tpu.memory_space<vmem>>, vector<16xf32>,
          %mul3A_496 = arith.mulf %get3A_495, %gather3A_481 : vector<16xf32>
          %swap3A_497 = arith.index_cast %add3A_485 : i32 to index
          %swap3A_498 = arith.constant 16 : index
          %swap3A_499 = tpu.vector_load %arg8[%swap3A_497, %swap3A_498] {strides = array<i32>} : memref<512x32xf32, #tpu.memory_space<vmem>>, vector<16xf32>,
          tpu.vector_store %arg8[%swap3A_497, %swap3A_498], %mul3A_496 {strides = array<i32>} : memref<512x32xf32, #tpu.memory_space<vmem>>, vector<16xf32>,
          %broadcast_in_dim3A_500 = arith.constant 7 : i32
          %broadcast_in_dim3A_501 = vector.broadcast %broadcast_in_dim3A_500 : i32 to vector<16xi32>
          %lt3A_502 = arith.constant 0 : i32
          %lt3A_503 = vector.broadcast %lt3A_502 : i32 to vector<16xi32>
          %lt3A_504 = arith.cmpi slt, %broadcast_in_dim3A_501, %lt3A_503 : vector<16xi32>
          %add3A_505 = arith.constant 16 : i32
          %add3A_506 = vector.broadcast %add3A_505 : i32 to vector<16xi32>
          %add3A_507 = arith.addi %broadcast_in_dim3A_501, %add3A_506 : vector<16xi32>
          %select_n3A_508 = arith.select %lt3A_504, %add3A_507, %broadcast_in_dim3A_501 : vector<16xi1>, vector<16xi32>
          %broadcast_in_dim3A_509 = vector.shape_cast %select_n3A_508 : vector<16xi32> to vector<16x1xi32>
          %gather3A_510 = vector.shape_cast %broadcast_in_dim3A_509 : vector<16x1xi32> to vector<16xi32>
          %gather3A_511 = tpu.dynamic_gather %select_n3A_291[%gather3A_510] in [0] : vector<16xf32>, vector<16xi32> -> vector<16xf32>
          %mul3A_512 = arith.constant 16 : i32
          %mul3A_513 = arith.muli %scan3A_248, %mul3A_512 : i32
          %add3A_514 = arith.constant 7 : i32
          %add3A_515 = arith.addi %mul3A_513, %add3A_514 : i32
          %get3A_516 = arith.index_cast %add3A_515 : i32 to index
          %get3A_517 = arith.constant 0 : index
          %get3A_518 = tpu.vector_load %arg8[%get3A_516, %get3A_517] {strides = array<i32>} : memref<512x32xf32, #tpu.memory_space<vmem>>, vector<16xf32>,
          %mul3A_519 = arith.mulf %get3A_518, %gather3A_511 : vector<16xf32>
          %swap3A_520 = arith.index_cast %add3A_515 : i32 to index
          %swap3A_521 = arith.constant 0 : index
          %swap3A_522 = tpu.vector_load %arg8[%swap3A_520, %swap3A_521] {strides = array<i32>} : memref<512x32xf32, #tpu.memory_space<vmem>>, vector<16xf32>,
          tpu.vector_store %arg8[%swap3A_520, %swap3A_521], %mul3A_519 {strides = array<i32>} : memref<512x32xf32, #tpu.memory_space<vmem>>, vector<16xf32>,
          %get3A_523 = arith.index_cast %add3A_515 : i32 to index
          %get3A_524 = arith.constant 16 : index
          %get3A_525 = tpu.vector_load %arg8[%get3A_523, %get3A_524] {strides = array<i32>} : memref<512x32xf32, #tpu.memory_space<vmem>>, vector<16xf32>,
          %mul3A_526 = arith.mulf %get3A_525, %gather3A_511 : vector<16xf32>
          %swap3A_527 = arith.index_cast %add3A_515 : i32 to index
          %swap3A_528 = arith.constant 16 : index
          %swap3A_529 = tpu.vector_load %arg8[%swap3A_527, %swap3A_528] {strides = array<i32>} : memref<512x32xf32, #tpu.memory_space<vmem>>, vector<16xf32>,
          tpu.vector_store %arg8[%swap3A_527, %swap3A_528], %mul3A_526 {strides = array<i32>} : memref<512x32xf32, #tpu.memory_space<vmem>>, vector<16xf32>,
          %broadcast_in_dim3A_530 = arith.constant 8 : i32
          %broadcast_in_dim3A_531 = vector.broadcast %broadcast_in_dim3A_530 : i32 to vector<16xi32>
          %lt3A_532 = arith.constant 0 : i32
          %lt3A_533 = vector.broadcast %lt3A_532 : i32 to vector<16xi32>
          %lt3A_534 = arith.cmpi slt, %broadcast_in_dim3A_531, %lt3A_533 : vector<16xi32>
          %add3A_535 = arith.constant 16 : i32
          %add3A_536 = vector.broadcast %add3A_535 : i32 to vector<16xi32>
          %add3A_537 = arith.addi %broadcast_in_dim3A_531, %add3A_536 : vector<16xi32>
          %select_n3A_538 = arith.select %lt3A_534, %add3A_537, %broadcast_in_dim3A_531 : vector<16xi1>, vector<16xi32>
          %broadcast_in_dim3A_539 = vector.shape_cast %select_n3A_538 : vector<16xi32> to vector<16x1xi32>
          %gather3A_540 = vector.shape_cast %broadcast_in_dim3A_539 : vector<16x1xi32> to vector<16xi32>
          %gather3A_541 = tpu.dynamic_gather %select_n3A_291[%gather3A_540] in [0] : vector<16xf32>, vector<16xi32> -> vector<16xf32>
          %mul3A_542 = arith.constant 16 : i32
          %mul3A_543 = arith.muli %scan3A_248, %mul3A_542 : i32
          %add3A_544 = arith.constant 8 : i32
          %add3A_545 = arith.addi %mul3A_543, %add3A_544 : i32
          %get3A_546 = arith.index_cast %add3A_545 : i32 to index
          %get3A_547 = arith.constant 0 : index
          %get3A_548 = tpu.vector_load %arg8[%get3A_546, %get3A_547] {strides = array<i32>} : memref<512x32xf32, #tpu.memory_space<vmem>>, vector<16xf32>,
          %mul3A_549 = arith.mulf %get3A_548, %gather3A_541 : vector<16xf32>
          %swap3A_550 = arith.index_cast %add3A_545 : i32 to index
          %swap3A_551 = arith.constant 0 : index
          %swap3A_552 = tpu.vector_load %arg8[%swap3A_550, %swap3A_551] {strides = array<i32>} : memref<512x32xf32, #tpu.memory_space<vmem>>, vector<16xf32>,
          tpu.vector_store %arg8[%swap3A_550, %swap3A_551], %mul3A_549 {strides = array<i32>} : memref<512x32xf32, #tpu.memory_space<vmem>>, vector<16xf32>,
          %get3A_553 = arith.index_cast %add3A_545 : i32 to index
          %get3A_554 = arith.constant 16 : index
          %get3A_555 = tpu.vector_load %arg8[%get3A_553, %get3A_554] {strides = array<i32>} : memref<512x32xf32, #tpu.memory_space<vmem>>, vector<16xf32>,
          %mul3A_556 = arith.mulf %get3A_555, %gather3A_541 : vector<16xf32>
          %swap3A_557 = arith.index_cast %add3A_545 : i32 to index
          %swap3A_558 = arith.constant 16 : index
          %swap3A_559 = tpu.vector_load %arg8[%swap3A_557, %swap3A_558] {strides = array<i32>} : memref<512x32xf32, #tpu.memory_space<vmem>>, vector<16xf32>,
          tpu.vector_store %arg8[%swap3A_557, %swap3A_558], %mul3A_556 {strides = array<i32>} : memref<512x32xf32, #tpu.memory_space<vmem>>, vector<16xf32>,
          %broadcast_in_dim3A_560 = arith.constant 9 : i32
          %broadcast_in_dim3A_561 = vector.broadcast %broadcast_in_dim3A_560 : i32 to vector<16xi32>
          %lt3A_562 = arith.constant 0 : i32
          %lt3A_563 = vector.broadcast %lt3A_562 : i32 to vector<16xi32>
          %lt3A_564 = arith.cmpi slt, %broadcast_in_dim3A_561, %lt3A_563 : vector<16xi32>
          %add3A_565 = arith.constant 16 : i32
          %add3A_566 = vector.broadcast %add3A_565 : i32 to vector<16xi32>
          %add3A_567 = arith.addi %broadcast_in_dim3A_561, %add3A_566 : vector<16xi32>
          %select_n3A_568 = arith.select %lt3A_564, %add3A_567, %broadcast_in_dim3A_561 : vector<16xi1>, vector<16xi32>
          %broadcast_in_dim3A_569 = vector.shape_cast %select_n3A_568 : vector<16xi32> to vector<16x1xi32>
          %gather3A_570 = vector.shape_cast %broadcast_in_dim3A_569 : vector<16x1xi32> to vector<16xi32>
          %gather3A_571 = tpu.dynamic_gather %select_n3A_291[%gather3A_570] in [0] : vector<16xf32>, vector<16xi32> -> vector<16xf32>
          %mul3A_572 = arith.constant 16 : i32
          %mul3A_573 = arith.muli %scan3A_248, %mul3A_572 : i32
          %add3A_574 = arith.constant 9 : i32
          %add3A_575 = arith.addi %mul3A_573, %add3A_574 : i32
          %get3A_576 = arith.index_cast %add3A_575 : i32 to index
          %get3A_577 = arith.constant 0 : index
          %get3A_578 = tpu.vector_load %arg8[%get3A_576, %get3A_577] {strides = array<i32>} : memref<512x32xf32, #tpu.memory_space<vmem>>, vector<16xf32>,
          %mul3A_579 = arith.mulf %get3A_578, %gather3A_571 : vector<16xf32>
          %swap3A_580 = arith.index_cast %add3A_575 : i32 to index
          %swap3A_581 = arith.constant 0 : index
          %swap3A_582 = tpu.vector_load %arg8[%swap3A_580, %swap3A_581] {strides = array<i32>} : memref<512x32xf32, #tpu.memory_space<vmem>>, vector<16xf32>,
          tpu.vector_store %arg8[%swap3A_580, %swap3A_581], %mul3A_579 {strides = array<i32>} : memref<512x32xf32, #tpu.memory_space<vmem>>, vector<16xf32>,
          %get3A_583 = arith.index_cast %add3A_575 : i32 to index
          %get3A_584 = arith.constant 16 : index
          %get3A_585 = tpu.vector_load %arg8[%get3A_583, %get3A_584] {strides = array<i32>} : memref<512x32xf32, #tpu.memory_space<vmem>>, vector<16xf32>,
          %mul3A_586 = arith.mulf %get3A_585, %gather3A_571 : vector<16xf32>
          %swap3A_587 = arith.index_cast %add3A_575 : i32 to index
          %swap3A_588 = arith.constant 16 : index
          %swap3A_589 = tpu.vector_load %arg8[%swap3A_587, %swap3A_588] {strides = array<i32>} : memref<512x32xf32, #tpu.memory_space<vmem>>, vector<16xf32>,
          tpu.vector_store %arg8[%swap3A_587, %swap3A_588], %mul3A_586 {strides = array<i32>} : memref<512x32xf32, #tpu.memory_space<vmem>>, vector<16xf32>,
          %broadcast_in_dim3A_590 = arith.constant 10 : i32
          %broadcast_in_dim3A_591 = vector.broadcast %broadcast_in_dim3A_590 : i32 to vector<16xi32>
          %lt3A_592 = arith.constant 0 : i32
          %lt3A_593 = vector.broadcast %lt3A_592 : i32 to vector<16xi32>
          %lt3A_594 = arith.cmpi slt, %broadcast_in_dim3A_591, %lt3A_593 : vector<16xi32>
          %add3A_595 = arith.constant 16 : i32
          %add3A_596 = vector.broadcast %add3A_595 : i32 to vector<16xi32>
          %add3A_597 = arith.addi %broadcast_in_dim3A_591, %add3A_596 : vector<16xi32>
          %select_n3A_598 = arith.select %lt3A_594, %add3A_597, %broadcast_in_dim3A_591 : vector<16xi1>, vector<16xi32>
          %broadcast_in_dim3A_599 = vector.shape_cast %select_n3A_598 : vector<16xi32> to vector<16x1xi32>
          %gather3A_600 = vector.shape_cast %broadcast_in_dim3A_599 : vector<16x1xi32> to vector<16xi32>
          %gather3A_601 = tpu.dynamic_gather %select_n3A_291[%gather3A_600] in [0] : vector<16xf32>, vector<16xi32> -> vector<16xf32>
          %mul3A_602 = arith.constant 16 : i32
          %mul3A_603 = arith.muli %scan3A_248, %mul3A_602 : i32
          %add3A_604 = arith.constant 10 : i32
          %add3A_605 = arith.addi %mul3A_603, %add3A_604 : i32
          %get3A_606 = arith.index_cast %add3A_605 : i32 to index
          %get3A_607 = arith.constant 0 : index
          %get3A_608 = tpu.vector_load %arg8[%get3A_606, %get3A_607] {strides = array<i32>} : memref<512x32xf32, #tpu.memory_space<vmem>>, vector<16xf32>,
          %mul3A_609 = arith.mulf %get3A_608, %gather3A_601 : vector<16xf32>
          %swap3A_610 = arith.index_cast %add3A_605 : i32 to index
          %swap3A_611 = arith.constant 0 : index
          %swap3A_612 = tpu.vector_load %arg8[%swap3A_610, %swap3A_611] {strides = array<i32>} : memref<512x32xf32, #tpu.memory_space<vmem>>, vector<16xf32>,
          tpu.vector_store %arg8[%swap3A_610, %swap3A_611], %mul3A_609 {strides = array<i32>} : memref<512x32xf32, #tpu.memory_space<vmem>>, vector<16xf32>,
          %get3A_613 = arith.index_cast %add3A_605 : i32 to index
          %get3A_614 = arith.constant 16 : index
          %get3A_615 = tpu.vector_load %arg8[%get3A_613, %get3A_614] {strides = array<i32>} : memref<512x32xf32, #tpu.memory_space<vmem>>, vector<16xf32>,
          %mul3A_616 = arith.mulf %get3A_615, %gather3A_601 : vector<16xf32>
          %swap3A_617 = arith.index_cast %add3A_605 : i32 to index
          %swap3A_618 = arith.constant 16 : index
          %swap3A_619 = tpu.vector_load %arg8[%swap3A_617, %swap3A_618] {strides = array<i32>} : memref<512x32xf32, #tpu.memory_space<vmem>>, vector<16xf32>,
          tpu.vector_store %arg8[%swap3A_617, %swap3A_618], %mul3A_616 {strides = array<i32>} : memref<512x32xf32, #tpu.memory_space<vmem>>, vector<16xf32>,
          %broadcast_in_dim3A_620 = arith.constant 11 : i32
          %broadcast_in_dim3A_621 = vector.broadcast %broadcast_in_dim3A_620 : i32 to vector<16xi32>
          %lt3A_622 = arith.constant 0 : i32
          %lt3A_623 = vector.broadcast %lt3A_622 : i32 to vector<16xi32>
          %lt3A_624 = arith.cmpi slt, %broadcast_in_dim3A_621, %lt3A_623 : vector<16xi32>
          %add3A_625 = arith.constant 16 : i32
          %add3A_626 = vector.broadcast %add3A_625 : i32 to vector<16xi32>
          %add3A_627 = arith.addi %broadcast_in_dim3A_621, %add3A_626 : vector<16xi32>
          %select_n3A_628 = arith.select %lt3A_624, %add3A_627, %broadcast_in_dim3A_621 : vector<16xi1>, vector<16xi32>
          %broadcast_in_dim3A_629 = vector.shape_cast %select_n3A_628 : vector<16xi32> to vector<16x1xi32>
          %gather3A_630 = vector.shape_cast %broadcast_in_dim3A_629 : vector<16x1xi32> to vector<16xi32>
          %gather3A_631 = tpu.dynamic_gather %select_n3A_291[%gather3A_630] in [0] : vector<16xf32>, vector<16xi32> -> vector<16xf32>
          %mul3A_632 = arith.constant 16 : i32
          %mul3A_633 = arith.muli %scan3A_248, %mul3A_632 : i32
          %add3A_634 = arith.constant 11 : i32
          %add3A_635 = arith.addi %mul3A_633, %add3A_634 : i32
          %get3A_636 = arith.index_cast %add3A_635 : i32 to index
          %get3A_637 = arith.constant 0 : index
          %get3A_638 = tpu.vector_load %arg8[%get3A_636, %get3A_637] {strides = array<i32>} : memref<512x32xf32, #tpu.memory_space<vmem>>, vector<16xf32>,
          %mul3A_639 = arith.mulf %get3A_638, %gather3A_631 : vector<16xf32>
          %swap3A_640 = arith.index_cast %add3A_635 : i32 to index
          %swap3A_641 = arith.constant 0 : index
          %swap3A_642 = tpu.vector_load %arg8[%swap3A_640, %swap3A_641] {strides = array<i32>} : memref<512x32xf32, #tpu.memory_space<vmem>>, vector<16xf32>,
          tpu.vector_store %arg8[%swap3A_640, %swap3A_641], %mul3A_639 {strides = array<i32>} : memref<512x32xf32, #tpu.memory_space<vmem>>, vector<16xf32>,
          %get3A_643 = arith.index_cast %add3A_635 : i32 to index
          %get3A_644 = arith.constant 16 : index
          %get3A_645 = tpu.vector_load %arg8[%get3A_643, %get3A_644] {strides = array<i32>} : memref<512x32xf32, #tpu.memory_space<vmem>>, vector<16xf32>,
          %mul3A_646 = arith.mulf %get3A_645, %gather3A_631 : vector<16xf32>
          %swap3A_647 = arith.index_cast %add3A_635 : i32 to index
          %swap3A_648 = arith.constant 16 : index
          %swap3A_649 = tpu.vector_load %arg8[%swap3A_647, %swap3A_648] {strides = array<i32>} : memref<512x32xf32, #tpu.memory_space<vmem>>, vector<16xf32>,
          tpu.vector_store %arg8[%swap3A_647, %swap3A_648], %mul3A_646 {strides = array<i32>} : memref<512x32xf32, #tpu.memory_space<vmem>>, vector<16xf32>,
          %broadcast_in_dim3A_650 = arith.constant 12 : i32
          %broadcast_in_dim3A_651 = vector.broadcast %broadcast_in_dim3A_650 : i32 to vector<16xi32>
          %lt3A_652 = arith.constant 0 : i32
          %lt3A_653 = vector.broadcast %lt3A_652 : i32 to vector<16xi32>
          %lt3A_654 = arith.cmpi slt, %broadcast_in_dim3A_651, %lt3A_653 : vector<16xi32>
          %add3A_655 = arith.constant 16 : i32
          %add3A_656 = vector.broadcast %add3A_655 : i32 to vector<16xi32>
          %add3A_657 = arith.addi %broadcast_in_dim3A_651, %add3A_656 : vector<16xi32>
          %select_n3A_658 = arith.select %lt3A_654, %add3A_657, %broadcast_in_dim3A_651 : vector<16xi1>, vector<16xi32>
          %broadcast_in_dim3A_659 = vector.shape_cast %select_n3A_658 : vector<16xi32> to vector<16x1xi32>
          %gather3A_660 = vector.shape_cast %broadcast_in_dim3A_659 : vector<16x1xi32> to vector<16xi32>
          %gather3A_661 = tpu.dynamic_gather %select_n3A_291[%gather3A_660] in [0] : vector<16xf32>, vector<16xi32> -> vector<16xf32>
          %mul3A_662 = arith.constant 16 : i32
          %mul3A_663 = arith.muli %scan3A_248, %mul3A_662 : i32
          %add3A_664 = arith.constant 12 : i32
          %add3A_665 = arith.addi %mul3A_663, %add3A_664 : i32
          %get3A_666 = arith.index_cast %add3A_665 : i32 to index
          %get3A_667 = arith.constant 0 : index
          %get3A_668 = tpu.vector_load %arg8[%get3A_666, %get3A_667] {strides = array<i32>} : memref<512x32xf32, #tpu.memory_space<vmem>>, vector<16xf32>,
          %mul3A_669 = arith.mulf %get3A_668, %gather3A_661 : vector<16xf32>
          %swap3A_670 = arith.index_cast %add3A_665 : i32 to index
          %swap3A_671 = arith.constant 0 : index
          %swap3A_672 = tpu.vector_load %arg8[%swap3A_670, %swap3A_671] {strides = array<i32>} : memref<512x32xf32, #tpu.memory_space<vmem>>, vector<16xf32>,
          tpu.vector_store %arg8[%swap3A_670, %swap3A_671], %mul3A_669 {strides = array<i32>} : memref<512x32xf32, #tpu.memory_space<vmem>>, vector<16xf32>,
          %get3A_673 = arith.index_cast %add3A_665 : i32 to index
          %get3A_674 = arith.constant 16 : index
          %get3A_675 = tpu.vector_load %arg8[%get3A_673, %get3A_674] {strides = array<i32>} : memref<512x32xf32, #tpu.memory_space<vmem>>, vector<16xf32>,
          %mul3A_676 = arith.mulf %get3A_675, %gather3A_661 : vector<16xf32>
          %swap3A_677 = arith.index_cast %add3A_665 : i32 to index
          %swap3A_678 = arith.constant 16 : index
          %swap3A_679 = tpu.vector_load %arg8[%swap3A_677, %swap3A_678] {strides = array<i32>} : memref<512x32xf32, #tpu.memory_space<vmem>>, vector<16xf32>,
          tpu.vector_store %arg8[%swap3A_677, %swap3A_678], %mul3A_676 {strides = array<i32>} : memref<512x32xf32, #tpu.memory_space<vmem>>, vector<16xf32>,
          %broadcast_in_dim3A_680 = arith.constant 13 : i32
          %broadcast_in_dim3A_681 = vector.broadcast %broadcast_in_dim3A_680 : i32 to vector<16xi32>
          %lt3A_682 = arith.constant 0 : i32
          %lt3A_683 = vector.broadcast %lt3A_682 : i32 to vector<16xi32>
          %lt3A_684 = arith.cmpi slt, %broadcast_in_dim3A_681, %lt3A_683 : vector<16xi32>
          %add3A_685 = arith.constant 16 : i32
          %add3A_686 = vector.broadcast %add3A_685 : i32 to vector<16xi32>
          %add3A_687 = arith.addi %broadcast_in_dim3A_681, %add3A_686 : vector<16xi32>
          %select_n3A_688 = arith.select %lt3A_684, %add3A_687, %broadcast_in_dim3A_681 : vector<16xi1>, vector<16xi32>
          %broadcast_in_dim3A_689 = vector.shape_cast %select_n3A_688 : vector<16xi32> to vector<16x1xi32>
          %gather3A_690 = vector.shape_cast %broadcast_in_dim3A_689 : vector<16x1xi32> to vector<16xi32>
          %gather3A_691 = tpu.dynamic_gather %select_n3A_291[%gather3A_690] in [0] : vector<16xf32>, vector<16xi32> -> vector<16xf32>
          %mul3A_692 = arith.constant 16 : i32
          %mul3A_693 = arith.muli %scan3A_248, %mul3A_692 : i32
          %add3A_694 = arith.constant 13 : i32
          %add3A_695 = arith.addi %mul3A_693, %add3A_694 : i32
          %get3A_696 = arith.index_cast %add3A_695 : i32 to index
          %get3A_697 = arith.constant 0 : index
          %get3A_698 = tpu.vector_load %arg8[%get3A_696, %get3A_697] {strides = array<i32>} : memref<512x32xf32, #tpu.memory_space<vmem>>, vector<16xf32>,
          %mul3A_699 = arith.mulf %get3A_698, %gather3A_691 : vector<16xf32>
          %swap3A_700 = arith.index_cast %add3A_695 : i32 to index
          %swap3A_701 = arith.constant 0 : index
          %swap3A_702 = tpu.vector_load %arg8[%swap3A_700, %swap3A_701] {strides = array<i32>} : memref<512x32xf32, #tpu.memory_space<vmem>>, vector<16xf32>,
          tpu.vector_store %arg8[%swap3A_700, %swap3A_701], %mul3A_699 {strides = array<i32>} : memref<512x32xf32, #tpu.memory_space<vmem>>, vector<16xf32>,
          %get3A_703 = arith.index_cast %add3A_695 : i32 to index
          %get3A_704 = arith.constant 16 : index
          %get3A_705 = tpu.vector_load %arg8[%get3A_703, %get3A_704] {strides = array<i32>} : memref<512x32xf32, #tpu.memory_space<vmem>>, vector<16xf32>,
          %mul3A_706 = arith.mulf %get3A_705, %gather3A_691 : vector<16xf32>
          %swap3A_707 = arith.index_cast %add3A_695 : i32 to index
          %swap3A_708 = arith.constant 16 : index
          %swap3A_709 = tpu.vector_load %arg8[%swap3A_707, %swap3A_708] {strides = array<i32>} : memref<512x32xf32, #tpu.memory_space<vmem>>, vector<16xf32>,
          tpu.vector_store %arg8[%swap3A_707, %swap3A_708], %mul3A_706 {strides = array<i32>} : memref<512x32xf32, #tpu.memory_space<vmem>>, vector<16xf32>,
          %broadcast_in_dim3A_710 = arith.constant 14 : i32
          %broadcast_in_dim3A_711 = vector.broadcast %broadcast_in_dim3A_710 : i32 to vector<16xi32>
          %lt3A_712 = arith.constant 0 : i32
          %lt3A_713 = vector.broadcast %lt3A_712 : i32 to vector<16xi32>
          %lt3A_714 = arith.cmpi slt, %broadcast_in_dim3A_711, %lt3A_713 : vector<16xi32>
          %add3A_715 = arith.constant 16 : i32
          %add3A_716 = vector.broadcast %add3A_715 : i32 to vector<16xi32>
          %add3A_717 = arith.addi %broadcast_in_dim3A_711, %add3A_716 : vector<16xi32>
          %select_n3A_718 = arith.select %lt3A_714, %add3A_717, %broadcast_in_dim3A_711 : vector<16xi1>, vector<16xi32>
          %broadcast_in_dim3A_719 = vector.shape_cast %select_n3A_718 : vector<16xi32> to vector<16x1xi32>
          %gather3A_720 = vector.shape_cast %broadcast_in_dim3A_719 : vector<16x1xi32> to vector<16xi32>
          %gather3A_721 = tpu.dynamic_gather %select_n3A_291[%gather3A_720] in [0] : vector<16xf32>, vector<16xi32> -> vector<16xf32>
          %mul3A_722 = arith.constant 16 : i32
          %mul3A_723 = arith.muli %scan3A_248, %mul3A_722 : i32
          %add3A_724 = arith.constant 14 : i32
          %add3A_725 = arith.addi %mul3A_723, %add3A_724 : i32
          %get3A_726 = arith.index_cast %add3A_725 : i32 to index
          %get3A_727 = arith.constant 0 : index
          %get3A_728 = tpu.vector_load %arg8[%get3A_726, %get3A_727] {strides = array<i32>} : memref<512x32xf32, #tpu.memory_space<vmem>>, vector<16xf32>,
          %mul3A_729 = arith.mulf %get3A_728, %gather3A_721 : vector<16xf32>
          %swap3A_730 = arith.index_cast %add3A_725 : i32 to index
          %swap3A_731 = arith.constant 0 : index
          %swap3A_732 = tpu.vector_load %arg8[%swap3A_730, %swap3A_731] {strides = array<i32>} : memref<512x32xf32, #tpu.memory_space<vmem>>, vector<16xf32>,
          tpu.vector_store %arg8[%swap3A_730, %swap3A_731], %mul3A_729 {strides = array<i32>} : memref<512x32xf32, #tpu.memory_space<vmem>>, vector<16xf32>,
          %get3A_733 = arith.index_cast %add3A_725 : i32 to index
          %get3A_734 = arith.constant 16 : index
          %get3A_735 = tpu.vector_load %arg8[%get3A_733, %get3A_734] {strides = array<i32>} : memref<512x32xf32, #tpu.memory_space<vmem>>, vector<16xf32>,
          %mul3A_736 = arith.mulf %get3A_735, %gather3A_721 : vector<16xf32>
          %swap3A_737 = arith.index_cast %add3A_725 : i32 to index
          %swap3A_738 = arith.constant 16 : index
          %swap3A_739 = tpu.vector_load %arg8[%swap3A_737, %swap3A_738] {strides = array<i32>} : memref<512x32xf32, #tpu.memory_space<vmem>>, vector<16xf32>,
          tpu.vector_store %arg8[%swap3A_737, %swap3A_738], %mul3A_736 {strides = array<i32>} : memref<512x32xf32, #tpu.memory_space<vmem>>, vector<16xf32>,
          %broadcast_in_dim3A_740 = arith.constant 15 : i32
          %broadcast_in_dim3A_741 = vector.broadcast %broadcast_in_dim3A_740 : i32 to vector<16xi32>
          %lt3A_742 = arith.constant 0 : i32
          %lt3A_743 = vector.broadcast %lt3A_742 : i32 to vector<16xi32>
          %lt3A_744 = arith.cmpi slt, %broadcast_in_dim3A_741, %lt3A_743 : vector<16xi32>
          %add3A_745 = arith.constant 16 : i32
          %add3A_746 = vector.broadcast %add3A_745 : i32 to vector<16xi32>
          %add3A_747 = arith.addi %broadcast_in_dim3A_741, %add3A_746 : vector<16xi32>
          %select_n3A_748 = arith.select %lt3A_744, %add3A_747, %broadcast_in_dim3A_741 : vector<16xi1>, vector<16xi32>
          %broadcast_in_dim3A_749 = vector.shape_cast %select_n3A_748 : vector<16xi32> to vector<16x1xi32>
          %gather3A_750 = vector.shape_cast %broadcast_in_dim3A_749 : vector<16x1xi32> to vector<16xi32>
          %gather3A_751 = tpu.dynamic_gather %select_n3A_291[%gather3A_750] in [0] : vector<16xf32>, vector<16xi32> -> vector<16xf32>
          %mul3A_752 = arith.constant 16 : i32
          %mul3A_753 = arith.muli %scan3A_248, %mul3A_752 : i32
          %add3A_754 = arith.constant 15 : i32
          %add3A_755 = arith.addi %mul3A_753, %add3A_754 : i32
          %get3A_756 = arith.index_cast %add3A_755 : i32 to index
          %get3A_757 = arith.constant 0 : index
          %get3A_758 = tpu.vector_load %arg8[%get3A_756, %get3A_757] {strides = array<i32>} : memref<512x32xf32, #tpu.memory_space<vmem>>, vector<16xf32>,
          %mul3A_759 = arith.mulf %get3A_758, %gather3A_751 : vector<16xf32>
          %swap3A_760 = arith.index_cast %add3A_755 : i32 to index
          %swap3A_761 = arith.constant 0 : index
          %swap3A_762 = tpu.vector_load %arg8[%swap3A_760, %swap3A_761] {strides = array<i32>} : memref<512x32xf32, #tpu.memory_space<vmem>>, vector<16xf32>,
          tpu.vector_store %arg8[%swap3A_760, %swap3A_761], %mul3A_759 {strides = array<i32>} : memref<512x32xf32, #tpu.memory_space<vmem>>, vector<16xf32>,
          %get3A_763 = arith.index_cast %add3A_755 : i32 to index
          %get3A_764 = arith.constant 16 : index
          %get3A_765 = tpu.vector_load %arg8[%get3A_763, %get3A_764] {strides = array<i32>} : memref<512x32xf32, #tpu.memory_space<vmem>>, vector<16xf32>,
          %mul3A_766 = arith.mulf %get3A_765, %gather3A_751 : vector<16xf32>
          %swap3A_767 = arith.index_cast %add3A_755 : i32 to index
          %swap3A_768 = arith.constant 16 : index
          %swap3A_769 = tpu.vector_load %arg8[%swap3A_767, %swap3A_768] {strides = array<i32>} : memref<512x32xf32, #tpu.memory_space<vmem>>, vector<16xf32>,
          tpu.vector_store %arg8[%swap3A_767, %swap3A_768], %mul3A_766 {strides = array<i32>} : memref<512x32xf32, #tpu.memory_space<vmem>>, vector<16xf32>,
        }
        %scan3A_247 = arith.constant 32 : i32
      } else {
      }
      %mul3A_212 = arith.constant 512 : i32
      %mul3A_213 = arith.muli %add3A, %mul3A_212 : i32
      %dma_start3A_214 = arith.constant 0 : i32
      %dma_start3A_215 = tpu.memref_slice %arg4[%add3A_154, %mul3A_213, %dma_start3A_214] : memref<50x16384x32xf32, #tpu.memory_space<hbm>> -> memref<1x512x32xf32, #tpu.memory_space<hbm>>
      %dma_start3A_216 = tpu.memref_squeeze %dma_start3A_215 : memref<1x512x32xf32, #tpu.memory_space<hbm>> -> memref<512x32xf32, #tpu.memory_space<hbm>>
      %dma_start3A_217 = arith.constant 0 : i32
      %dma_start3A_218 = tpu.memref_slice %arg4[%add3A_154, %mul3A_213, %dma_start3A_217] : memref<50x16384x32xf32, #tpu.memory_space<hbm>> -> memref<1x512x32xf32, #tpu.memory_space<hbm>>
      %dma_start3A_219 = tpu.memref_squeeze %dma_start3A_218 : memref<1x512x32xf32, #tpu.memory_space<hbm>> -> memref<512x32xf32, #tpu.memory_space<hbm>>
      tpu.enqueue_dma source(%arg8 : memref<512x32xf32, #tpu.memory_space<vmem>>) target(%dma_start3A_219 : memref<512x32xf32, #tpu.memory_space<hbm>>) target_semaphore(%arg12 : memref<!tpu.dma_semaphore, #tpu.memory_space<semaphore_mem>>)
      %mul3A_220 = arith.constant 512 : i32
      %mul3A_221 = arith.muli %add3A, %mul3A_220 : i32
      %dma_wait3A_222 = arith.constant 0 : i32
      %dma_wait3A_223 = tpu.memref_slice %arg4[%mul3A_49, %mul3A_221, %dma_wait3A_222] : memref<50x16384x32xf32, #tpu.memory_space<hbm>> -> memref<1x512x32xf32, #tpu.memory_space<hbm>>
      %dma_wait3A_224 = tpu.memref_squeeze %dma_wait3A_223 : memref<1x512x32xf32, #tpu.memory_space<hbm>> -> memref<512x32xf32, #tpu.memory_space<hbm>>
      %dma_wait3A_225 = arith.constant 0 : i32
      %dma_wait3A_226 = tpu.memref_slice %arg4[%mul3A_49, %mul3A_221, %dma_wait3A_225] : memref<50x16384x32xf32, #tpu.memory_space<hbm>> -> memref<1x512x32xf32, #tpu.memory_space<hbm>>
      %dma_wait3A_227 = tpu.memref_squeeze %dma_wait3A_226 : memref<1x512x32xf32, #tpu.memory_space<hbm>> -> memref<512x32xf32, #tpu.memory_space<hbm>>
      tpu.wait_dma2 semaphore(%arg11 : memref<!tpu.dma_semaphore, #tpu.memory_space<semaphore_mem>>) src(%arg7 : memref<512x32xf32, #tpu.memory_space<vmem>>) dst(%dma_wait3A_227 : memref<512x32xf32, #tpu.memory_space<hbm>>)
      %lt3A = arith.constant 24 : i32
      %lt3A_228 = arith.cmpi slt, %scan3A_47, %lt3A : i32
      %convert_element_type3A_229 = arith.extui %lt3A_228 : i1 to i32
      %cond3A_230 = arith.constant 0 : i32
      %cond3A_231 = arith.cmpi ne, %convert_element_type3A_229, %cond3A_230 : i32
      scf.if %cond3A_231 {
        %add3A_242 = arith.constant 2 : i32
        %add3A_243 = arith.addi %mul3A_49, %add3A_242 : i32
        %mul3A_244 = arith.constant 4 : i32
        %mul3A_245 = arith.muli %add3A, %mul3A_244 : i32
        "tpu.region"() ({
          %run_scoped3A_286 = tpu.sem_alloc : memref<!tpu.dma_semaphore, #tpu.memory_space<semaphore_mem>>
          %dma_start3A_287 = arith.constant 0 : i32
          %dma_start3A_288 = tpu.memref_slice %arg2[%add3A_243, %mul3A_245, %dma_start3A_287] : memref<50x128x128xi32, #tpu.memory_space<hbm>> -> memref<1x4x128xi32, #tpu.memory_space<hbm>>
          %dma_start3A_289 = tpu.memref_squeeze %dma_start3A_288 : memref<1x4x128xi32, #tpu.memory_space<hbm>> -> memref<4x128xi32, #tpu.memory_space<hbm>>
          %dma_start3A_290 = arith.constant 0 : i32
          %dma_start3A_291 = tpu.memref_slice %arg2[%add3A_243, %mul3A_245, %dma_start3A_290] : memref<50x128x128xi32, #tpu.memory_space<hbm>> -> memref<1x4x128xi32, #tpu.memory_space<hbm>>
          %dma_start3A_292 = tpu.memref_squeeze %dma_start3A_291 : memref<1x4x128xi32, #tpu.memory_space<hbm>> -> memref<4x128xi32, #tpu.memory_space<hbm>>
          tpu.enqueue_dma source(%dma_start3A_292 : memref<4x128xi32, #tpu.memory_space<hbm>>) target(%arg5 : memref<4x128xi32, #tpu.memory_space<vmem>>) target_semaphore(%run_scoped3A_286 : memref<!tpu.dma_semaphore, #tpu.memory_space<semaphore_mem>>)
          %dma_wait3A_293 = arith.constant 0 : i32
          %dma_wait3A_294 = tpu.memref_slice %arg2[%add3A_243, %mul3A_245, %dma_wait3A_293] : memref<50x128x128xi32, #tpu.memory_space<hbm>> -> memref<1x4x128xi32, #tpu.memory_space<hbm>>
          %dma_wait3A_295 = tpu.memref_squeeze %dma_wait3A_294 : memref<1x4x128xi32, #tpu.memory_space<hbm>> -> memref<4x128xi32, #tpu.memory_space<hbm>>
          %dma_wait3A_296 = arith.constant 0 : i32
          %dma_wait3A_297 = tpu.memref_slice %arg2[%add3A_243, %mul3A_245, %dma_wait3A_296] : memref<50x128x128xi32, #tpu.memory_space<hbm>> -> memref<1x4x128xi32, #tpu.memory_space<hbm>>
          %dma_wait3A_298 = tpu.memref_squeeze %dma_wait3A_297 : memref<1x4x128xi32, #tpu.memory_space<hbm>> -> memref<4x128xi32, #tpu.memory_space<hbm>>
          tpu.wait_dma2 semaphore(%run_scoped3A_286 : memref<!tpu.dma_semaphore, #tpu.memory_space<semaphore_mem>>) src(%dma_wait3A_298 : memref<4x128xi32, #tpu.memory_space<hbm>>) dst(%arg5 : memref<4x128xi32, #tpu.memory_space<vmem>>)
          tpu.yield
        }) : () -> ()
        %dma_start3A_246 = arith.constant 0 : i32
        %dma_start3A_247 = arith.constant 0 : i32
        %dma_start3A_248 = arith.constant 0 : i32
        %dma_start3A_249 = tpu.memref_slice %arg7[%dma_start3A_247, %dma_start3A_248] : memref<512x32xf32, #tpu.memory_space<vmem>> -> memref<128x32xf32, #tpu.memory_space<vmem>>
        %dma_start3A_250 = arith.constant 0 : i32
        %dma_start3A_251 = tpu.memref_slice %arg5[%dma_start3A_246, %dma_start3A_250] : memref<4x128xi32, #tpu.memory_space<vmem>> -> memref<1x128xi32, #tpu.memory_space<vmem>>
        %dma_start3A_252 = tpu.memref_squeeze %dma_start3A_251 : memref<1x128xi32, #tpu.memory_space<vmem>> -> memref<128xi32, #tpu.memory_space<vmem>>
        %dma_start3A_253 = arith.constant 0 : i32
        %dma_start3A_254 = arith.constant 0 : i32
        %dma_start3A_255 = tpu.memref_slice %arg3[%dma_start3A_253, %dma_start3A_254] : memref<1000000x32xf32, #tpu.memory_space<hbm>> -> memref<1000000x32xf32, #tpu.memory_space<hbm>>
        tpu.enqueue_indirect_dma source(%dma_start3A_255 : memref<1000000x32xf32, #tpu.memory_space<hbm>>) target(%dma_start3A_249 : memref<128x32xf32, #tpu.memory_space<vmem>>) offsets(%dma_start3A_252 : memref<128xi32, #tpu.memory_space<vmem>>) semaphore(%arg9 : memref<!tpu.dma_semaphore, #tpu.memory_space<semaphore_mem>>)
        %dma_start3A_256 = arith.constant 1 : i32
        %dma_start3A_257 = arith.constant 128 : i32
        %dma_start3A_258 = arith.constant 0 : i32
        %dma_start3A_259 = tpu.memref_slice %arg7[%dma_start3A_257, %dma_start3A_258] : memref<512x32xf32, #tpu.memory_space<vmem>> -> memref<128x32xf32, #tpu.memory_space<vmem>>
        %dma_start3A_260 = arith.constant 0 : i32
        %dma_start3A_261 = tpu.memref_slice %arg5[%dma_start3A_256, %dma_start3A_260] : memref<4x128xi32, #tpu.memory_space<vmem>> -> memref<1x128xi32, #tpu.memory_space<vmem>>
        %dma_start3A_262 = tpu.memref_squeeze %dma_start3A_261 : memref<1x128xi32, #tpu.memory_space<vmem>> -> memref<128xi32, #tpu.memory_space<vmem>>
        %dma_start3A_263 = arith.constant 0 : i32
        %dma_start3A_264 = arith.constant 0 : i32
        %dma_start3A_265 = tpu.memref_slice %arg3[%dma_start3A_263, %dma_start3A_264] : memref<1000000x32xf32, #tpu.memory_space<hbm>> -> memref<1000000x32xf32, #tpu.memory_space<hbm>>
        tpu.enqueue_indirect_dma source(%dma_start3A_265 : memref<1000000x32xf32, #tpu.memory_space<hbm>>) target(%dma_start3A_259 : memref<128x32xf32, #tpu.memory_space<vmem>>) offsets(%dma_start3A_262 : memref<128xi32, #tpu.memory_space<vmem>>) semaphore(%arg9 : memref<!tpu.dma_semaphore, #tpu.memory_space<semaphore_mem>>)
        %dma_start3A_266 = arith.constant 2 : i32
        %dma_start3A_267 = arith.constant 256 : i32
        %dma_start3A_268 = arith.constant 0 : i32
        %dma_start3A_269 = tpu.memref_slice %arg7[%dma_start3A_267, %dma_start3A_268] : memref<512x32xf32, #tpu.memory_space<vmem>> -> memref<128x32xf32, #tpu.memory_space<vmem>>
        %dma_start3A_270 = arith.constant 0 : i32
        %dma_start3A_271 = tpu.memref_slice %arg5[%dma_start3A_266, %dma_start3A_270] : memref<4x128xi32, #tpu.memory_space<vmem>> -> memref<1x128xi32, #tpu.memory_space<vmem>>
        %dma_start3A_272 = tpu.memref_squeeze %dma_start3A_271 : memref<1x128xi32, #tpu.memory_space<vmem>> -> memref<128xi32, #tpu.memory_space<vmem>>
        %dma_start3A_273 = arith.constant 0 : i32
        %dma_start3A_274 = arith.constant 0 : i32
        %dma_start3A_275 = tpu.memref_slice %arg3[%dma_start3A_273, %dma_start3A_274] : memref<1000000x32xf32, #tpu.memory_space<hbm>> -> memref<1000000x32xf32, #tpu.memory_space<hbm>>
        tpu.enqueue_indirect_dma source(%dma_start3A_275 : memref<1000000x32xf32, #tpu.memory_space<hbm>>) target(%dma_start3A_269 : memref<128x32xf32, #tpu.memory_space<vmem>>) offsets(%dma_start3A_272 : memref<128xi32, #tpu.memory_space<vmem>>) semaphore(%arg9 : memref<!tpu.dma_semaphore, #tpu.memory_space<semaphore_mem>>)
        %dma_start3A_276 = arith.constant 3 : i32
        %dma_start3A_277 = arith.constant 384 : i32
        %dma_start3A_278 = arith.constant 0 : i32
        %dma_start3A_279 = tpu.memref_slice %arg7[%dma_start3A_277, %dma_start3A_278] : memref<512x32xf32, #tpu.memory_space<vmem>> -> memref<128x32xf32, #tpu.memory_space<vmem>>
        %dma_start3A_280 = arith.constant 0 : i32
        %dma_start3A_281 = tpu.memref_slice %arg5[%dma_start3A_276, %dma_start3A_280] : memref<4x128xi32, #tpu.memory_space<vmem>> -> memref<1x128xi32, #tpu.memory_space<vmem>>
        %dma_start3A_282 = tpu.memref_squeeze %dma_start3A_281 : memref<1x128xi32, #tpu.memory_space<vmem>> -> memref<128xi32, #tpu.memory_space<vmem>>
        %dma_start3A_283 = arith.constant 0 : i32
        %dma_start3A_284 = arith.constant 0 : i32
        %dma_start3A_285 = tpu.memref_slice %arg3[%dma_start3A_283, %dma_start3A_284] : memref<1000000x32xf32, #tpu.memory_space<hbm>> -> memref<1000000x32xf32, #tpu.memory_space<hbm>>
        tpu.enqueue_indirect_dma source(%dma_start3A_285 : memref<1000000x32xf32, #tpu.memory_space<hbm>>) target(%dma_start3A_279 : memref<128x32xf32, #tpu.memory_space<vmem>>) offsets(%dma_start3A_282 : memref<128xi32, #tpu.memory_space<vmem>>) semaphore(%arg9 : memref<!tpu.dma_semaphore, #tpu.memory_space<semaphore_mem>>)
      } else {
      }
      %add3A_232 = arith.constant 1 : i32
      %add3A_233 = arith.addi %mul3A_49, %add3A_232 : i32
      %mul3A_234 = arith.constant 512 : i32
      %mul3A_235 = arith.muli %add3A, %mul3A_234 : i32
      %dma_wait3A_236 = arith.constant 0 : i32
      %dma_wait3A_237 = tpu.memref_slice %arg4[%add3A_233, %mul3A_235, %dma_wait3A_236] : memref<50x16384x32xf32, #tpu.memory_space<hbm>> -> memref<1x512x32xf32, #tpu.memory_space<hbm>>
      %dma_wait3A_238 = tpu.memref_squeeze %dma_wait3A_237 : memref<1x512x32xf32, #tpu.memory_space<hbm>> -> memref<512x32xf32, #tpu.memory_space<hbm>>
      %dma_wait3A_239 = arith.constant 0 : i32
      %dma_wait3A_240 = tpu.memref_slice %arg4[%add3A_233, %mul3A_235, %dma_wait3A_239] : memref<50x16384x32xf32, #tpu.memory_space<hbm>> -> memref<1x512x32xf32, #tpu.memory_space<hbm>>
      %dma_wait3A_241 = tpu.memref_squeeze %dma_wait3A_240 : memref<1x512x32xf32, #tpu.memory_space<hbm>> -> memref<512x32xf32, #tpu.memory_space<hbm>>
      tpu.wait_dma2 semaphore(%arg12 : memref<!tpu.dma_semaphore, #tpu.memory_space<semaphore_mem>>) src(%arg8 : memref<512x32xf32, #tpu.memory_space<vmem>>) dst(%dma_wait3A_241 : memref<512x32xf32, #tpu.memory_space<hbm>>)
    }
    %scan3A_46 = arith.constant 25 : i32
    return
  }
}

</mosaic_0001>

<sc_bundles>
// kernel: kernel.3.cloned.1.call-start
scs
__scs_entry_jumppad:
0x0: {  	(pc) =	sbr.rel $0x88, $3  }
0x1: {  	(tag) =	ssettag $0x0;
	lr =	simm.s32 $0x1  }
0x2: {  	[smem:$0x3F9F] =	sst lr;
	_ =	strace $0xD0000000  }
0x3: {  	_ = 	snop  }
0x4: {  	_ = 	snop  }
0x5: {  	_ = 	snop  }
0x6: {  	_ = 	snop  }
0x7: {  	_ = 	snop  }
__scs_overlays_trampoline_lowered:
0x8: {  	[smem:$0x3FAE] =	sst s0  }
0x9: {  	[smem:$0x3FAF] =	sst s1  }
0xa: {  	[smem:$0x3FB0] =	sst s2  }
0xb: {  	[smem:$0x3FB1] =	sst s3  }
0xc: {  	[smem:$0x3FB2] =	sst s4  }
0xd: {  	[smem:$0x3FB3] =	sst s5  }
0xe: {  	[smem:$0x3FB4] =	sst s6  }
0xf: {  	[smem:$0x3FB5] =	sst s7  }
0x10: {  	[smem:$0x3FB6] =	sst s8  }
0x11: {  	[smem:$0x3FB7] =	sst s9;
	s0 =	simm.s32 @!p0 $0x0  }
0x12: {  	s1 =	sld [smem:$0x3F9D];
	s0 =	simm.s32 @p0 $0x1  }
0x13: {  	[smem:$0x3FB8] =	sst s0;
	s0 =	simm.s32 @!p1 $0x0  }
0x14: {  	s2 =	sld [smem:$0x3F9C];
	s0 =	simm.s32 @p1 $0x1  }
0x15: {  	[smem:$0x3FB9] =	sst s0;
	s0 =	simm.s32 @!p2 $0x0  }
0x16: {  	s3 =	sld [smem:$0x3FDB];
	s0 =	simm.s32 @p2 $0x1  }
0x17: {  	s4 =	simm.s32 $0x1BF5;
	[smem:$0x3FBB] =	sst s0  }
0x18: {  	s0 =	sld [smem:$0x3F9E];
	_ =	swait.ge [sflag:s4], $0x0  }
0x19: {  	s7 =	sld [smem:$0x3F9F]  }
0x1a: {  	s8 =	sadd.s32 $0xFFFFE003, lr  }
0x1b: {  	s9 =	sadd.s32 $0xFFFFFEF7, lr;
	s5 =	simm.s32 $0xFFFFFFFF;
	p2 =	slt.u32 s8, $0xFFFFF086  }
0x1c: {  	p1 =	slt.u32 s9, $0xF7A;
	s5 =	simm.s32 @!p2 $0x0  }
0x1d: {  	s5 =	simm.s32 @p1 $0x1;
	p0 =	seq.s32 s7, s2  }
0x1e: {  	s7 =	smul.u32 @!p0 $0xF7A, s2;
	p2 =	seq.s32 @!p0 s5, $0x0  }
0x1f: {  	s9 =	smul.u32 $0xF7A, s1;
	s8 =	simm.s32 @!p0 $0x1BF5;
	p2 =	por !p2, p0  }
0x20: {  	[sflag:s8] =	ssyncset.s32 @!p0 $0xFFFFF086;
	s6 =	sadd.s32 @!p0 s3, s7;
	s7 =	simm.s32 @!p0 $0x108  }
0x21: {  	s3 =	sadd.s32 s3, s9;
	s6 =	sadd.s32 @!p0 $0x88, s6;
	s7 =	simm.s32 @p2 $0x1082  }
0x22: {  	[simem:s7], [sflag:s8] =	dma.local @!p0 [hbm:s6], $0xF7A  }
0x23: {  	s9 =	sor.u32 $0xD0000000, s2;
	s6 =	simm.s32 $0x108;
	_ =	swait.ge @!p0 [sflag:s8], $0x0  }
0x24: {  	s3 =	sadd.s32 $0x88, s3;
	s6 =	simm.s32 @!p1 $0x1082;
	[sflag:s4] =	ssyncset.s32 $0xFFFFF086  }
0x25: {  	[simem:s6], [sflag:s4] =	dma.local [hbm:s3], $0xF7A  }
0x26: {  	[smem:$0x3F9F] =	sst s1;
	(tag) =	ssettag s2;
	_ =	strace s9  }
0x27: {  	s1 =	sld [smem:$0x3FAF]  }
0x28: {  	s2 =	sld [smem:$0x3FB0]  }
0x29: {  	s4 =	sld [smem:$0x3FB2]  }
0x2a: {  	p0 =	seq.s32 s5, $0x0;
	s5 =	sld [smem:$0x3FB3]  }
0x2b: {  	s6 =	sld [smem:$0x3FB4]  }
0x2c: {  	s7 =	sld [smem:$0x3FB5]  }
0x2d: {  	s3 =	simm.s32 $0x108;
	s8 =	sld [smem:$0x3FB6]  }
0x2e: {  	s3 =	simm.s32 @!p0 $0x1082;
	s9 =	sld [smem:$0x3FB7]  }
0x2f: {  	lr =	sadd.s32 s0, s3;
	s0 =	sld [smem:$0x3FAE]  }
0x30: {  	s3 =	sld [smem:$0x3FB1]  }
0x31: {  	[smem:$0x3FBA] =	sst s10  }
0x32: {  	s10 =	sld [smem:$0x3FB8];
	_ =	sdelay $0x3  }
0x33: {  	p0 =	seq.s32 s10, $0x1;
	s10 =	sld [smem:$0x3FBA];
	_ =	sdelay $0x3  }
0x34: {  	[smem:$0x3FBA] =	sst s10  }
0x35: {  	s10 =	sld [smem:$0x3FB9];
	_ =	sdelay $0x3  }
0x36: {  	p1 =	seq.s32 s10, $0x1;
	s10 =	sld [smem:$0x3FBA];
	_ =	sdelay $0x3  }
0x37: {  	[smem:$0x3FBA] =	sst s10  }
0x38: {  	s10 =	sld [smem:$0x3FBB]  }
0x39: {  	_ = 	snop;
	(pc) =	sbr.ind lr, $3  }
0x3a: {  	_ = 	snop  }
0x3b: {  	_ = 	snop  }
0x3c: {  	p2 =	seq.s32 s10, $0x1;
	s10 =	sld [smem:$0x3FBA]  }
0x3d: {  	_ =	shalt  }
0x3e: {  	_ =	shalt  }
0x3f: {  	_ =	shalt  }
0x40: {  	_ =	shalt  }
0x41: {  	_ =	shalt  }
0x42: {  	_ =	shalt  }
0x43: {  	_ =	shalt  }
0x44: {  	_ =	shalt  }
0x45: {  	_ =	shalt  }
0x46: {  	_ =	shalt  }
0x47: {  	_ =	shalt  }
0x48: {  	_ =	shalt  }
0x49: {  	_ =	shalt  }
0x4a: {  	_ =	shalt  }
0x4b: {  	_ =	shalt  }
0x4c: {  	_ =	shalt  }
0x4d: {  	_ =	shalt  }
0x4e: {  	_ =	shalt  }
0x4f: {  	_ =	shalt  }
0x50: {  	_ =	shalt  }
0x51: {  	_ =	shalt  }
0x52: {  	_ =	shalt  }
0x53: {  	_ =	shalt  }
0x54: {  	_ =	shalt  }
0x55: {  	_ =	shalt  }
0x56: {  	_ =	shalt  }
0x57: {  	_ =	shalt  }
0x58: {  	_ =	shalt  }
0x59: {  	_ =	shalt  }
0x5a: {  	_ =	shalt  }
0x5b: {  	_ =	shalt  }
0x5c: {  	_ =	shalt  }
0x5d: {  	_ =	shalt  }
0x5e: {  	_ =	shalt  }
0x5f: {  	_ =	shalt  }
0x60: {  	_ =	shalt  }
0x61: {  	_ =	shalt  }
0x62: {  	_ =	shalt  }
0x63: {  	_ =	shalt  }
0x64: {  	_ =	shalt  }
0x65: {  	_ =	shalt  }
0x66: {  	_ =	shalt  }
0x67: {  	_ =	shalt  }
0x68: {  	_ =	shalt  }
0x69: {  	_ =	shalt  }
0x6a: {  	_ =	shalt  }
0x6b: {  	_ =	shalt  }
0x6c: {  	_ =	shalt  }
0x6d: {  	_ =	shalt  }
0x6e: {  	_ =	shalt  }
0x6f: {  	_ =	shalt  }
0x70: {  	_ =	shalt  }
0x71: {  	_ =	shalt  }
0x72: {  	_ =	shalt  }
0x73: {  	_ =	shalt  }
0x74: {  	_ =	shalt  }
0x75: {  	_ =	shalt  }
0x76: {  	_ =	shalt  }
0x77: {  	_ =	shalt  }
0x78: {  	_ =	shalt  }
0x79: {  	_ =	shalt  }
0x7a: {  	_ =	shalt  }
0x7b: {  	_ =	shalt  }
0x7c: {  	_ =	shalt  }
0x7d: {  	_ =	shalt  }
0x7e: {  	_ =	shalt  }
0x7f: {  	_ =	shalt  }
0x80: {  	_ =	shalt  }
0x81: {  	_ =	shalt  }
0x82: {  	_ =	shalt  }
0x83: {  	_ =	shalt  }
0x84: {  	_ =	shalt  }
0x85: {  	_ =	shalt  }
0x86: {  	_ =	shalt  }
0x87: {  	_ =	shalt  }
.Lfunc_end0:
.L_simem_size_0:
called_computation.1_lowered:
.L_overlay_start_0:
0x88: {  	s2 =	sld [smem:$0x3FD9]  }
0x89: {  	s3 =	sld [smem:$0x3FFE];
	_ =	sdelay $0x1  }
0x8a: {  	s1 =	srdreg.scid  }
0x8b: {  	s0 =	sand.u32 $0x1, s1  }
0x8c: {  	s17 =	sshll.u32 s0, $0xA;
	s2 =	sadd.s32 s3, s2  }
0x8d: {  	s2 =	sadd.s32 s2, s17  }
0x8e: {  	[smem:$0x3FC6] =	sst s2  }
0x8f: {  	_ = 	snop  }
0x90: {  	s2 =	sld [smem:$0x3FD0];
	(tm) =	ssettm $0x1  }
0x91: {  	s18 =	sld [smem:$0x3FFB];
	_ =	sdelay $0x3  }
0x92: {  	_ =	strace s18  }
0x93: {  	s3 =	sld [smem:$0x3FFC];
	_ =	sdelay $0x3  }
0x94: {  	_ =	strace s3  }
0x95: {  	s3 =	sld [smem:$0x3FFD];
	_ =	sdelay $0x3  }
0x96: {  	_ =	strace s3  }
0x97: {  	_ =	strace $0x8FFFFFFF  }
0x98: {  	s19 =	sld [smem:$0x3FDB];
	_ =	sdelay $0x1  }
0x99: {  	s4 =	simm.s32 $_scs_section_size  }
0x9a: {  	s5 =	simm.s32 $_size__tile_overlayer_lowered;
	s6 =	simm.s32 $_tile_overlayer_lowered  }
0x9b: {  	s22 =	simm.s32 $0x1BFF;
	s21 =	sshll.u32 s6, $0x1;
	s3 =	sadd.s32 s4, s19  }
0x9c: {  	s7 =	simm.s32 $0x0;
	s20 =	sshll.u32 s5, $0x1;
	s5 =	sadd.s32 s21, s3  }
0x9d: {  	[timem:s7], [sflag:s22] =	dma.local [hbm:s5], s20  }
0x9e: {  	_ =	swait.ge [sflag:s22], s20  }
0x9f: {  	s4 =	ssub.s32 $0x0, s20;
	[sflag:s22] =	ssyncset.done $0x0  }
0xa0: {  	[sflag:s22] =	ssyncadd.s32 s4;
	_ =	sdelay $0x1  }
0xa1: {  	s23 =	simm.s32 $0x1B8B  }
0xa2: {  	_ =	swait.ge [sflag:s23], $0x1  }
0xa3: {  	[sflag:s23] =	ssyncset.done $0x0  }
0xa4: {  	s25 =	simm.s32 $0x1B8E;
	s24 =	sld [smem:$0x3FFE];
	[sflag:s23] =	ssyncadd.s32 $0xFFFFFFFF  }
0xa5: {  	s26 =	simm.s32 $execute0_lowered;
	[smem:$0x3FD2] =	sst s25  }
0xa6: {  	s5 =	sshll.u32 s26, $0x1;
	_ =	strace $0x80000046;
	[dreg:$0x1] =	wrdreg $0xFFFFFFFF  }
0xa7: {  	s28 =	simm.s32 $_size_execute0_lowered;
	s3 =	sadd.s32 s3, s5;
	[dreg:$0x0] =	wrdreg $0x0  }
0xa8: {  	s5 =	sshll.u32 s28, $0x1;
	[dreg:$0x2] =	wrdreg s3  }
0xa9: {  	[dreg:$0x3] =	wrdreg s5  }
0xaa: {  	[dreg:$0x4] =	wrdreg $0xC0  }
0xab: {  	_ =	task [dreg:s7], $0x5FFFF  }
0xac: {  	[dreg:$0x1] =	wrdreg $0xFFFFFFFF  }
0xad: {  	[dreg:$0x0] =	wrdreg $0x60  }
0xae: {  	[dreg:$0x2] =	wrdreg s24  }
0xaf: {  	[dreg:$0x3] =	wrdreg s2  }
0xb0: {  	[dreg:$0x4] =	wrdreg $0x9  }
0xb1: {  	_ =	task.clear_ibuf [dreg:s7], $0x5FFFF;
	_ =	strace $0x90000046  }
0xb2: {  	s29 =	simm.s32 $0x9;
	_ =	strace $0x80000048  }
0xb3: {  	_ =	swait.ge [sflag:s29], $0x1  }
0xb4: {  	[sflag:s29] =	ssyncadd.s32 $0xFFFFFFFF  }
0xb5: {  	_ =	strace $0x90000048  }
0xb6: {  	_ =	sfence  }
0xb7: {  	s30 =	sld [smem:$0x0];
	_ =	sdelay $0x2  }
0xb8: {  	s31 =	sshll.u32 s1, $0xD;
	s1 =	sshrl.u32 s1, $0x2  }
0xb9: {  	s3 =	sand.u32 $0x4000, s31;
	s1 =	sadd.s32 s1, s30  }
0xba: {  	s0 =	sor.u32 s3, s0;
	s1 =	sshll.u32 s1, $0x11  }
0xbb: {  	s0 =	sor.u32 s1, s0  }
0xbc: {  	s0 =	sadd.s32 $0x8F2B, s0  }
0xbd: {  	[sflag:s0] =	ssyncadd.remote.s32 $0x1  }
0xbe: {  	_ =	sfence.sel $0xFFFF  }
0xbf: {  	[dreg:$0x0] =	wrdreg $0xFFFFFFFF;
	(pc) =	sbr.abs _section_cstart, $3  }
0xc0: {  	[dreg:$0x1] =	wrdreg $0xFFFFFFFF  }
0xc1: {  	_ =	task.clear_ibuf [dreg:s7], $0x2FFFF;
	_ =	strace $0x9FFFFFFF  }
0xc2: {  	(tm) =	ssettm $0x7FFFFFFF  }
0xc3: {  	_ =	shalt  }
tec
execute0_lowered:
.L_overlay_start_1:
0x0: {  	(tag) =	ssettag $0x1  }
0x1: {  	s0 =	rddreg [dreg:$0x0]  }
0x2: {  	s1 =	rddreg [dreg:$0x1];
	s3 =	simm.s32 $0x0;
	s2 =	srdreg.scid  }
0x3: {  	s4 =	stileid.u32;
	s11 =	simm.s32 $0x5;
	s12 =	simm.s32 $0x80  }
0x4: {  	s13 =	simm.s32 $0x400;
	s19 =	simm.s32 $0x200;
	s20 =	simm.s32 $0x4400  }
0x5: {  	s21 =	simm.s32 $0x280;
	s22 =	simm.s32 $0x5400;
	s23 =	simm.s32 $0x300  }
0x6: {  	s24 =	simm.s32 $0x6400;
	s25 =	simm.s32 $0x380;
	s28 =	simm.s32 $0x1  }
0x7: {  	s29 =	simm.s32 $0x2;
	s30 =	simm.s32 $0x3;
	s31 =	simm.s32 $0x4  }
0x8: {  	[smem:$0x7FF] =	sst s3;
	s2 =	sand.u32 $0x1, s2;
	s5 =	sshll.u32 s4, $0x1  }
0x9: {  	v0 =	vimm.s32 $0x0;
	v1 =	vimm.f32 $1.000000000e+00;
	s4 =	sadd.s32 $0xA00, s0;
	_ =	strace $0x80000047;
	s6 =	ssub.s32 $0x2, s2  }
.Ltmp0:
0xa: {  	v2 =	vimm.s32 $0x1;
	v3 =	vimm.s32 $0x2;
	v4 =	vimm.s32 $0x3;
	s2 =	sor.u32 s2, s5;
	s5 =	sadd.s32 $0xF42E00, s0;
	(pc) =	sbr.rel .LBB2_1-.Ltmp0, $4  }
0xb: {  	v5 =	vimm.s32 $0x4;
	v6 =	vimm.s32 $0x5;
	v7 =	vimm.s32 $0x6;
	s26 =	sshrl.u32 s6, $0x1;
	s7 =	sshll.u32 s2, $0x6;
	s9 =	sshll.u32 s2, $0xE  }
0xc: {  	v8 =	vimm.s32 $0x7;
	v9 =	vimm.s32 $0x8;
	v10 =	vimm.s32 $0x9;
	s0 =	ssub.s32 s6, s26;
	s6 =	sshll.u32 s2, $0x9;
	s7 =	sadd.s32 s4, s7  }
0xd: {  	v11 =	vimm.s32 $0xA;
	v12 =	vimm.s32 $0xB;
	v13 =	vimm.s32 $0xC;
	s26 =	simm.s32 $0x7400;
	[dreg:$0x3] =	wrdreg s7;
	s0 =	smax.u32 s0, $0x1  }
0xe: {  	v14 =	vimm.s32 $0xD;
	v15 =	vimm.s32 $0xE;
	v16 =	vimm.s32 $0xF;
	s8 =	sor.u32 $0x8000, s6;
	[dreg:$0x4] =	wrdreg s0;
	s0 =	simm.s32 $0x0  }
.LBB2_11:
0xf: {  	s0 =	sadd.s32 $0x1, s0;
	s2 =	rddreg [dreg:$0x4]  }
0x10: {  	p0 =	sne.s32 s0, s2  }
.Ltmp1:
0x11: {  	_ = 	snop;
	(pc) =	sbr.rel @!p0 .LBB2_12-.Ltmp1, $1  }
0x12: {  	_ =	sdelay $0x3  }
.LBB2_1:
0x13: {  	s2 =	rddreg [dreg:$0x3]  }
0x14: {  	[tilespmem:s3], [sflag:$0x5] =	stream.linear.gather [hbm4b:s2+s3], $0x200, $0x38;
	[tilespmem:$0x8400] =	vst v63  }
0x15: {  	_ =	swait.ge [sflag:s11], $0x200  }
0x16: {  	[sflag:s11] =	ssyncset.done $0x0  }
0x17: {  	[sflag:s11] =	ssyncadd.s32 $0xFFFFFE00  }
0x18: {  	[tilespmem:s13], [sflag:$0x1] =	stream.indirect.gather [hbm4b:s5+s12], $0x20, s3, s12, $0xb8;
	[tilespmem:$0x8400] =	vst v63  }
0x19: {  	s15 =	simm.s32 $0x1400  }
0x1a: {  	[tilespmem:s15], [sflag:$0x1] =	stream.indirect.gather [hbm4b:s5+s12], $0x20, s12, s12, $0xb8;
	[tilespmem:$0x8400] =	vst v63  }
.Ltmp2:
0x1b: {  	_ = 	snop;
	(pc) =	sbr.rel .LBB2_2-.Ltmp2, $4  }
0x1c: {  	s16 =	simm.s32 $0x100;
	s7 =	simm.s32 $0x2400  }
0x1d: {  	[tilespmem:s7], [sflag:$0x1] =	stream.indirect.gather [hbm4b:s5+s12], $0x20, s16, s12, $0xb8;
	[tilespmem:$0x8400] =	vst v63  }
0x1e: {  	s17 =	simm.s32 $0x180;
	s18 =	simm.s32 $0x3400;
	s2 =	simm.s32 $0x0  }
0x1f: {  	[tilespmem:s18], [sflag:$0x1] =	stream.indirect.gather [hbm4b:s5+s12], $0x20, s17, s12, $0xb8;
	[tilespmem:$0x8400] =	vst v63  }
.LBB2_10:
0x20: {  	s7 =	sshll.u32 s14, $0x13  }
0x21: {  	s7 =	sor.u32 s9, s7  }
0x22: {  	s7 =	sshrl.u32 s7, $0x3  }
0x23: {  	p0 =	seq.s32 s2, $0x18;
	s7 =	sadd.s32 s1, s7  }
0x24: {  	[hbm4b:s7+s3] =	stream.linear.scatter [tilespmem:s20], [sflag:$0x4], $0x4000, $0x38;
	[tilespmem:$0x8400] =	vst v63  }
0x25: {  	s7 =	sshll.u32 @!p0 s2, $0xF  }
0x26: {  	_ =	swait.ge [sflag:s30], $0x4000;
	s7 =	sadd.s32 @!p0 s8, s7  }
0x27: {  	[sflag:s30] =	ssyncset.done $0x0;
	s7 =	sshrl.u32 @!p0 s7, $0x3  }
0x28: {  	s10 =	simm.s32 @!p0 $0x0;
	[sflag:s30] =	ssyncadd.s32 $0xFFFFC000;
	s7 =	sadd.s32 @!p0 s4, s7  }
0x29: {  	[tilespmem:s10], [sflag:$0x5] =	stream.linear.gather @!p0 [hbm4b:s7+s10], $0x200, $0x38;
	[tilespmem:$0x8400] =	vst v63  }
0x2a: {  	s7 =	simm.s32 @!p0 $0x5  }
0x2b: {  	_ =	swait.ge @!p0 [sflag:s7], $0x200  }
0x2c: {  	[sflag:s7] =	ssyncset.done @!p0 $0x0  }
0x2d: {  	s14 =	simm.s32 @!p0 $0x400;
	[sflag:s7] =	ssyncadd.s32 @!p0 $0xFFFFFE00;
	s7 =	simm.s32 @!p0 $0x80  }
0x2e: {  	[tilespmem:s14], [sflag:$0x1] =	stream.indirect.gather @!p0 [hbm4b:s5+s7], $0x20, s10, s7, $0xb8;
	[tilespmem:$0x8400] =	vst v63  }
0x2f: {  	s10 =	simm.s32 @!p0 $0x1400  }
0x30: {  	[tilespmem:s10], [sflag:$0x1] =	stream.indirect.gather @!p0 [hbm4b:s5+s7], $0x20, s7, s7, $0xb8;
	[tilespmem:$0x8400] =	vst v63  }
0x31: {  	s14 =	simm.s32 @!p0 $0x2400;
	s10 =	simm.s32 @!p0 $0x100  }
0x32: {  	[tilespmem:s14], [sflag:$0x1] =	stream.indirect.gather @!p0 [hbm4b:s5+s7], $0x20, s10, s7, $0xb8;
	[tilespmem:$0x8400] =	vst v63  }
0x33: {  	s2 =	sadd.s32 $0x1, s2;
	s10 =	simm.s32 @!p0 $0x180;
	s14 =	simm.s32 @!p0 $0x3400  }
0x34: {  	[tilespmem:s14], [sflag:$0x1] =	stream.indirect.gather @!p0 [hbm4b:s5+s7], $0x20, s10, s7, $0xb8;
	[tilespmem:$0x8400] =	vst v63  }
0x35: {  	p0 =	sne.s32 s2, $0x19  }
.Ltmp3:
0x36: {  	_ = 	snop;
	(pc) =	sbr.rel @!p0 .LBB2_11-.Ltmp3, $4  }
0x37: {  	_ = 	snop  }
0x38: {  	_ =	swait.ge [sflag:s31], $0x4000  }
0x39: {  	[sflag:s31] =	ssyncset.done $0x0  }
0x3a: {  	[sflag:s31] =	ssyncadd.s32 $0xFFFFC000  }
.LBB2_2:
0x3b: {  	s14 =	sshllo.u32 s2, $0x1  }
0x3c: {  	s7 =	sshll.u32 s14, $0xE  }
0x3d: {  	s7 =	sor.u32 s6, s7  }
0x3e: {  	s7 =	sshrl.u32 s7, $0x3  }
0x3f: {  	s15 =	simm.s32 $0x0;
	s7 =	sadd.s32 s4, s7  }
0x40: {  	[tilespmem:s19], [sflag:$0x5] =	stream.linear.gather [hbm4b:s7+s15], $0x200, $0x38;
	[tilespmem:$0x8400] =	vst v63  }
0x41: {  	_ =	swait.ge [sflag:s11], $0x200  }
0x42: {  	[sflag:s11] =	ssyncset.done $0x0  }
0x43: {  	[sflag:s11] =	ssyncadd.s32 $0xFFFFFE00  }
0x44: {  	[tilespmem:s20], [sflag:$0x2] =	stream.indirect.gather [hbm4b:s5+s12], $0x20, s19, s12, $0xb8;
	[tilespmem:$0x8400] =	vst v63  }
0x45: {  	_ = 	snop  }
0x46: {  	[tilespmem:s22], [sflag:$0x2] =	stream.indirect.gather [hbm4b:s5+s12], $0x20, s21, s12, $0xb8;
	[tilespmem:$0x8400] =	vst v63  }
0x47: {  	_ = 	snop  }
0x48: {  	[tilespmem:s24], [sflag:$0x2] =	stream.indirect.gather [hbm4b:s5+s12], $0x20, s23, s12, $0xb8;
	[tilespmem:$0x8400] =	vst v63  }
0x49: {  	_ = 	snop  }
0x4a: {  	[tilespmem:s26], [sflag:$0x2] =	stream.indirect.gather [hbm4b:s5+s12], $0x20, s25, s12, $0xb8;
	[tilespmem:$0x8400] =	vst v63  }
0x4b: {  	v17 =	vld [tilespmem:$0x0]  }
0x4c: {  	v18 =	vld [tilespmem:$0x10]  }
0x4d: {  	v19 =	vld [tilespmem:$0x20]  }
0x4e: {  	v20 =	vld [tilespmem:$0x30]  }
0x4f: {  	v21 =	vld [tilespmem:$0x40]  }
0x50: {  	v22 =	vld [tilespmem:$0x50]  }
0x51: {  	vm0 =	veq.s32 v17, $0x0;
	vm1 =	veq.s32 v18, $0x0;
	v17 =	vld [tilespmem:$0x60]  }
0x52: {  	vm10 =	veq.s32 v19, $0x0;
	v19 =	vld [tilespmem:$0x70];
	v18 =	vsel vm0, $0x1, v0;
	v23 =	vsel vm1, $0x1, v0  }
0x53: {  	v25 =	vld [tilespmem:$0x80];
	vm11 =	veq.s32 v20, $0x0;
	v24 =	vsel vm10, $0x1, v0;
	v18 =	vadd.s32 v23, v18  }
0x54: {  	v27 =	vld [tilespmem:$0x90];
	vm12 =	veq.s32 v21, $0x0;
	v26 =	vsel vm11, $0x1, v0;
	v18 =	vadd.s32 v24, v18  }
0x55: {  	v29 =	vld [tilespmem:$0xA0];
	vm13 =	veq.s32 v22, $0x0;
	v28 =	vsel vm12, $0x1, v0;
	v18 =	vadd.s32 v26, v18  }
0x56: {  	v30 =	vsel vm13, $0x1, v0;
	v18 =	vadd.s32 v28, v18;
	vm14 =	veq.s32 v17, $0x0;
	v17 =	vld [tilespmem:$0xB0]  }
0x57: {  	vm15 =	veq.s32 v19, $0x0;
	v19 =	vld [tilespmem:$0xC0];
	v18 =	vadd.s32 v30, v18;
	v31 =	vsel vm14, $0x1, v0  }
0x58: {  	v33 =	vld [tilespmem:$0xD0];
	vm4 =	veq.s32 v25, $0x0;
	v32 =	vsel vm15, $0x1, v0;
	v18 =	vadd.s32 v31, v18  }
0x59: {  	v35 =	vld [tilespmem:$0xE0];
	vm5 =	veq.s32 v27, $0x0;
	v34 =	vsel vm4, $0x1, v0;
	v18 =	vadd.s32 v32, v18  }
0x5a: {  	v37 =	vld [tilespmem:$0xF0];
	vm6 =	veq.s32 v29, $0x0;
	v36 =	vsel vm5, $0x1, v0;
	v18 =	vadd.s32 v34, v18  }
0x5b: {  	v38 =	vsel vm6, $0x1, v0;
	v18 =	vadd.s32 v36, v18;
	vm7 =	veq.s32 v17, $0x0;
	v17 =	vld [tilespmem:$0x100]  }
0x5c: {  	vm8 =	veq.s32 v19, $0x0;
	v19 =	vld [tilespmem:$0x110];
	v18 =	vadd.s32 v38, v18;
	v39 =	vsel vm7, $0x1, v0  }
0x5d: {  	v41 =	vld [tilespmem:$0x120];
	vm9 =	veq.s32 v33, $0x0;
	v40 =	vsel vm8, $0x1, v0;
	v18 =	vadd.s32 v39, v18  }
0x5e: {  	v43 =	vld [tilespmem:$0x130];
	v42 =	vsel vm9, $0x1, v0;
	vm10 =	veq.s32 v35, $0x0;
	v18 =	vadd.s32 v40, v18  }
0x5f: {  	v45 =	vld [tilespmem:$0x140];
	vm11 =	veq.s32 v37, $0x0;
	v44 =	vsel vm10, $0x1, v0;
	v18 =	vadd.s32 v42, v18  }
0x60: {  	v46 =	vsel vm11, $0x1, v0;
	v18 =	vadd.s32 v44, v18;
	vm12 =	veq.s32 v17, $0x0;
	v17 =	vld [tilespmem:$0x150]  }
0x61: {  	vm13 =	veq.s32 v19, $0x0;
	v19 =	vld [tilespmem:$0x160];
	v18 =	vadd.s32 v46, v18;
	v47 =	vsel vm12, $0x1, v0  }
0x62: {  	v49 =	vld [tilespmem:$0x170];
	vm14 =	veq.s32 v41, $0x0;
	v48 =	vsel vm13, $0x1, v0;
	v18 =	vadd.s32 v47, v18  }
0x63: {  	v51 =	vld [tilespmem:$0x180];
	vm15 =	veq.s32 v43, $0x0;
	v50 =	vsel vm14, $0x1, v0;
	v18 =	vadd.s32 v48, v18  }
0x64: {  	v53 =	vld [tilespmem:$0x190];
	vm4 =	veq.s32 v45, $0x0;
	v52 =	vsel vm15, $0x1, v0;
	v18 =	vadd.s32 v50, v18  }
0x65: {  	v54 =	vsel vm4, $0x1, v0;
	v18 =	vadd.s32 v52, v18;
	vm5 =	veq.s32 v17, $0x0;
	v17 =	vld [tilespmem:$0x1A0]  }
0x66: {  	vm6 =	veq.s32 v19, $0x0;
	v19 =	vld [tilespmem:$0x1B0];
	v18 =	vadd.s32 v54, v18;
	v55 =	vsel vm5, $0x1, v0  }
0x67: {  	v57 =	vld [tilespmem:$0x1C0];
	vm7 =	veq.s32 v49, $0x0;
	v56 =	vsel vm6, $0x1, v0;
	v18 =	vadd.s32 v55, v18  }
0x68: {  	v59 =	vld [tilespmem:$0x1D0];
	vm8 =	veq.s32 v51, $0x0;
	v58 =	vsel vm7, $0x1, v0;
	v18 =	vadd.s32 v56, v18  }
0x69: {  	v61 =	vld [tilespmem:$0x1E0];
	vm9 =	veq.s32 v53, $0x0;
	v60 =	vsel vm8, $0x1, v0;
	v18 =	vadd.s32 v58, v18  }
0x6a: {  	v62 =	vsel vm9, $0x1, v0;
	v18 =	vadd.s32 v60, v18;
	vm10 =	veq.s32 v17, $0x0;
	v17 =	vld [tilespmem:$0x1F0]  }
0x6b: {  	vm11 =	veq.s32 v19, $0x0;
	v18 =	vadd.s32 v62, v18;
	v63 =	vsel vm10, $0x1, v0  }
0x6c: {  	vm12 =	veq.s32 v57, $0x0;
	v19 =	vsel vm11, $0x1, v0;
	v18 =	vadd.s32 v63, v18  }
0x6d: {  	vm13 =	veq.s32 v59, $0x0;
	v18 =	vadd.s32 v19, v18;
	v19 =	vsel vm12, $0x1, v0  }
0x6e: {  	vm14 =	veq.s32 v61, $0x0;
	v18 =	vadd.s32 v19, v18;
	v19 =	vsel vm13, $0x1, v0  }
0x6f: {  	v18 =	vadd.s32 v19, v18;
	v19 =	vsel vm14, $0x1, v0;
	vm15 =	veq.s32 v17, $0x0  }
0x70: {  	v17 =	vadd.s32 v19, v18;
	v18 =	vsel vm15, $0x1, v0  }
0x71: {  	v17 =	vadd.s32 v18, v17  }
0x72: {  	(xrf0) =	vadd.scan.msk.s32 $0xffff, v17;
	_ =	sdelay $0x5  }
0x73: {  	v17, _, _ =	vpop (xrf0)  }
0x74: {  	(v2sf) =	vpush v17, $0xF;
	_ =	sdelay $0xe  }
0x75: {  	s18 =	spop (v2sf)  }
0x76: {  	_ =	swait.ge [sflag:s28], $0x1000  }
0x77: {  	[sflag:s28] =	ssyncset.done $0x0  }
0x78: {  	[sflag:s28] =	ssyncadd.s32 $0xFFFFF000  }
0x79: {  	_ =	swait.ge [sflag:s28], $0x1000  }
0x7a: {  	[sflag:s28] =	ssyncset.done $0x0  }
0x7b: {  	[sflag:s28] =	ssyncadd.s32 $0xFFFFF000  }
0x7c: {  	p0 =	slt.s32 s18, $0x1;
	_ =	swait.ge [sflag:s28], $0x1000  }
.Ltmp4:
0x7d: {  	[sflag:s28] =	ssyncset.done $0x0;
	(pc) =	sbr.rel @p0 .LBB2_6-.Ltmp4, $4  }
0x7e: {  	[sflag:s28] =	ssyncadd.s32 $0xFFFFF000  }
0x7f: {  	_ =	swait.ge [sflag:s28], $0x1000  }
0x80: {  	[sflag:s28] =	ssyncset.done $0x0  }
0x81: {  	s16 =	simm.s32 $0x500;
	[sflag:s28] =	ssyncadd.s32 $0xFFFFF000  }
0x82: {  	v23 =	vld [tilespmem:s16+$0xFFFFFFF0]  }
0x83: {  	v26 =	vld [tilespmem:s16+$0xFFFFFF10]  }
0x84: {  	v28 =	vld [tilespmem:s16+$0xE0]  }
0x85: {  	s7 =	sand.u32 $0x600, s15;
	v27 =	vld [tilespmem:s16+$0xFFFFFF40]  }
0x86: {  	s17 =	sand.u32 $0x70, s15;
	v22 =	vld [tilespmem:s16+$0xFFFFFF70];
	s7 =	sshrl.u32 s7, $0x2  }
0x87: {  	v17 =	vld [tilespmem:s16+$0xFFFFFFB0];
	s7 =	sor.u32 s17, s7  }
0x88: {  	v18 =	vld [tilespmem:s7+$0x0]  }
0x89: {  	v19 =	vld [tilespmem:s16+$0xFFFFFFC0]  }
0x8a: {  	v20 =	vld [tilespmem:s16+$0xFFFFFFE0]  }
0x8b: {  	v24 =	vld [tilespmem:s16+$0xFFFFFFD0]  }
0x8c: {  	v29 =	vld [tilespmem:s16+$0xFFFFFF00]  }
0x8d: {  	v25 =	vld [tilespmem:s16+$0x80];
	vm0 =	veq.s32 v18, $0x0  }
0x8e: {  	v37 =	vld [tilespmem:s16+$0xC0];
	v18 =	vsel vm0, $0x0, v1  }
0x8f: {  	v35 =	vld [tilespmem:s16+$0x90];
	v34 =	vperm.xlane v18, v0;
	v21 =	vperm.xlane v18, v16  }
0x90: {  	v33 =	vld [tilespmem:s16+$0xFFFFFF50];
	v32 =	vperm.xlane v18, v3;
	v31 =	vperm.xlane v18, v15  }
0x91: {  	v30 =	vld [tilespmem:s16+$0xB0];
	v39 =	vmul.f32 v29, v34;
	v29 =	vperm.xlane v18, v14  }
0x92: {  	v36 =	vld [tilespmem:s16+$0xD0];
	s18 =	simm.s32 $0x500;
	s17 =	simm.s32 $0x40;
	v38 =	vmul.f32 v27, v32;
	v27 =	vperm.xlane v18, v13  }
.LBB2_4:
0x93: {  	p0 =	sne.s32 s17, $0x7C0;
	[tilespmem:s16+$0xFFFFFF00] =	vst v39;
	v39 =	vld [tilespmem:s16+$0x60];
	v37 =	vmul.f32 v37, v31;
	v28 =	vmul.f32 v28, v21;
	s15 =	sadd.s32 $0x10, s15;
	s18 =	sadd.s32 $0x200, s18  }
0x94: {  	s7 =	smov.u32 s17;
	s17 =	sadd.s32 $0x40, s17;
	[tilespmem:s16+$0xFFFFFF40] =	vst v38;
	v38 =	vperm.xlane v18, v11;
	v35 =	vmul.f32 v35, v27;
	v40 =	vld [tilespmem:s16+$0xA0]  }
0x95: {  	v26 =	vmul.f32 v26, v34;
	v32 =	vmul.f32 v33, v32;
	v33 =	vld [tilespmem:s16+$0x70];
	[tilespmem:s16+$0xE0] =	vst v28  }
0x96: {  	v34 =	vperm.xlane v18, v6;
	v28 =	vld [tilespmem:s16+$0xFFFFFF60];
	v30 =	vmul.f32 v30, v29;
	[tilespmem:s16+$0xC0] =	vst v37  }
0x97: {  	[tilespmem:s16+$0xFFFFFF10] =	vst v26;
	v26 =	vperm.xlane v18, v7;
	v37 =	vld [tilespmem:s16+$0x40];
	v31 =	vmul.f32 v36, v31  }
0x98: {  	v42 =	vperm.xlane v18, v12;
	v36 =	vperm.xlane v18, v8;
	v41 =	vld [tilespmem:s16+$0x30];
	[tilespmem:s16+$0x90] =	vst v35  }
0x99: {  	v35 =	vperm.xlane v18, v10;
	v43 =	vld [tilespmem:s16+$0x20];
	v29 =	vmul.f32 v40, v29;
	[tilespmem:s16+$0xD0] =	vst v31  }
0x9a: {  	v31 =	vperm.xlane v18, v4;
	[tilespmem:s16+$0xFFFFFF50] =	vst v32;
	v32 =	vld [tilespmem:s16+$0x50];
	v33 =	vmul.f32 v33, v42  }
0x9b: {  	v25 =	vmul.f32 v25, v27;
	v23 =	vmul.f32 v23, v36;
	v40 =	vld [tilespmem:s16+$0xFFFFFF20];
	[tilespmem:s16+$0xA0] =	vst v29  }
0x9c: {  	v24 =	vmul.f32 v24, v26;
	v27 =	vmul.f32 v28, v31;
	v28 =	vld [tilespmem:s16+$0x0];
	[tilespmem:s16+$0x70] =	vst v33  }
0x9d: {  	v29 =	vperm.xlane v18, v2;
	v33 =	vmul.f32 v39, v42;
	[tilespmem:s16+$0xFFFFFFF0] =	vst v23;
	v23 =	vld [tilespmem:s16+$0x10]  }
0x9e: {  	v42 =	vperm.xlane v18, v9;
	v37 =	vmul.f32 v37, v38;
	v39 =	vld [tilespmem:s16+$0xFFFFFFA0];
	[tilespmem:s16+$0xB0] =	vst v30  }
0x9f: {  	v43 =	vmul.f32 v43, v35;
	v30 =	vld [tilespmem:s16+$0xFFFFFF30];
	v32 =	vmul.f32 v32, v38;
	[tilespmem:s16+$0x80] =	vst v25  }
0xa0: {  	v22 =	vmul.f32 v22, v31;
	v25 =	vmul.f32 v40, v29;
	[tilespmem:s16+$0xFFFFFFD0] =	vst v24;
	v24 =	vld [tilespmem:s16+$0xF0]  }
0xa1: {  	[tilespmem:s16+$0xFFFFFF60] =	vst v27;
	v27 =	vld [tilespmem:s16+$0xFFFFFF90];
	v31 =	vmul.f32 v28, v42;
	v28 =	vmul.f32 v41, v35  }
0xa2: {  	v20 =	vmul.f32 v20, v36;
	v35 =	vld [tilespmem:s16+$0xFFFFFF80];
	v36 =	vmul.f32 v23, v42;
	[tilespmem:s16+$0x60] =	vst v33  }
0xa3: {  	v19 =	vmul.f32 v19, v26;
	[tilespmem:s16+$0xFFFFFF70] =	vst v22;
	v22 =	vmul.f32 v39, v34  }
0xa4: {  	v17 =	vmul.f32 v17, v34;
	[tilespmem:s16+$0xFFFFFF20] =	vst v25;
	v25 =	vmul.f32 v30, v29  }
0xa5: {  	v18 =	vperm.xlane v18, v5;
	[tilespmem:s16+$0x40] =	vst v37;
	v21 =	vmul.f32 v24, v21  }
0xa6: {  	[tilespmem:s16+$0xFFFFFFE0] =	vst v20  }
0xa7: {  	v20 =	vmul.f32 v35, v18;
	v18 =	vmul.f32 v27, v18;
	[tilespmem:s16+$0xFFFFFFC0] =	vst v19  }
0xa8: {  	[tilespmem:s16+$0xFFFFFFB0] =	vst v17  }
0xa9: {  	[tilespmem:s16+$0xF0] =	vst v21  }
0xaa: {  	[tilespmem:s16+$0xFFFFFF90] =	vst v18  }
0xab: {  	[tilespmem:s16+$0xFFFFFFA0] =	vst v22  }
0xac: {  	[tilespmem:s16+$0x30] =	vst v28  }
0xad: {  	v23 =	vld [tilespmem:s18+$0xFFFFFFF0];
	[tilespmem:s16+$0x20] =	vst v43  }
0xae: {  	v26 =	vld [tilespmem:s18+$0xFFFFFF10];
	[tilespmem:s16+$0xFFFFFF80] =	vst v20  }
0xaf: {  	v28 =	vld [tilespmem:s18+$0xE0];
	[tilespmem:s16+$0x50] =	vst v32  }
0xb0: {  	s7 =	sand.u32 $0x600, s7;
	v27 =	vld [tilespmem:s18+$0xFFFFFF40];
	[tilespmem:s16+$0xFFFFFF30] =	vst v25  }
0xb1: {  	s10 =	sand.u32 $0x70, s15;
	s7 =	sshrl.u32 s7, $0x2;
	v22 =	vld [tilespmem:s18+$0xFFFFFF70];
	[tilespmem:s16+$0x0] =	vst v31  }
0xb2: {  	s7 =	sor.u32 s10, s7;
	v17 =	vld [tilespmem:s18+$0xFFFFFFB0];
	[tilespmem:s16+$0x10] =	vst v36;
	s16 =	smov.u32 s18  }
0xb3: {  	v18 =	vld [tilespmem:s7+$0x0]  }
0xb4: {  	v19 =	vld [tilespmem:s18+$0xFFFFFFC0]  }
0xb5: {  	v20 =	vld [tilespmem:s18+$0xFFFFFFE0]  }
0xb6: {  	v24 =	vld [tilespmem:s18+$0xFFFFFFD0]  }
0xb7: {  	v29 =	vld [tilespmem:s18+$0xFFFFFF00]  }
0xb8: {  	vm0 =	veq.s32 v18, $0x0;
	v25 =	vld [tilespmem:s18+$0x80]  }
.Ltmp5:
0xb9: {  	v18 =	vsel vm0, $0x0, v1;
	v37 =	vld [tilespmem:s18+$0xC0];
	(pc) =	sbr.rel @p0 .LBB2_4-.Ltmp5, $4  }
0xba: {  	v34 =	vperm.xlane v18, v0;
	v35 =	vld [tilespmem:s18+$0x90];
	v21 =	vperm.xlane v18, v16  }
0xbb: {  	v32 =	vperm.xlane v18, v3;
	v31 =	vperm.xlane v18, v15;
	v33 =	vld [tilespmem:s18+$0xFFFFFF50]  }
0xbc: {  	v39 =	vmul.f32 v29, v34;
	v29 =	vperm.xlane v18, v14;
	v30 =	vld [tilespmem:s18+$0xB0]  }
0xbd: {  	v38 =	vmul.f32 v27, v32;
	v27 =	vperm.xlane v18, v13;
	v36 =	vld [tilespmem:s18+$0xD0]  }
0xbe: {  	[tilespmem:s16+$0xFFFFFF00] =	vst v39;
	v28 =	vmul.f32 v28, v21  }
0xbf: {  	v37 =	vmul.f32 v37, v31;
	[tilespmem:s16+$0xFFFFFF40] =	vst v38  }
0xc0: {  	v26 =	vmul.f32 v26, v34;
	[tilespmem:s16+$0xE0] =	vst v28  }
0xc1: {  	v35 =	vmul.f32 v35, v27;
	[tilespmem:s16+$0xC0] =	vst v37  }
0xc2: {  	v61 =	vperm.xlane v18, v8;
	v25 =	vmul.f32 v25, v27;
	[tilespmem:s16+$0xFFFFFF10] =	vst v26  }
0xc3: {  	v45 =	vperm.xlane v18, v7;
	v58 =	vmul.f32 v33, v32;
	[tilespmem:s16+$0x90] =	vst v35  }
0xc4: {  	v43 =	vperm.xlane v18, v4;
	v23 =	vmul.f32 v23, v61;
	[tilespmem:s16+$0x80] =	vst v25  }
0xc5: {  	v24 =	vmul.f32 v24, v45;
	[tilespmem:s16+$0xFFFFFF50] =	vst v58  }
0xc6: {  	v53 =	vld [tilespmem:s16+$0xA0];
	v22 =	vmul.f32 v22, v43;
	[tilespmem:s16+$0xFFFFFFF0] =	vst v23  }
0xc7: {  	v54 =	vld [tilespmem:s16+$0x70];
	v20 =	vmul.f32 v20, v61;
	[tilespmem:s16+$0xFFFFFFD0] =	vst v24  }
0xc8: {  	v56 =	vld [tilespmem:s16+$0xFFFFFF60];
	v19 =	vmul.f32 v19, v45;
	[tilespmem:s16+$0xFFFFFF70] =	vst v22  }
0xc9: {  	v55 =	vld [tilespmem:s16+$0x60];
	v42 =	vmul.f32 v30, v29;
	[tilespmem:s16+$0xFFFFFFE0] =	vst v20  }
0xca: {  	v60 =	vperm.xlane v18, v12;
	v46 =	vld [tilespmem:s16+$0xFFFFFF20];
	v57 =	vmul.f32 v36, v31;
	[tilespmem:s16+$0xFFFFFFC0] =	vst v19  }
0xcb: {  	v59 =	vld [tilespmem:s16+$0x40];
	v38 =	vmul.f32 v53, v29;
	[tilespmem:s16+$0xB0] =	vst v42  }
0xcc: {  	v51 =	vld [tilespmem:s16+$0xF0];
	v62 =	vmul.f32 v54, v60;
	[tilespmem:s16+$0xD0] =	vst v57  }
0xcd: {  	v63 =	vld [tilespmem:s16+$0x50];
	v50 =	vperm.xlane v18, v2;
	v47 =	vmul.f32 v56, v43;
	[tilespmem:s16+$0xA0] =	vst v38  }
0xce: {  	v52 =	vperm.xlane v18, v11;
	v28 =	vmul.f32 v55, v60;
	[tilespmem:s16+$0x70] =	vst v62  }
0xcf: {  	v36 =	vld [tilespmem:s16+$0x30];
	v54 =	vmul.f32 v46, v50;
	[tilespmem:s16+$0xFFFFFF60] =	vst v47  }
0xd0: {  	v26 =	vld [tilespmem:s16+$0x20];
	v56 =	vmul.f32 v59, v52;
	[tilespmem:s16+$0x60] =	vst v28  }
0xd1: {  	v48 =	vld [tilespmem:s16+$0xFFFFFFA0];
	v60 =	vmul.f32 v51, v21;
	v57 =	vperm.xlane v18, v6;
	[tilespmem:s16+$0xFFFFFF20] =	vst v54  }
0xd2: {  	v19 =	vperm.xlane v18, v10;
	v53 =	vld [tilespmem:s16+$0xFFFFFF90];
	v63 =	vmul.f32 v63, v52;
	[tilespmem:s16+$0x40] =	vst v56  }
0xd3: {  	v55 =	vld [tilespmem:s16+$0xFFFFFF80];
	[tilespmem:s16+$0xF0] =	vst v60;
	v17 =	vmul.f32 v17, v57  }
0xd4: {  	v49 =	vld [tilespmem:s16+$0xFFFFFF30];
	[tilespmem:s16+$0x50] =	vst v63;
	v62 =	vmul.f32 v36, v19  }
0xd5: {  	v44 =	vld [tilespmem:s16+$0x0];
	v59 =	vperm.xlane v18, v5;
	v19 =	vmul.f32 v26, v19;
	[tilespmem:s16+$0xFFFFFFB0] =	vst v17  }
0xd6: {  	v58 =	vld [tilespmem:s16+$0x10];
	v17 =	vmul.f32 v48, v57;
	[tilespmem:s16+$0x30] =	vst v62  }
0xd7: {  	v61 =	vmul.f32 v53, v59;
	[tilespmem:s16+$0x20] =	vst v19  }
0xd8: {  	v18 =	vperm.xlane v18, v9;
	[tilespmem:s16+$0xFFFFFFA0] =	vst v17;
	v17 =	vmul.f32 v55, v59  }
0xd9: {  	v19 =	vmul.f32 v49, v50;
	[tilespmem:s16+$0xFFFFFF90] =	vst v61  }
0xda: {  	[tilespmem:s16+$0xFFFFFF80] =	vst v17;
	v17 =	vmul.f32 v44, v18  }
0xdb: {  	[tilespmem:s16+$0xFFFFFF30] =	vst v19;
	v18 =	vmul.f32 v58, v18  }
0xdc: {  	[tilespmem:s16+$0x0] =	vst v17  }
0xdd: {  	[tilespmem:s16+$0x10] =	vst v18  }
.LBB2_6:
0xde: {  	s7 =	sshll.u32 s2, $0x14  }
0xdf: {  	s7 =	sor.u32 s9, s7  }
0xe0: {  	s7 =	sshrl.u32 s7, $0x3  }
0xe1: {  	s15 =	simm.s32 $0x0;
	s7 =	sadd.s32 s1, s7  }
0xe2: {  	[hbm4b:s7+s15] =	stream.linear.scatter [tilespmem:s13], [sflag:$0x3], $0x4000, $0x38;
	[tilespmem:$0x8400] =	vst v63  }
0xe3: {  	v17 =	vld [tilespmem:$0x200]  }
0xe4: {  	v18 =	vld [tilespmem:$0x210]  }
0xe5: {  	v19 =	vld [tilespmem:$0x220]  }
0xe6: {  	v20 =	vld [tilespmem:$0x230]  }
0xe7: {  	v21 =	vld [tilespmem:$0x240]  }
0xe8: {  	v22 =	vld [tilespmem:$0x250]  }
0xe9: {  	vm0 =	veq.s32 v17, $0x0;
	vm1 =	veq.s32 v18, $0x0;
	v17 =	vld [tilespmem:$0x260]  }
0xea: {  	vm10 =	veq.s32 v19, $0x0;
	v19 =	vld [tilespmem:$0x270];
	v18 =	vsel vm0, $0x1, v0;
	v23 =	vsel vm1, $0x1, v0  }
0xeb: {  	v25 =	vld [tilespmem:$0x280];
	vm11 =	veq.s32 v20, $0x0;
	v24 =	vsel vm10, $0x1, v0;
	v18 =	vadd.s32 v23, v18  }
0xec: {  	v27 =	vld [tilespmem:$0x290];
	vm12 =	veq.s32 v21, $0x0;
	v26 =	vsel vm11, $0x1, v0;
	v18 =	vadd.s32 v24, v18  }
0xed: {  	v29 =	vld [tilespmem:$0x2A0];
	vm13 =	veq.s32 v22, $0x0;
	v28 =	vsel vm12, $0x1, v0;
	v18 =	vadd.s32 v26, v18  }
0xee: {  	v30 =	vsel vm13, $0x1, v0;
	v18 =	vadd.s32 v28, v18;
	vm14 =	veq.s32 v17, $0x0;
	v17 =	vld [tilespmem:$0x2B0]  }
0xef: {  	vm15 =	veq.s32 v19, $0x0;
	v19 =	vld [tilespmem:$0x2C0];
	v18 =	vadd.s32 v30, v18;
	v31 =	vsel vm14, $0x1, v0  }
0xf0: {  	v33 =	vld [tilespmem:$0x2D0];
	vm4 =	veq.s32 v25, $0x0;
	v32 =	vsel vm15, $0x1, v0;
	v18 =	vadd.s32 v31, v18  }
0xf1: {  	v35 =	vld [tilespmem:$0x2E0];
	vm5 =	veq.s32 v27, $0x0;
	v34 =	vsel vm4, $0x1, v0;
	v18 =	vadd.s32 v32, v18  }
0xf2: {  	v37 =	vld [tilespmem:$0x2F0];
	vm6 =	veq.s32 v29, $0x0;
	v36 =	vsel vm5, $0x1, v0;
	v18 =	vadd.s32 v34, v18  }
0xf3: {  	v38 =	vsel vm6, $0x1, v0;
	v18 =	vadd.s32 v36, v18;
	vm7 =	veq.s32 v17, $0x0;
	v17 =	vld [tilespmem:$0x300]  }
0xf4: {  	vm8 =	veq.s32 v19, $0x0;
	v19 =	vld [tilespmem:$0x310];
	v18 =	vadd.s32 v38, v18;
	v39 =	vsel vm7, $0x1, v0  }
0xf5: {  	v41 =	vld [tilespmem:$0x320];
	vm9 =	veq.s32 v33, $0x0;
	v40 =	vsel vm8, $0x1, v0;
	v18 =	vadd.s32 v39, v18  }
0xf6: {  	v43 =	vld [tilespmem:$0x330];
	v42 =	vsel vm9, $0x1, v0;
	vm10 =	veq.s32 v35, $0x0;
	v18 =	vadd.s32 v40, v18  }
0xf7: {  	v45 =	vld [tilespmem:$0x340];
	vm11 =	veq.s32 v37, $0x0;
	v44 =	vsel vm10, $0x1, v0;
	v18 =	vadd.s32 v42, v18  }
0xf8: {  	v46 =	vsel vm11, $0x1, v0;
	v18 =	vadd.s32 v44, v18;
	vm12 =	veq.s32 v17, $0x0;
	v17 =	vld [tilespmem:$0x350]  }
0xf9: {  	vm13 =	veq.s32 v19, $0x0;
	v19 =	vld [tilespmem:$0x360];
	v18 =	vadd.s32 v46, v18;
	v47 =	vsel vm12, $0x1, v0  }
0xfa: {  	v49 =	vld [tilespmem:$0x370];
	vm14 =	veq.s32 v41, $0x0;
	v48 =	vsel vm13, $0x1, v0;
	v18 =	vadd.s32 v47, v18  }
0xfb: {  	v51 =	vld [tilespmem:$0x380];
	vm15 =	veq.s32 v43, $0x0;
	v50 =	vsel vm14, $0x1, v0;
	v18 =	vadd.s32 v48, v18  }
0xfc: {  	v53 =	vld [tilespmem:$0x390];
	vm4 =	veq.s32 v45, $0x0;
	v52 =	vsel vm15, $0x1, v0;
	v18 =	vadd.s32 v50, v18  }
0xfd: {  	v54 =	vsel vm4, $0x1, v0;
	v18 =	vadd.s32 v52, v18;
	vm5 =	veq.s32 v17, $0x0;
	v17 =	vld [tilespmem:$0x3A0]  }
0xfe: {  	vm6 =	veq.s32 v19, $0x0;
	v19 =	vld [tilespmem:$0x3B0];
	v18 =	vadd.s32 v54, v18;
	v55 =	vsel vm5, $0x1, v0  }
0xff: {  	v57 =	vld [tilespmem:$0x3C0];
	vm7 =	veq.s32 v49, $0x0;
	v56 =	vsel vm6, $0x1, v0;
	v18 =	vadd.s32 v55, v18  }
0x100: {  	v59 =	vld [tilespmem:$0x3D0];
	vm8 =	veq.s32 v51, $0x0;
	v58 =	vsel vm7, $0x1, v0;
	v18 =	vadd.s32 v56, v18  }
0x101: {  	v61 =	vld [tilespmem:$0x3E0];
	vm9 =	veq.s32 v53, $0x0;
	v60 =	vsel vm8, $0x1, v0;
	v18 =	vadd.s32 v58, v18  }
0x102: {  	v62 =	vsel vm9, $0x1, v0;
	v18 =	vadd.s32 v60, v18;
	vm10 =	veq.s32 v17, $0x0;
	v17 =	vld [tilespmem:$0x3F0]  }
0x103: {  	vm11 =	veq.s32 v19, $0x0;
	v18 =	vadd.s32 v62, v18;
	v63 =	vsel vm10, $0x1, v0  }
0x104: {  	vm12 =	veq.s32 v57, $0x0;
	v19 =	vsel vm11, $0x1, v0;
	v18 =	vadd.s32 v63, v18  }
0x105: {  	vm13 =	veq.s32 v59, $0x0;
	v18 =	vadd.s32 v19, v18;
	v19 =	vsel vm12, $0x1, v0  }
0x106: {  	vm14 =	veq.s32 v61, $0x0;
	v18 =	vadd.s32 v19, v18;
	v19 =	vsel vm13, $0x1, v0  }
0x107: {  	v18 =	vadd.s32 v19, v18;
	v19 =	vsel vm14, $0x1, v0;
	vm15 =	veq.s32 v17, $0x0  }
0x108: {  	v17 =	vadd.s32 v19, v18;
	v18 =	vsel vm15, $0x1, v0  }
0x109: {  	v17 =	vadd.s32 v18, v17  }
0x10a: {  	(xrf0) =	vadd.scan.msk.s32 $0xffff, v17;
	_ =	sdelay $0x5  }
0x10b: {  	v17, _, _ =	vpop (xrf0)  }
0x10c: {  	(v2sf) =	vpush v17, $0xF;
	_ =	sdelay $0xe  }
0x10d: {  	s18 =	spop (v2sf)  }
0x10e: {  	_ =	swait.ge [sflag:s29], $0x1000  }
0x10f: {  	[sflag:s29] =	ssyncset.done $0x0  }
0x110: {  	[sflag:s29] =	ssyncadd.s32 $0xFFFFF000  }
0x111: {  	_ =	swait.ge [sflag:s29], $0x1000  }
0x112: {  	[sflag:s29] =	ssyncset.done $0x0  }
0x113: {  	[sflag:s29] =	ssyncadd.s32 $0xFFFFF000  }
0x114: {  	p0 =	slt.s32 s18, $0x1;
	_ =	swait.ge [sflag:s29], $0x1000  }
.Ltmp6:
0x115: {  	[sflag:s29] =	ssyncset.done $0x0;
	(pc) =	sbr.rel @p0 .LBB2_10-.Ltmp6, $4  }
0x116: {  	[sflag:s29] =	ssyncadd.s32 $0xFFFFF000  }
0x117: {  	_ =	swait.ge [sflag:s29], $0x1000  }
0x118: {  	[sflag:s29] =	ssyncset.done $0x0  }
0x119: {  	s16 =	simm.s32 $0x4500;
	[sflag:s29] =	ssyncadd.s32 $0xFFFFF000  }
0x11a: {  	v23 =	vld [tilespmem:s16+$0xFFFFFFF0]  }
0x11b: {  	v26 =	vld [tilespmem:s16+$0xFFFFFF10]  }
0x11c: {  	v28 =	vld [tilespmem:s16+$0xE0]  }
0x11d: {  	s7 =	sand.u32 $0x600, s15;
	v27 =	vld [tilespmem:s16+$0xFFFFFF40]  }
0x11e: {  	s10 =	sand.u32 $0x70, s15;
	v22 =	vld [tilespmem:s16+$0xFFFFFF70];
	s7 =	sshrl.u32 s7, $0x2  }
0x11f: {  	v17 =	vld [tilespmem:s16+$0xFFFFFFB0];
	s7 =	sor.u32 s10, s7  }
0x120: {  	v18 =	vld [tilespmem:s7+$0x200]  }
0x121: {  	v19 =	vld [tilespmem:s16+$0xFFFFFFC0]  }
0x122: {  	v20 =	vld [tilespmem:s16+$0xFFFFFFE0]  }
0x123: {  	v24 =	vld [tilespmem:s16+$0xFFFFFFD0]  }
0x124: {  	v29 =	vld [tilespmem:s16+$0xFFFFFF00]  }
0x125: {  	v25 =	vld [tilespmem:s16+$0x80];
	vm0 =	veq.s32 v18, $0x0  }
0x126: {  	v37 =	vld [tilespmem:s16+$0xC0];
	v18 =	vsel vm0, $0x0, v1  }
0x127: {  	v35 =	vld [tilespmem:s16+$0x90];
	v34 =	vperm.xlane v18, v0;
	v21 =	vperm.xlane v18, v16  }
0x128: {  	v33 =	vld [tilespmem:s16+$0xFFFFFF50];
	v32 =	vperm.xlane v18, v3;
	v31 =	vperm.xlane v18, v15  }
0x129: {  	v30 =	vld [tilespmem:s16+$0xB0];
	v39 =	vmul.f32 v29, v34;
	v29 =	vperm.xlane v18, v14  }
0x12a: {  	s17 =	simm.s32 $0x40;
	v36 =	vld [tilespmem:s16+$0xD0];
	s18 =	simm.s32 $0x4500;
	v38 =	vmul.f32 v27, v32;
	v27 =	vperm.xlane v18, v13  }
.LBB2_8:
0x12b: {  	p0 =	sne.s32 s17, $0x7C0;
	[tilespmem:s16+$0xFFFFFF00] =	vst v39;
	v39 =	vld [tilespmem:s16+$0x60];
	v37 =	vmul.f32 v37, v31;
	v28 =	vmul.f32 v28, v21;
	s15 =	sadd.s32 $0x10, s15;
	s18 =	sadd.s32 $0x200, s18  }
0x12c: {  	s7 =	smov.u32 s17;
	s17 =	sadd.s32 $0x40, s17;
	[tilespmem:s16+$0xFFFFFF40] =	vst v38;
	v38 =	vperm.xlane v18, v11;
	v35 =	vmul.f32 v35, v27;
	v40 =	vld [tilespmem:s16+$0xA0]  }
0x12d: {  	v26 =	vmul.f32 v26, v34;
	v32 =	vmul.f32 v33, v32;
	v33 =	vld [tilespmem:s16+$0x70];
	[tilespmem:s16+$0xE0] =	vst v28  }
0x12e: {  	v34 =	vperm.xlane v18, v6;
	v28 =	vld [tilespmem:s16+$0xFFFFFF60];
	v30 =	vmul.f32 v30, v29;
	[tilespmem:s16+$0xC0] =	vst v37  }
0x12f: {  	[tilespmem:s16+$0xFFFFFF10] =	vst v26;
	v26 =	vperm.xlane v18, v7;
	v37 =	vld [tilespmem:s16+$0x40];
	v31 =	vmul.f32 v36, v31  }
0x130: {  	v42 =	vperm.xlane v18, v12;
	v36 =	vperm.xlane v18, v8;
	v41 =	vld [tilespmem:s16+$0x30];
	[tilespmem:s16+$0x90] =	vst v35  }
0x131: {  	v35 =	vperm.xlane v18, v10;
	v43 =	vld [tilespmem:s16+$0x20];
	v29 =	vmul.f32 v40, v29;
	[tilespmem:s16+$0xD0] =	vst v31  }
0x132: {  	v31 =	vperm.xlane v18, v4;
	[tilespmem:s16+$0xFFFFFF50] =	vst v32;
	v32 =	vld [tilespmem:s16+$0x50];
	v33 =	vmul.f32 v33, v42  }
0x133: {  	v25 =	vmul.f32 v25, v27;
	v23 =	vmul.f32 v23, v36;
	v40 =	vld [tilespmem:s16+$0xFFFFFF20];
	[tilespmem:s16+$0xA0] =	vst v29  }
0x134: {  	v24 =	vmul.f32 v24, v26;
	v27 =	vmul.f32 v28, v31;
	v28 =	vld [tilespmem:s16+$0x0];
	[tilespmem:s16+$0x70] =	vst v33  }
0x135: {  	v29 =	vperm.xlane v18, v2;
	v33 =	vmul.f32 v39, v42;
	[tilespmem:s16+$0xFFFFFFF0] =	vst v23;
	v23 =	vld [tilespmem:s16+$0x10]  }
0x136: {  	v42 =	vperm.xlane v18, v9;
	v37 =	vmul.f32 v37, v38;
	v39 =	vld [tilespmem:s16+$0xFFFFFFA0];
	[tilespmem:s16+$0xB0] =	vst v30  }
0x137: {  	v43 =	vmul.f32 v43, v35;
	v30 =	vld [tilespmem:s16+$0xFFFFFF30];
	v32 =	vmul.f32 v32, v38;
	[tilespmem:s16+$0x80] =	vst v25  }
0x138: {  	v22 =	vmul.f32 v22, v31;
	v25 =	vmul.f32 v40, v29;
	[tilespmem:s16+$0xFFFFFFD0] =	vst v24;
	v24 =	vld [tilespmem:s16+$0xF0]  }
0x139: {  	[tilespmem:s16+$0xFFFFFF60] =	vst v27;
	v27 =	vld [tilespmem:s16+$0xFFFFFF90];
	v31 =	vmul.f32 v28, v42;
	v28 =	vmul.f32 v41, v35  }
0x13a: {  	v20 =	vmul.f32 v20, v36;
	v35 =	vld [tilespmem:s16+$0xFFFFFF80];
	v36 =	vmul.f32 v23, v42;
	[tilespmem:s16+$0x60] =	vst v33  }
0x13b: {  	v19 =	vmul.f32 v19, v26;
	[tilespmem:s16+$0xFFFFFF70] =	vst v22;
	v22 =	vmul.f32 v39, v34  }
0x13c: {  	v17 =	vmul.f32 v17, v34;
	[tilespmem:s16+$0xFFFFFF20] =	vst v25;
	v25 =	vmul.f32 v30, v29  }
0x13d: {  	v18 =	vperm.xlane v18, v5;
	[tilespmem:s16+$0x40] =	vst v37;
	v21 =	vmul.f32 v24, v21  }
0x13e: {  	[tilespmem:s16+$0xFFFFFFE0] =	vst v20  }
0x13f: {  	v20 =	vmul.f32 v35, v18;
	v18 =	vmul.f32 v27, v18;
	[tilespmem:s16+$0xFFFFFFC0] =	vst v19  }
0x140: {  	[tilespmem:s16+$0xFFFFFFB0] =	vst v17  }
0x141: {  	[tilespmem:s16+$0xF0] =	vst v21  }
0x142: {  	[tilespmem:s16+$0xFFFFFF90] =	vst v18  }
0x143: {  	[tilespmem:s16+$0xFFFFFFA0] =	vst v22  }
0x144: {  	[tilespmem:s16+$0x30] =	vst v28  }
0x145: {  	v23 =	vld [tilespmem:s18+$0xFFFFFFF0];
	[tilespmem:s16+$0x20] =	vst v43  }
0x146: {  	v26 =	vld [tilespmem:s18+$0xFFFFFF10];
	[tilespmem:s16+$0xFFFFFF80] =	vst v20  }
0x147: {  	v28 =	vld [tilespmem:s18+$0xE0];
	[tilespmem:s16+$0x50] =	vst v32  }
0x148: {  	s7 =	sand.u32 $0x600, s7;
	v27 =	vld [tilespmem:s18+$0xFFFFFF40];
	[tilespmem:s16+$0xFFFFFF30] =	vst v25  }
0x149: {  	s10 =	sand.u32 $0x70, s15;
	s7 =	sshrl.u32 s7, $0x2;
	v22 =	vld [tilespmem:s18+$0xFFFFFF70];
	[tilespmem:s16+$0x0] =	vst v31  }
0x14a: {  	s7 =	sor.u32 s10, s7;
	v17 =	vld [tilespmem:s18+$0xFFFFFFB0];
	[tilespmem:s16+$0x10] =	vst v36;
	s16 =	smov.u32 s18  }
0x14b: {  	v18 =	vld [tilespmem:s7+$0x200]  }
0x14c: {  	v19 =	vld [tilespmem:s18+$0xFFFFFFC0]  }
0x14d: {  	v20 =	vld [tilespmem:s18+$0xFFFFFFE0]  }
0x14e: {  	v24 =	vld [tilespmem:s18+$0xFFFFFFD0]  }
0x14f: {  	v29 =	vld [tilespmem:s18+$0xFFFFFF00]  }
0x150: {  	vm0 =	veq.s32 v18, $0x0;
	v25 =	vld [tilespmem:s18+$0x80]  }
.Ltmp7:
0x151: {  	v18 =	vsel vm0, $0x0, v1;
	v37 =	vld [tilespmem:s18+$0xC0];
	(pc) =	sbr.rel @p0 .LBB2_8-.Ltmp7, $4  }
0x152: {  	v34 =	vperm.xlane v18, v0;
	v35 =	vld [tilespmem:s18+$0x90];
	v21 =	vperm.xlane v18, v16  }
0x153: {  	v32 =	vperm.xlane v18, v3;
	v31 =	vperm.xlane v18, v15;
	v33 =	vld [tilespmem:s18+$0xFFFFFF50]  }
0x154: {  	v39 =	vmul.f32 v29, v34;
	v29 =	vperm.xlane v18, v14;
	v30 =	vld [tilespmem:s18+$0xB0]  }
0x155: {  	v38 =	vmul.f32 v27, v32;
	v27 =	vperm.xlane v18, v13;
	v36 =	vld [tilespmem:s18+$0xD0]  }
0x156: {  	[tilespmem:s16+$0xFFFFFF00] =	vst v39;
	v28 =	vmul.f32 v28, v21  }
0x157: {  	v37 =	vmul.f32 v37, v31;
	[tilespmem:s16+$0xFFFFFF40] =	vst v38  }
0x158: {  	v26 =	vmul.f32 v26, v34;
	[tilespmem:s16+$0xE0] =	vst v28  }
0x159: {  	v35 =	vmul.f32 v35, v27;
	[tilespmem:s16+$0xC0] =	vst v37  }
0x15a: {  	v61 =	vperm.xlane v18, v8;
	v25 =	vmul.f32 v25, v27;
	[tilespmem:s16+$0xFFFFFF10] =	vst v26  }
0x15b: {  	v45 =	vperm.xlane v18, v7;
	v58 =	vmul.f32 v33, v32;
	[tilespmem:s16+$0x90] =	vst v35  }
0x15c: {  	v43 =	vperm.xlane v18, v4;
	v23 =	vmul.f32 v23, v61;
	[tilespmem:s16+$0x80] =	vst v25  }
0x15d: {  	v24 =	vmul.f32 v24, v45;
	[tilespmem:s16+$0xFFFFFF50] =	vst v58  }
0x15e: {  	v53 =	vld [tilespmem:s16+$0xA0];
	v22 =	vmul.f32 v22, v43;
	[tilespmem:s16+$0xFFFFFFF0] =	vst v23  }
0x15f: {  	v54 =	vld [tilespmem:s16+$0x70];
	v20 =	vmul.f32 v20, v61;
	[tilespmem:s16+$0xFFFFFFD0] =	vst v24  }
0x160: {  	v56 =	vld [tilespmem:s16+$0xFFFFFF60];
	v19 =	vmul.f32 v19, v45;
	[tilespmem:s16+$0xFFFFFF70] =	vst v22  }
0x161: {  	v55 =	vld [tilespmem:s16+$0x60];
	v42 =	vmul.f32 v30, v29;
	[tilespmem:s16+$0xFFFFFFE0] =	vst v20  }
0x162: {  	v60 =	vperm.xlane v18, v12;
	v46 =	vld [tilespmem:s16+$0xFFFFFF20];
	v57 =	vmul.f32 v36, v31;
	[tilespmem:s16+$0xFFFFFFC0] =	vst v19  }
0x163: {  	v59 =	vld [tilespmem:s16+$0x40];
	v38 =	vmul.f32 v53, v29;
	[tilespmem:s16+$0xB0] =	vst v42  }
0x164: {  	v51 =	vld [tilespmem:s16+$0xF0];
	v62 =	vmul.f32 v54, v60;
	[tilespmem:s16+$0xD0] =	vst v57  }
0x165: {  	v63 =	vld [tilespmem:s16+$0x50];
	v50 =	vperm.xlane v18, v2;
	v47 =	vmul.f32 v56, v43;
	[tilespmem:s16+$0xA0] =	vst v38  }
0x166: {  	v52 =	vperm.xlane v18, v11;
	v28 =	vmul.f32 v55, v60;
	[tilespmem:s16+$0x70] =	vst v62  }
0x167: {  	v36 =	vld [tilespmem:s16+$0x30];
	v54 =	vmul.f32 v46, v50;
	[tilespmem:s16+$0xFFFFFF60] =	vst v47  }
0x168: {  	v26 =	vld [tilespmem:s16+$0x20];
	v56 =	vmul.f32 v59, v52;
	[tilespmem:s16+$0x60] =	vst v28  }
0x169: {  	v48 =	vld [tilespmem:s16+$0xFFFFFFA0];
	v60 =	vmul.f32 v51, v21;
	v57 =	vperm.xlane v18, v6;
	[tilespmem:s16+$0xFFFFFF20] =	vst v54  }
0x16a: {  	v19 =	vperm.xlane v18, v10;
	v53 =	vld [tilespmem:s16+$0xFFFFFF90];
	v63 =	vmul.f32 v63, v52;
	[tilespmem:s16+$0x40] =	vst v56  }
0x16b: {  	v55 =	vld [tilespmem:s16+$0xFFFFFF80];
	[tilespmem:s16+$0xF0] =	vst v60;
	v17 =	vmul.f32 v17, v57  }
0x16c: {  	v49 =	vld [tilespmem:s16+$0xFFFFFF30];
	[tilespmem:s16+$0x50] =	vst v63;
	v62 =	vmul.f32 v36, v19  }
0x16d: {  	v44 =	vld [tilespmem:s16+$0x0];
	v59 =	vperm.xlane v18, v5;
	v19 =	vmul.f32 v26, v19;
	[tilespmem:s16+$0xFFFFFFB0] =	vst v17  }
0x16e: {  	v58 =	vld [tilespmem:s16+$0x10];
	v17 =	vmul.f32 v48, v57;
	[tilespmem:s16+$0x30] =	vst v62  }
0x16f: {  	v61 =	vmul.f32 v53, v59;
	[tilespmem:s16+$0x20] =	vst v19  }
0x170: {  	v18 =	vperm.xlane v18, v9;
	[tilespmem:s16+$0xFFFFFFA0] =	vst v17;
	v17 =	vmul.f32 v55, v59  }
.Ltmp8:
0x171: {  	v19 =	vmul.f32 v49, v50;
	[tilespmem:s16+$0xFFFFFF90] =	vst v61;
	(pc) =	sbr.rel .LBB2_10-.Ltmp8, $4  }
0x172: {  	[tilespmem:s16+$0xFFFFFF80] =	vst v17;
	v17 =	vmul.f32 v44, v18  }
0x173: {  	[tilespmem:s16+$0xFFFFFF30] =	vst v19;
	v18 =	vmul.f32 v58, v18  }
0x174: {  	[tilespmem:s16+$0x0] =	vst v17  }
0x175: {  	[tilespmem:s16+$0x10] =	vst v18  }
.LBB2_12:
0x176: {  	_ =	sfence.sel $0x180000  }
0x177: {  	[bflag:$0x0] =	sbarrier.arrive $0xFFFF  }
0x178: {  	_ =	strace $0x90000047  }
0x179: {  	s0 =	stileid.u32;
	[bflag:$0x2] =	sbarrier.arrive $0xFFFF  }
0x17a: {  	p0 =	sne.s32 s0, $0x0;
	s0 =	rddreg [dreg:$0x2]  }
0x17b: {  	s0 =	sadd.s32 @!p0 $0x100000, s0  }
0x17c: {  	[sflag:s0] =	ssyncadd.tile.s32 @!p0 $0x1;
	_ =	shalt  }
.Lfunc_end2:
_tile_overlayer_lowered:
.L_overlay_start_2:
0x17d: {  	(tag) =	ssettag $0x2  }
0x17e: {  	s0 =	rddreg [dreg:$0x0];
	s2 =	stileid.u32  }
0x17f: {  	s1 =	rddreg [dreg:$0x1];
	p0 =	sne.s32 s2, $0x0  }
0x180: {  	s3 =	rddreg [dreg:$0x2];
	[bflag:$0x3] =	sbarrier.arrive $0xFFFF;
	s2 =	simm.s32 @!p0 $0x1C05  }
0x181: {  	[timem:s3], [sflag:s2] =	dma.local @!p0 [hbm:s0], s1  }
0x182: {  	s0 =	simm.s32 @!p0 $0x5  }
0x183: {  	_ =	swait.ge @!p0 [sflag:s0], s1  }
0x184: {  	s1 =	ssub.s32 @!p0 $0x0, s1;
	[sflag:s0] =	ssyncset.done @!p0 $0x0  }
0x185: {  	[sflag:s0] =	ssyncadd.s32 @!p0 s1  }
0x186: {  	[bflag:$0x3] =	sbarrier.arrive $0xFFFF  }
0x187: {  	_ =	shalt  }

// kernel: sparse-core-data-format-call.cloned.1.call-start
scs
called_computation_lowered:
.L_overlay_start_0:
0x0: {  	s2 =	sld [smem:$0x3FD9]  }
0x1: {  	s3 =	sld [smem:$0x3FFE];
	_ =	sdelay $0x1  }
0x2: {  	s1 =	srdreg.scid  }
0x3: {  	s0 =	sand.u32 $0x1, s1  }
0x4: {  	s18 =	sshll.u32 s0, $0xA;
	s2 =	sadd.s32 s3, s2  }
0x5: {  	s2 =	sadd.s32 s2, s18  }
0x6: {  	[smem:$0x3FC6] =	sst s2  }
0x7: {  	_ = 	snop  }
0x8: {  	s2 =	sld [smem:$0x3FD0];
	(tm) =	ssettm $0x1  }
0x9: {  	s19 =	sld [smem:$0x3FFB];
	_ =	sdelay $0x3  }
0xa: {  	_ =	strace s19  }
0xb: {  	s3 =	sld [smem:$0x3FFC];
	_ =	sdelay $0x3  }
0xc: {  	_ =	strace s3  }
0xd: {  	s3 =	sld [smem:$0x3FFD];
	_ =	sdelay $0x3  }
0xe: {  	_ =	strace s3  }
0xf: {  	_ =	strace $0x8FFFFFFF  }
0x10: {  	s20 =	sld [smem:$0x3FDB];
	_ =	sdelay $0x1  }
0x11: {  	s4 =	simm.s32 $_scs_section_size  }
0x12: {  	s5 =	simm.s32 $_size__tile_overlayer_lowered;
	s6 =	simm.s32 $_tile_overlayer_lowered  }
0x13: {  	s23 =	simm.s32 $0x1BFF;
	s22 =	sshll.u32 s6, $0x1;
	s3 =	sadd.s32 s4, s20  }
0x14: {  	s7 =	simm.s32 $0x0;
	s21 =	sshll.u32 s5, $0x1;
	s5 =	sadd.s32 s22, s3  }
0x15: {  	[timem:s7], [sflag:s23] =	dma.local [hbm:s5], s21  }
0x16: {  	_ =	swait.ge [sflag:s23], s21  }
0x17: {  	s4 =	ssub.s32 $0x0, s21;
	[sflag:s23] =	ssyncset.done $0x0  }
0x18: {  	[sflag:s23] =	ssyncadd.s32 s4;
	_ =	sdelay $0x1  }
0x19: {  	s24 =	simm.s32 $0x1B8B  }
0x1a: {  	_ =	swait.ge [sflag:s24], $0x1  }
0x1b: {  	[sflag:s24] =	ssyncset.done $0x0  }
0x1c: {  	s26 =	simm.s32 $0x1B8E;
	s25 =	sld [smem:$0x3FFE];
	[sflag:s24] =	ssyncadd.s32 $0xFFFFFFFF  }
0x1d: {  	s27 =	simm.s32 $execute0_lowered;
	[smem:$0x3FD2] =	sst s26  }
0x1e: {  	s5 =	sshll.u32 s27, $0x1;
	_ =	strace $0x80000049;
	[dreg:$0x1] =	wrdreg $0xFFFFFFFF  }
0x1f: {  	s28 =	simm.s32 $_size_execute0_lowered;
	s3 =	sadd.s32 s3, s5;
	[dreg:$0x0] =	wrdreg $0x0  }
0x20: {  	s5 =	sshll.u32 s28, $0x1;
	[dreg:$0x2] =	wrdreg s3  }
0x21: {  	[dreg:$0x3] =	wrdreg s5  }
0x22: {  	[dreg:$0x4] =	wrdreg $0xC0  }
0x23: {  	_ =	task [dreg:s7], $0x5FFFF  }
0x24: {  	[dreg:$0x1] =	wrdreg $0xFFFFFFFF  }
0x25: {  	[dreg:$0x0] =	wrdreg $0x60  }
0x26: {  	[dreg:$0x2] =	wrdreg s25  }
0x27: {  	[dreg:$0x3] =	wrdreg s2  }
0x28: {  	[dreg:$0x4] =	wrdreg $0x9  }
0x29: {  	_ =	task.clear_ibuf [dreg:s7], $0x5FFFF;
	_ =	strace $0x90000049  }
0x2a: {  	s29 =	simm.s32 $0x9;
	_ =	strace $0x8000004B  }
0x2b: {  	_ =	swait.ge [sflag:s29], $0x1  }
0x2c: {  	[sflag:s29] =	ssyncadd.s32 $0xFFFFFFFF  }
0x2d: {  	_ =	strace $0x9000004B  }
0x2e: {  	_ =	sfence  }
0x2f: {  	s30 =	sld [smem:$0x0];
	_ =	sdelay $0x2  }
0x30: {  	s31 =	sshll.u32 s1, $0xD;
	s1 =	sshrl.u32 s1, $0x2  }
0x31: {  	s3 =	sand.u32 $0x4000, s31;
	s1 =	sadd.s32 s1, s30  }
0x32: {  	s0 =	sor.u32 s3, s0;
	s1 =	sshll.u32 s1, $0x11  }
0x33: {  	s0 =	sor.u32 s1, s0  }
0x34: {  	s0 =	sadd.s32 $0x8F2B, s0  }
0x35: {  	[sflag:s0] =	ssyncadd.remote.s32 $0x1  }
0x36: {  	_ =	sfence.sel $0xFFFF  }
0x37: {  	[dreg:$0x0] =	wrdreg $0xFFFFFFFF;
	(pc) =	sbr.abs _section_cstart, $3  }
0x38: {  	[dreg:$0x1] =	wrdreg $0xFFFFFFFF  }
0x39: {  	_ =	task.clear_ibuf [dreg:s7], $0x2FFFF;
	_ =	strace $0x9FFFFFFF  }
0x3a: {  	(tm) =	ssettm $0x7FFFFFFF  }
0x3b: {  	_ =	shalt  }
tec
execute0_lowered:
.L_overlay_start_1:
0x0: {  	(tag) =	ssettag $0x1  }
0x1: {  	s0 =	srdreg.scid  }
0x2: {  	s1 =	sshll.u32 s0, $0x4  }
0x3: {  	s0 =	stileid.u32;
	s1 =	sand.u32 $0x10, s1  }
0x4: {  	s7 =	rddreg [dreg:$0x0];
	s1 =	sor.u32 s0, s1  }
0x5: {  	s4 =	simm.s32 $0x1;
	s8 =	simm.s32 $0x2;
	s2 =	sshll.u32 s1, $0x7  }
0x6: {  	s13 =	simm.s32 $0x0;
	s9 =	simm.s32 $0x20000;
	s1 =	ssub.s32 $0x4000, s2  }
0x7: {  	s14 =	simm.s32 $0x0;
	s11 =	simm.s32 $0x0;
	s3 =	sand.u32 $0xF80, s1  }
0x8: {  	s12 =	simm.s32 $0x0;
	s5 =	sshrl.u32 s1, $0xC;
	p0 =	sne.s32 s3, $0x0  }
.Ltmp0:
0x9: {  	s1 =	rddreg [dreg:$0x2];
	s4 =	simm.s32 @!p0 $0x0;
	(pc) =	sbr.rel .LBB1_1-.Ltmp0, $4  }
0xa: {  	s6 =	sadd.s32 $0xA00, s7;
	s3 =	rddreg [dreg:$0x1];
	s5 =	sadd.s32 s4, s5  }
0xb: {  	_ =	strace $0x8000004A;
	s4 =	simm.s32 $0x1;
	s5 =	smul.u32 $0x19, s5  }
0xc: {  	s7 =	sadd.s32 $0x40A00, s7;
	s10 =	smov.u32 s2;
	[sflag:s4] =	ssyncpa.u1 $0x0  }
0xd: {  	p0 =	por $0x0, $0x0;
	[sflag:s8] =	ssyncpa.u1 $0x0;
	s8 =	sadd.s32 $0x1, s5  }
.LBB1_7:
0xe: {  	s15 =	sadd.s32 $0x1000, s10  }
0xf: {  	s13 =	sadd.s32 $0x2, s11;
	s17 =	smov.u32 s11;
	p2 =	sgt.s32 s15, $0x3FFF  }
0x10: {  	s17 =	smov.u32 @p2 s13  }
0x11: {  	s15 =	smov.u32 @p2 s2;
	p2 =	sgt.s32 s17, $0x31  }
0x12: {  	s17 =	simm.s32 @p2 $0x0;
	p2 =	sne.s32 s12, s8  }
.Ltmp1:
0x13: {  	p1 =	slt.u32 s12, $0x2;
	(pc) =	sbr.rel @!p2 .LBB1_8-.Ltmp1, $4  }
0x14: {  	s16 =	simm.s32 @!p1 $0x2  }
0x15: {  	s14 =	smov.u32 s11;
	p0 =	por !p0, !p0;
	_ =	swait.ge @!p1 [sflag:s16], $0x2000  }
0x16: {  	s13 =	smov.u32 s10;
	[sflag:s16] =	ssyncset.done @!p1 $0x0;
	s10 =	smov.u32 s15  }
0x17: {  	s12 =	sadd.s32 $0x1, s12;
	[sflag:s16] =	ssyncadd.s32 @!p1 $0xFFFFE000;
	s11 =	smov.u32 s17  }
.LBB1_1:
0x18: {  	p1 =	sge.u32 s12, s5  }
0x19: {  	s15 =	sxor.u32 @!p1 $0xFFFFFFFF, s12;
	s16 =	sshll.u32 @!p1 s11, $0x12  }
0x1a: {  	s17 =	sshll.u32 @!p1 s10, $0x4;
	s19 =	simm.s32 @!p1 $0x20;
	s20 =	simm.s32 @!p1 $0x80  }
0x1b: {  	s15 =	sshll.u32 @!p1 s15, $0xD;
	s17 =	sand.u32 @!p1 $0x3FFF0, s17;
	s18 =	sadd.s32 @!p1 s6, s16  }
0x1c: {  	s16 =	sadd.s32 @!p1 s16, s7;
	s15 =	sand.u32 @!p1 $0x2000, s15;
	s18 =	sadd.s32 @!p1 s17, s18  }
0x1d: {  	[tilespmem:s15], [sflag:$0x1] =	stream.strided.gather @!p1 [hbm4b:s18+s19], $0x1000, s20, s19, $0x38;
	[tilespmem:$0x8080] =	vst v63  }
0x1e: {  	s31 =	sadd.s32 $0xFFFFFFFF, s12;
	s16 =	sadd.s32 @!p1 s17, s16;
	s15 =	sor.u32 @!p1 $0x1000, s15  }
0x1f: {  	[tilespmem:s15], [sflag:$0x1] =	stream.strided.gather @!p1 [hbm4b:s16+s19], $0x1000, s20, s19, $0x38;
	[tilespmem:$0x8080] =	vst v63  }
0x20: {  	p1 =	sge.u32 s31, s5  }
.Ltmp2:
0x21: {  	_ = 	snop;
	(pc) =	sbr.rel @p1 .LBB1_7-.Ltmp2, $1  }
0x22: {  	_ =	sdelay $0x3  }
0x23: {  	s15 =	simm.s32 $0x1;
	s17 =	sand.u32 $0x1, s12  }
0x24: {  	_ =	swait.ge [sflag:s4], $0x2000;
	s15 =	simm.s32 @!p0 $0x0;
	s17 =	smul.u32 $0x8100, s17  }
0x25: {  	p2 =	por $0x1, $0x1;
	[sflag:s4] =	ssyncset.done $0x0;
	s16 =	smul.u32 $0x8100, s15  }
0x26: {  	s18 =	sshll.u32 s15, $0xF;
	[sflag:s4] =	ssyncadd.s32 $0xFFFFE000;
	s30 =	sshrl.u32 s17, $0x2  }
0x27: {  	s31 =	sshrl.u32 s18, $0x2;
	s18 =	simm.s32 $0x0;
	s16 =	sshrl.u32 s16, $0x2  }
0x28: {  	s15 =	sor.u32 $0x4000, s30;
	s17 =	sadd.s32 $0x10, s31;
	s16 =	sor.u32 $0x4000, s16  }
.LBB1_3:
0x29: {  	s19 =	sshll.u32 s18, $0xC  }
0x2a: {  	s19 =	sand.u32 $0x3FFFF000, s19  }
0x2b: {  	s20 =	sadd.s32 s19, s17  }
0x2c: {  	s31 =	smul.u32 $0x4080, s18;
	v1 =	vld [tilespmem:s20+$0x0]  }
0x2d: {  	v0 =	vld [tilespmem:s20+$0xFFFFFFF0]  }
0x2e: {  	s18 =	sshra.s32 s31, $0x2  }
0x2f: {  	s18 =	sadd.s32 s18, s16  }
0x30: {  	s21 =	sadd.s32 $0x0, s18  }
0x31: {  	p1 =	por p2, p2;
	s19 =	simm.s32 $0x4;
	s20 =	sadd.s32 $0x20, s20;
	[tilespmem:s21+$0x810 ss:$0x81] =	vst.msk $0xffff, v1  }
.LBB1_4:
0x32: {  	v1 =	vld [tilespmem:s20+$0x0];
	p2 =	sne.s32 s19, $0x1FC;
	[tilespmem:s21+$0x0 ss:$0x81] =	vst.msk $0xffff, v0;
	s21 =	smov.u32 s19;
	s19 =	sadd.s32 $0x4, s19  }
.Ltmp3:
0x33: {  	v0 =	vld [tilespmem:s20+$0xFFFFFFF0];
	(pc) =	sbr.rel @p2 .LBB1_4-.Ltmp3, $4  }
0x34: {  	_ = 	snop  }
0x35: {  	s21 =	sshra.s32 s21, $0x2  }
0x36: {  	s21 =	sadd.s32 s21, s18  }
0x37: {  	s20 =	sadd.s32 $0x20, s20;
	[tilespmem:s21+$0x810 ss:$0x81] =	vst.msk $0xffff, v1  }
.Ltmp4:
0x38: {  	(pc) =	sbr.rel @p1 .LBB1_3-.Ltmp4, $2  }
0x39: {  	_ =	sdelay $0x2  }
0x3a: {  	[tilespmem:s21+$0x0 ss:$0x81] =	vst.msk $0xffff, v0;
	s18 =	simm.s32 $0x1;
	p2 =	por $0x0, $0x0  }
0x3b: {  	s16 =	sshll.u32 s13, $0x3;
	s17 =	sand.u32 $0x78, s13;
	s14 =	sshll.u32 s14, $0x10  }
.Ltmp5:
0x3c: {  	s30 =	sand.u32 $0xF800, s13;
	s16 =	sand.u32 $0x3C00, s16;
	(pc) =	sbr.rel .LBB1_7-.Ltmp5, $4  }
0x3d: {  	s31 =	sand.u32 $0x7, s13;
	s14 =	sadd.s32 s3, s14;
	s16 =	sor.u32 s17, s16  }
0x3e: {  	s13 =	sshll.u32 s31, $0x12;
	s14 =	sadd.s32 s30, s14;
	s16 =	sshrl.u32 s16, $0x3  }
0x3f: {  	s13 =	sor.u32 $0x400, s13;
	s14 =	sadd.s32 s16, s14  }
0x40: {  	[hbm4b:s14+s13] =	stream.strided.scatter [tilespmem:s15], [sflag:$0x2], $0x2000, s9, s13, $0x20;
	[tilespmem:$0x8080] =	vst v63  }
.LBB1_8:
0x41: {  	_ =	sfence.sel $0x180000  }
0x42: {  	s2 =	simm.s32 $0x1;
	[bflag:$0x0] =	sbarrier.arrive $0xFFFF  }
0x43: {  	s31 =	simm.s32 $0x2;
	[sflag:s2] =	ssyncpa.u1 $0x1  }
0x44: {  	[sflag:s31] =	ssyncpa.u1 $0x1  }
0x45: {  	p0 =	sne.s32 s0, $0x0;
	_ =	strace $0x9000004A  }
0x46: {  	s0 =	sadd.s32 @!p0 $0x100000, s1;
	[bflag:$0x2] =	sbarrier.arrive $0xFFFF  }
0x47: {  	[sflag:s0] =	ssyncadd.tile.s32 @!p0 $0x1;
	_ =	shalt  }
.Lfunc_end1:
_tile_overlayer_lowered:
.L_overlay_start_2:
0x48: {  	(tag) =	ssettag $0x2  }
0x49: {  	s0 =	rddreg [dreg:$0x0];
	s2 =	stileid.u32  }
0x4a: {  	s1 =	rddreg [dreg:$0x1];
	p0 =	sne.s32 s2, $0x0  }
0x4b: {  	s3 =	rddreg [dreg:$0x2];
	[bflag:$0x3] =	sbarrier.arrive $0xFFFF;
	s2 =	simm.s32 @!p0 $0x1C01  }
0x4c: {  	[timem:s3], [sflag:s2] =	dma.local @!p0 [hbm:s0], s1  }
0x4d: {  	s0 =	simm.s32 @!p0 $0x1  }
0x4e: {  	_ =	swait.ge @!p0 [sflag:s0], s1  }
0x4f: {  	s1 =	ssub.s32 @!p0 $0x0, s1;
	[sflag:s0] =	ssyncset.done @!p0 $0x0  }
0x50: {  	[sflag:s0] =	ssyncadd.s32 @!p0 s1  }
0x51: {  	[bflag:$0x3] =	sbarrier.arrive $0xFFFF  }
0x52: {  	_ =	shalt  }

</sc_bundles>
